<compile_context>
chip_gen: v7x
topology: tpu7x:2x2x1
jax: 0.10.2.dev20260603
libtpu: 0.0.44.dev20260713+nightly
codegen_flags: <defaults>
</compile_context>

<pallas_src>
import jax
import jax.numpy as jnp
from jax import lax
from jax.experimental import pallas as pl
from jax.experimental.pallas import tpu as pltpu
from jax.experimental.pallas import tpu_sc as plsc

BATCH = 4096
HIST = 200
WORD_DIM = 64
AGE_DIM = 32
OUT_DIM = WORD_DIM + AGE_DIM

NTOK = BATCH * HIST
IDXW = 128
NROWS = NTOK // IDXW
NWORKERS = 32
ROWS_PER_W = NROWS // NWORKERS
RPC = 2
CHUNK = RPC * IDXW
NCHUNKS = ROWS_PER_W // RPC
NSLOT = 4


def _body(widx_hbm, aidx_hbm, wtab_hbm, atab_hbm, out_hbm,
          widx_v, aidx_v, wrows_v, arows_v,
          isem0, isem1, isem2, isem3,
          gsem0, gsem1, gsem2, gsem3,
          wsem0, wsem1, wsem2, wsem3):
    cid = lax.axis_index("c")
    sid = lax.axis_index("s")
    wid = sid * 2 + cid
    row_base = wid * ROWS_PER_W
    isems = (isem0, isem1, isem2, isem3)
    gsems = (gsem0, gsem1, gsem2, gsem3)
    wsems = (wsem0, wsem1, wsem2, wsem3)

    def start_idx(i, s):
        r = row_base + i * RPC
        pltpu.async_copy(widx_hbm.at[pl.ds(r, RPC)], widx_v.at[s], isems[s])
        pltpu.async_copy(aidx_hbm.at[pl.ds(r, RPC)], aidx_v.at[s], isems[s])

    def wait_idx(s):
        pltpu.make_async_copy(
            widx_hbm.at[pl.ds(0, RPC)], widx_v.at[s], isems[s]).wait()
        pltpu.make_async_copy(
            aidx_hbm.at[pl.ds(0, RPC)], aidx_v.at[s], isems[s]).wait()

    def fire_gathers(s):
        for j in range(RPC):
            pltpu.async_copy(wtab_hbm.at[widx_v.at[s, j]],
                             wrows_v.at[s, j], gsems[s])
            pltpu.async_copy(atab_hbm.at[aidx_v.at[s, j]],
                             arows_v.at[s, j], gsems[s])

    def wait_gathers(s):
        pltpu.make_async_copy(
            out_hbm.at[pl.ds(0, RPC), :, pl.ds(0, WORD_DIM)],
            wrows_v.at[s], gsems[s]).wait()
        pltpu.make_async_copy(
            out_hbm.at[pl.ds(0, RPC), :, pl.ds(WORD_DIM, AGE_DIM)],
            arows_v.at[s], gsems[s]).wait()

    def start_write(i, s):
        r = row_base + i * RPC
        pltpu.async_copy(
            wrows_v.at[s],
            out_hbm.at[pl.ds(r, RPC), :, pl.ds(0, WORD_DIM)], wsems[s])
        pltpu.async_copy(
            arows_v.at[s],
            out_hbm.at[pl.ds(r, RPC), :, pl.ds(WORD_DIM, AGE_DIM)], wsems[s])

    def wait_write(s):
        pltpu.make_async_copy(
            wrows_v.at[s],
            out_hbm.at[pl.ds(0, RPC), :, pl.ds(0, WORD_DIM)], wsems[s]).wait()
        pltpu.make_async_copy(
            arows_v.at[s],
            out_hbm.at[pl.ds(0, RPC), :, pl.ds(WORD_DIM, AGE_DIM)],
            wsems[s]).wait()

    start_idx(0, 0)
    start_idx(1, 1)
    wait_idx(0)
    fire_gathers(0)
    start_idx(2, 2)
    wait_idx(1)
    fire_gathers(1)
    start_idx(3, 3)
    wait_idx(2)
    fire_gathers(2)
    wait_gathers(0)
    start_write(0, 0)
    start_idx(4, 0)
    wait_idx(3)
    fire_gathers(3)
    wait_gathers(1)
    start_write(1, 1)
    start_idx(5, 1)

    def step4(t, carry):
        for k in range(4):
            i = 4 + 4 * t + k
            s = k
            wait_write(s)
            wait_idx(s)
            fire_gathers(s)
            sp = (k + 2) % 4
            wait_gathers(sp)
            start_write(i - 2, sp)
            start_idx(jnp.minimum(i + 2, NCHUNKS - 1), sp)
        return carry

    lax.fori_loop(0, (NCHUNKS - 4) // 4, step4, 0)

    wait_gathers(2)
    start_write(NCHUNKS - 2, 2)
    wait_gathers(3)
    start_write(NCHUNKS - 1, 3)
    wait_write(0)
    wait_write(1)
    wait_write(2)
    wait_write(3)
    wait_idx(0)
    wait_idx(1)


@jax.jit
def _embed(widx, aidx, word_table, age_table):
    kern = pl.kernel(
        _body,
        out_type=jax.ShapeDtypeStruct((NROWS, IDXW, OUT_DIM), jnp.float32),
        mesh=plsc.VectorSubcoreMesh(core_axis_name="c", subcore_axis_name="s"),
        scratch_types=[
            pltpu.VMEM((NSLOT, RPC, IDXW), jnp.int32),
            pltpu.VMEM((NSLOT, RPC, IDXW), jnp.int32),
            pltpu.VMEM((NSLOT, RPC, IDXW, WORD_DIM), jnp.float32),
            pltpu.VMEM((NSLOT, RPC, IDXW, AGE_DIM), jnp.float32),
        ] + [pltpu.SemaphoreType.DMA] * 12,
        compiler_params=pltpu.CompilerParams(use_tc_tiling_on_sc=False),
    )
    return kern(widx, aidx, word_table, age_table)


def kernel(word, age, word_table, age_table):
    widx = word.astype(jnp.int32).reshape(NROWS, IDXW)
    aidx = age.astype(jnp.int32).reshape(NROWS, IDXW)
    out = _embed(widx, aidx, word_table, age_table)
    return out.reshape(BATCH, HIST, OUT_DIM)

# --- scband reference (transcript-rebuilt; emitter-appended) ---
"""Pipeline reference for scband-embedding-6210522710466 (READ-ONLY COPY).

The authoritative reference and input builder live on the scoring server;
editing this copy changes nothing except your own understanding.
"""

import jax, jax.numpy as jnp
import numpy as np

VOCAB_DIM = 1000000
WORD_EMBED_DIM = 64
AGE_VOCAB = 93
AGE_EMBED_DIM = 32
BATCH = 4096
HIST = 200

def setup_inputs(seed: int = 0) -> dict:
    key = jax.random.key(seed)
    k1, k2, k3, k4 = jax.random.split(key, 4)
    word = jax.random.randint(k1, (BATCH, HIST), 0, VOCAB_DIM, dtype=jnp.int64 if jax.config.jax_enable_x64 else jnp.int32)
    age = jax.random.randint(k2, (BATCH, HIST), 0, AGE_VOCAB, dtype=jnp.int64 if jax.config.jax_enable_x64 else jnp.int32)
    # learned parameters: embedding tables sized per init config
    word_table = jax.random.normal(k3, (VOCAB_DIM + 2, WORD_EMBED_DIM), dtype=jnp.float32) * 0.05
    age_table = jax.random.normal(k4, (AGE_VOCAB, AGE_EMBED_DIM), dtype=jnp.float32) * 0.05
    return {"word": word, "age": age, "word_table": word_table, "age_table": age_table}

def reference(word, age, word_table, age_table):
    # year = self.age_embed(age)
    year = jnp.take(age_table, age, axis=0)
    # word = self.word_embed(word)
    word_emb = jnp.take(word_table, word, axis=0)
    # output = tf.concat((word, year), axis=-1)
    output = jnp.concatenate((word_emb, year), axis=-1)
    return output

if __name__ == "__main__":
    import jax
    _d = setup_inputs()
    print(jax.jit(kernel)(*tuple(_d.values())))

</pallas_src>

<mosaic_0001>
#map = affine_map<(d0, d1) -> (0, 0)>
#map1 = affine_map<(d0, d1) -> (0, 0, 0)>
module attributes {stable_mosaic.version = 14 : i64} {
  func.func @_body(%arg0: i32, %arg1: i32, %arg2: memref<6400x128xi32, #tpu.memory_space<hbm>>, %arg3: memref<6400x128xi32, #tpu.memory_space<hbm>>, %arg4: memref<1000002x64xf32, #tpu.memory_space<hbm>>, %arg5: memref<93x32xf32, #tpu.memory_space<hbm>>, %arg6: memref<6400x128x96xf32, #tpu.memory_space<hbm>>, %arg7: memref<4x2x128xi32, #tpu.memory_space<vmem>>, %arg8: memref<4x2x128xi32, #tpu.memory_space<vmem>>, %arg9: memref<4x2x128x64xf32, #tpu.memory_space<vmem>>, %arg10: memref<4x2x128x32xf32, #tpu.memory_space<vmem>>, %arg11: memref<!tpu.dma_semaphore, #tpu.memory_space<semaphore_mem>>, %arg12: memref<!tpu.dma_semaphore, #tpu.memory_space<semaphore_mem>>, %arg13: memref<!tpu.dma_semaphore, #tpu.memory_space<semaphore_mem>>, %arg14: memref<!tpu.dma_semaphore, #tpu.memory_space<semaphore_mem>>, %arg15: memref<!tpu.dma_semaphore, #tpu.memory_space<semaphore_mem>>, %arg16: memref<!tpu.dma_semaphore, #tpu.memory_space<semaphore_mem>>, %arg17: memref<!tpu.dma_semaphore, #tpu.memory_space<semaphore_mem>>, %arg18: memref<!tpu.dma_semaphore, #tpu.memory_space<semaphore_mem>>, %arg19: memref<!tpu.dma_semaphore, #tpu.memory_space<semaphore_mem>>, %arg20: memref<!tpu.dma_semaphore, #tpu.memory_space<semaphore_mem>>, %arg21: memref<!tpu.dma_semaphore, #tpu.memory_space<semaphore_mem>>, %arg22: memref<!tpu.dma_semaphore, #tpu.memory_space<semaphore_mem>>) attributes {dimension_semantics = [#tpu.dimension_semantics<core_parallel>, #tpu.dimension_semantics<subcore_parallel>], iteration_bounds = array<i64: 2, 16>, scalar_prefetch = 0 : i64, scratch_operands = 16 : i64, tpu.core_type = #tpu.core_type<sc_vector_subcore>, window_params = [{transform_indices = #map}, {transform_indices = #map}, {transform_indices = #map}, {transform_indices = #map}, {transform_indices = #map1}]} {
    %mul3A = arith.constant 2 : i32
    %mul3A_0 = arith.muli %arg1, %mul3A : i32
    %add3A = arith.addi %mul3A_0, %arg0 : i32
    %mul3A_1 = arith.constant 200 : i32
    %mul3A_2 = arith.muli %add3A, %mul3A_1 : i32
    %add3A_3 = arith.constant 0 : i32
    %add3A_4 = arith.addi %mul3A_2, %add3A_3 : i32
    %dma_start3A = arith.constant 0 : i32
    %dma_start3A_5 = arith.constant 0 : i32
    %dma_start3A_6 = arith.constant 0 : i32
    %dma_start3A_7 = tpu.memref_slice %arg7[%dma_start3A, %dma_start3A_5, %dma_start3A_6] : memref<4x2x128xi32, #tpu.memory_space<vmem>> -> memref<1x2x128xi32, #tpu.memory_space<vmem>>
    %dma_start3A_8 = tpu.memref_squeeze %dma_start3A_7 : memref<1x2x128xi32, #tpu.memory_space<vmem>> -> memref<2x128xi32, #tpu.memory_space<vmem>>
    %dma_start3A_9 = arith.constant 0 : i32
    %dma_start3A_10 = tpu.memref_slice %arg2[%add3A_4, %dma_start3A_9] : memref<6400x128xi32, #tpu.memory_space<hbm>> -> memref<2x128xi32, #tpu.memory_space<hbm>>
    %dma_start3A_11 = arith.constant 0 : i32
    %dma_start3A_12 = arith.constant 0 : i32
    %dma_start3A_13 = tpu.memref_slice %arg7[%dma_start3A, %dma_start3A_11, %dma_start3A_12] : memref<4x2x128xi32, #tpu.memory_space<vmem>> -> memref<1x2x128xi32, #tpu.memory_space<vmem>>
    %dma_start3A_14 = tpu.memref_squeeze %dma_start3A_13 : memref<1x2x128xi32, #tpu.memory_space<vmem>> -> memref<2x128xi32, #tpu.memory_space<vmem>>
    %dma_start3A_15 = arith.constant 0 : i32
    %dma_start3A_16 = tpu.memref_slice %arg2[%add3A_4, %dma_start3A_15] : memref<6400x128xi32, #tpu.memory_space<hbm>> -> memref<2x128xi32, #tpu.memory_space<hbm>>
    tpu.enqueue_dma source(%dma_start3A_16 : memref<2x128xi32, #tpu.memory_space<hbm>>) target(%dma_start3A_14 : memref<2x128xi32, #tpu.memory_space<vmem>>) target_semaphore(%arg11 : memref<!tpu.dma_semaphore, #tpu.memory_space<semaphore_mem>>)
    %dma_start3A_17 = arith.constant 0 : i32
    %dma_start3A_18 = arith.constant 0 : i32
    %dma_start3A_19 = arith.constant 0 : i32
    %dma_start3A_20 = tpu.memref_slice %arg8[%dma_start3A_17, %dma_start3A_18, %dma_start3A_19] : memref<4x2x128xi32, #tpu.memory_space<vmem>> -> memref<1x2x128xi32, #tpu.memory_space<vmem>>
    %dma_start3A_21 = tpu.memref_squeeze %dma_start3A_20 : memref<1x2x128xi32, #tpu.memory_space<vmem>> -> memref<2x128xi32, #tpu.memory_space<vmem>>
    %dma_start3A_22 = arith.constant 0 : i32
    %dma_start3A_23 = tpu.memref_slice %arg3[%add3A_4, %dma_start3A_22] : memref<6400x128xi32, #tpu.memory_space<hbm>> -> memref<2x128xi32, #tpu.memory_space<hbm>>
    %dma_start3A_24 = arith.constant 0 : i32
    %dma_start3A_25 = arith.constant 0 : i32
    %dma_start3A_26 = tpu.memref_slice %arg8[%dma_start3A_17, %dma_start3A_24, %dma_start3A_25] : memref<4x2x128xi32, #tpu.memory_space<vmem>> -> memref<1x2x128xi32, #tpu.memory_space<vmem>>
    %dma_start3A_27 = tpu.memref_squeeze %dma_start3A_26 : memref<1x2x128xi32, #tpu.memory_space<vmem>> -> memref<2x128xi32, #tpu.memory_space<vmem>>
    %dma_start3A_28 = arith.constant 0 : i32
    %dma_start3A_29 = tpu.memref_slice %arg3[%add3A_4, %dma_start3A_28] : memref<6400x128xi32, #tpu.memory_space<hbm>> -> memref<2x128xi32, #tpu.memory_space<hbm>>
    tpu.enqueue_dma source(%dma_start3A_29 : memref<2x128xi32, #tpu.memory_space<hbm>>) target(%dma_start3A_27 : memref<2x128xi32, #tpu.memory_space<vmem>>) target_semaphore(%arg11 : memref<!tpu.dma_semaphore, #tpu.memory_space<semaphore_mem>>)
    %add3A_30 = arith.constant 2 : i32
    %add3A_31 = arith.addi %mul3A_2, %add3A_30 : i32
    %dma_start3A_32 = arith.constant 1 : i32
    %dma_start3A_33 = arith.constant 0 : i32
    %dma_start3A_34 = arith.constant 0 : i32
    %dma_start3A_35 = tpu.memref_slice %arg7[%dma_start3A_32, %dma_start3A_33, %dma_start3A_34] : memref<4x2x128xi32, #tpu.memory_space<vmem>> -> memref<1x2x128xi32, #tpu.memory_space<vmem>>
    %dma_start3A_36 = tpu.memref_squeeze %dma_start3A_35 : memref<1x2x128xi32, #tpu.memory_space<vmem>> -> memref<2x128xi32, #tpu.memory_space<vmem>>
    %dma_start3A_37 = arith.constant 0 : i32
    %dma_start3A_38 = tpu.memref_slice %arg2[%add3A_31, %dma_start3A_37] : memref<6400x128xi32, #tpu.memory_space<hbm>> -> memref<2x128xi32, #tpu.memory_space<hbm>>
    %dma_start3A_39 = arith.constant 0 : i32
    %dma_start3A_40 = arith.constant 0 : i32
    %dma_start3A_41 = tpu.memref_slice %arg7[%dma_start3A_32, %dma_start3A_39, %dma_start3A_40] : memref<4x2x128xi32, #tpu.memory_space<vmem>> -> memref<1x2x128xi32, #tpu.memory_space<vmem>>
    %dma_start3A_42 = tpu.memref_squeeze %dma_start3A_41 : memref<1x2x128xi32, #tpu.memory_space<vmem>> -> memref<2x128xi32, #tpu.memory_space<vmem>>
    %dma_start3A_43 = arith.constant 0 : i32
    %dma_start3A_44 = tpu.memref_slice %arg2[%add3A_31, %dma_start3A_43] : memref<6400x128xi32, #tpu.memory_space<hbm>> -> memref<2x128xi32, #tpu.memory_space<hbm>>
    tpu.enqueue_dma source(%dma_start3A_44 : memref<2x128xi32, #tpu.memory_space<hbm>>) target(%dma_start3A_42 : memref<2x128xi32, #tpu.memory_space<vmem>>) target_semaphore(%arg12 : memref<!tpu.dma_semaphore, #tpu.memory_space<semaphore_mem>>)
    %dma_start3A_45 = arith.constant 1 : i32
    %dma_start3A_46 = arith.constant 0 : i32
    %dma_start3A_47 = arith.constant 0 : i32
    %dma_start3A_48 = tpu.memref_slice %arg8[%dma_start3A_45, %dma_start3A_46, %dma_start3A_47] : memref<4x2x128xi32, #tpu.memory_space<vmem>> -> memref<1x2x128xi32, #tpu.memory_space<vmem>>
    %dma_start3A_49 = tpu.memref_squeeze %dma_start3A_48 : memref<1x2x128xi32, #tpu.memory_space<vmem>> -> memref<2x128xi32, #tpu.memory_space<vmem>>
    %dma_start3A_50 = arith.constant 0 : i32
    %dma_start3A_51 = tpu.memref_slice %arg3[%add3A_31, %dma_start3A_50] : memref<6400x128xi32, #tpu.memory_space<hbm>> -> memref<2x128xi32, #tpu.memory_space<hbm>>
    %dma_start3A_52 = arith.constant 0 : i32
    %dma_start3A_53 = arith.constant 0 : i32
    %dma_start3A_54 = tpu.memref_slice %arg8[%dma_start3A_45, %dma_start3A_52, %dma_start3A_53] : memref<4x2x128xi32, #tpu.memory_space<vmem>> -> memref<1x2x128xi32, #tpu.memory_space<vmem>>
    %dma_start3A_55 = tpu.memref_squeeze %dma_start3A_54 : memref<1x2x128xi32, #tpu.memory_space<vmem>> -> memref<2x128xi32, #tpu.memory_space<vmem>>
    %dma_start3A_56 = arith.constant 0 : i32
    %dma_start3A_57 = tpu.memref_slice %arg3[%add3A_31, %dma_start3A_56] : memref<6400x128xi32, #tpu.memory_space<hbm>> -> memref<2x128xi32, #tpu.memory_space<hbm>>
    tpu.enqueue_dma source(%dma_start3A_57 : memref<2x128xi32, #tpu.memory_space<hbm>>) target(%dma_start3A_55 : memref<2x128xi32, #tpu.memory_space<vmem>>) target_semaphore(%arg12 : memref<!tpu.dma_semaphore, #tpu.memory_space<semaphore_mem>>)
    %dma_wait3A = arith.constant 0 : i32
    %dma_wait3A_58 = arith.constant 0 : i32
    %dma_wait3A_59 = arith.constant 0 : i32
    %dma_wait3A_60 = tpu.memref_slice %arg7[%dma_wait3A, %dma_wait3A_58, %dma_wait3A_59] : memref<4x2x128xi32, #tpu.memory_space<vmem>> -> memref<1x2x128xi32, #tpu.memory_space<vmem>>
    %dma_wait3A_61 = tpu.memref_squeeze %dma_wait3A_60 : memref<1x2x128xi32, #tpu.memory_space<vmem>> -> memref<2x128xi32, #tpu.memory_space<vmem>>
    %dma_wait3A_62 = arith.constant 0 : i32
    %dma_wait3A_63 = arith.constant 0 : i32
    %dma_wait3A_64 = tpu.memref_slice %arg2[%dma_wait3A_62, %dma_wait3A_63] : memref<6400x128xi32, #tpu.memory_space<hbm>> -> memref<2x128xi32, #tpu.memory_space<hbm>>
    %dma_wait3A_65 = arith.constant 0 : i32
    %dma_wait3A_66 = arith.constant 0 : i32
    %dma_wait3A_67 = tpu.memref_slice %arg7[%dma_wait3A, %dma_wait3A_65, %dma_wait3A_66] : memref<4x2x128xi32, #tpu.memory_space<vmem>> -> memref<1x2x128xi32, #tpu.memory_space<vmem>>
    %dma_wait3A_68 = tpu.memref_squeeze %dma_wait3A_67 : memref<1x2x128xi32, #tpu.memory_space<vmem>> -> memref<2x128xi32, #tpu.memory_space<vmem>>
    %dma_wait3A_69 = arith.constant 0 : i32
    %dma_wait3A_70 = arith.constant 0 : i32
    %dma_wait3A_71 = tpu.memref_slice %arg2[%dma_wait3A_69, %dma_wait3A_70] : memref<6400x128xi32, #tpu.memory_space<hbm>> -> memref<2x128xi32, #tpu.memory_space<hbm>>
    tpu.wait_dma2 semaphore(%arg11 : memref<!tpu.dma_semaphore, #tpu.memory_space<semaphore_mem>>) src(%dma_wait3A_71 : memref<2x128xi32, #tpu.memory_space<hbm>>) dst(%dma_wait3A_68 : memref<2x128xi32, #tpu.memory_space<vmem>>)
    %dma_wait3A_72 = arith.constant 0 : i32
    %dma_wait3A_73 = arith.constant 0 : i32
    %dma_wait3A_74 = arith.constant 0 : i32
    %dma_wait3A_75 = tpu.memref_slice %arg8[%dma_wait3A_72, %dma_wait3A_73, %dma_wait3A_74] : memref<4x2x128xi32, #tpu.memory_space<vmem>> -> memref<1x2x128xi32, #tpu.memory_space<vmem>>
    %dma_wait3A_76 = tpu.memref_squeeze %dma_wait3A_75 : memref<1x2x128xi32, #tpu.memory_space<vmem>> -> memref<2x128xi32, #tpu.memory_space<vmem>>
    %dma_wait3A_77 = arith.constant 0 : i32
    %dma_wait3A_78 = arith.constant 0 : i32
    %dma_wait3A_79 = tpu.memref_slice %arg3[%dma_wait3A_77, %dma_wait3A_78] : memref<6400x128xi32, #tpu.memory_space<hbm>> -> memref<2x128xi32, #tpu.memory_space<hbm>>
    %dma_wait3A_80 = arith.constant 0 : i32
    %dma_wait3A_81 = arith.constant 0 : i32
    %dma_wait3A_82 = tpu.memref_slice %arg8[%dma_wait3A_72, %dma_wait3A_80, %dma_wait3A_81] : memref<4x2x128xi32, #tpu.memory_space<vmem>> -> memref<1x2x128xi32, #tpu.memory_space<vmem>>
    %dma_wait3A_83 = tpu.memref_squeeze %dma_wait3A_82 : memref<1x2x128xi32, #tpu.memory_space<vmem>> -> memref<2x128xi32, #tpu.memory_space<vmem>>
    %dma_wait3A_84 = arith.constant 0 : i32
    %dma_wait3A_85 = arith.constant 0 : i32
    %dma_wait3A_86 = tpu.memref_slice %arg3[%dma_wait3A_84, %dma_wait3A_85] : memref<6400x128xi32, #tpu.memory_space<hbm>> -> memref<2x128xi32, #tpu.memory_space<hbm>>
    tpu.wait_dma2 semaphore(%arg11 : memref<!tpu.dma_semaphore, #tpu.memory_space<semaphore_mem>>) src(%dma_wait3A_86 : memref<2x128xi32, #tpu.memory_space<hbm>>) dst(%dma_wait3A_83 : memref<2x128xi32, #tpu.memory_space<vmem>>)
    %dma_start3A_87 = arith.constant 0 : i32
    %dma_start3A_88 = arith.constant 0 : i32
    %dma_start3A_89 = arith.constant 0 : i32
    %dma_start3A_90 = arith.constant 0 : i32
    %dma_start3A_91 = arith.constant 0 : i32
    %dma_start3A_92 = arith.constant 0 : i32
    %dma_start3A_93 = tpu.memref_slice %arg9[%dma_start3A_89, %dma_start3A_90, %dma_start3A_91, %dma_start3A_92] : memref<4x2x128x64xf32, #tpu.memory_space<vmem>> -> memref<1x1x128x64xf32, #tpu.memory_space<vmem>>
    %dma_start3A_94 = tpu.memref_squeeze %dma_start3A_93 : memref<1x1x128x64xf32, #tpu.memory_space<vmem>> -> memref<128x64xf32, #tpu.memory_space<vmem>>
    %dma_start3A_95 = arith.constant 0 : i32
    %dma_start3A_96 = tpu.memref_slice %arg7[%dma_start3A_87, %dma_start3A_88, %dma_start3A_95] : memref<4x2x128xi32, #tpu.memory_space<vmem>> -> memref<1x1x128xi32, #tpu.memory_space<vmem>>
    %dma_start3A_97 = tpu.memref_squeeze %dma_start3A_96 : memref<1x1x128xi32, #tpu.memory_space<vmem>> -> memref<128xi32, #tpu.memory_space<vmem>>
    %dma_start3A_98 = arith.constant 0 : i32
    %dma_start3A_99 = arith.constant 0 : i32
    %dma_start3A_100 = tpu.memref_slice %arg4[%dma_start3A_98, %dma_start3A_99] : memref<1000002x64xf32, #tpu.memory_space<hbm>> -> memref<1000002x64xf32, #tpu.memory_space<hbm>>
    tpu.enqueue_indirect_dma source(%dma_start3A_100 : memref<1000002x64xf32, #tpu.memory_space<hbm>>) target(%dma_start3A_94 : memref<128x64xf32, #tpu.memory_space<vmem>>) offsets(%dma_start3A_97 : memref<128xi32, #tpu.memory_space<vmem>>) semaphore(%arg15 : memref<!tpu.dma_semaphore, #tpu.memory_space<semaphore_mem>>)
    %dma_start3A_101 = arith.constant 0 : i32
    %dma_start3A_102 = arith.constant 0 : i32
    %dma_start3A_103 = arith.constant 0 : i32
    %dma_start3A_104 = arith.constant 0 : i32
    %dma_start3A_105 = arith.constant 0 : i32
    %dma_start3A_106 = arith.constant 0 : i32
    %dma_start3A_107 = tpu.memref_slice %arg10[%dma_start3A_103, %dma_start3A_104, %dma_start3A_105, %dma_start3A_106] : memref<4x2x128x32xf32, #tpu.memory_space<vmem>> -> memref<1x1x128x32xf32, #tpu.memory_space<vmem>>
    %dma_start3A_108 = tpu.memref_squeeze %dma_start3A_107 : memref<1x1x128x32xf32, #tpu.memory_space<vmem>> -> memref<128x32xf32, #tpu.memory_space<vmem>>
    %dma_start3A_109 = arith.constant 0 : i32
    %dma_start3A_110 = tpu.memref_slice %arg8[%dma_start3A_101, %dma_start3A_102, %dma_start3A_109] : memref<4x2x128xi32, #tpu.memory_space<vmem>> -> memref<1x1x128xi32, #tpu.memory_space<vmem>>
    %dma_start3A_111 = tpu.memref_squeeze %dma_start3A_110 : memref<1x1x128xi32, #tpu.memory_space<vmem>> -> memref<128xi32, #tpu.memory_space<vmem>>
    %dma_start3A_112 = arith.constant 0 : i32
    %dma_start3A_113 = arith.constant 0 : i32
    %dma_start3A_114 = tpu.memref_slice %arg5[%dma_start3A_112, %dma_start3A_113] : memref<93x32xf32, #tpu.memory_space<hbm>> -> memref<93x32xf32, #tpu.memory_space<hbm>>
    tpu.enqueue_indirect_dma source(%dma_start3A_114 : memref<93x32xf32, #tpu.memory_space<hbm>>) target(%dma_start3A_108 : memref<128x32xf32, #tpu.memory_space<vmem>>) offsets(%dma_start3A_111 : memref<128xi32, #tpu.memory_space<vmem>>) semaphore(%arg15 : memref<!tpu.dma_semaphore, #tpu.memory_space<semaphore_mem>>)
    %dma_start3A_115 = arith.constant 0 : i32
    %dma_start3A_116 = arith.constant 1 : i32
    %dma_start3A_117 = arith.constant 0 : i32
    %dma_start3A_118 = arith.constant 1 : i32
    %dma_start3A_119 = arith.constant 0 : i32
    %dma_start3A_120 = arith.constant 0 : i32
    %dma_start3A_121 = tpu.memref_slice %arg9[%dma_start3A_117, %dma_start3A_118, %dma_start3A_119, %dma_start3A_120] : memref<4x2x128x64xf32, #tpu.memory_space<vmem>> -> memref<1x1x128x64xf32, #tpu.memory_space<vmem>>
    %dma_start3A_122 = tpu.memref_squeeze %dma_start3A_121 : memref<1x1x128x64xf32, #tpu.memory_space<vmem>> -> memref<128x64xf32, #tpu.memory_space<vmem>>
    %dma_start3A_123 = arith.constant 0 : i32
    %dma_start3A_124 = tpu.memref_slice %arg7[%dma_start3A_115, %dma_start3A_116, %dma_start3A_123] : memref<4x2x128xi32, #tpu.memory_space<vmem>> -> memref<1x1x128xi32, #tpu.memory_space<vmem>>
    %dma_start3A_125 = tpu.memref_squeeze %dma_start3A_124 : memref<1x1x128xi32, #tpu.memory_space<vmem>> -> memref<128xi32, #tpu.memory_space<vmem>>
    %dma_start3A_126 = arith.constant 0 : i32
    %dma_start3A_127 = arith.constant 0 : i32
    %dma_start3A_128 = tpu.memref_slice %arg4[%dma_start3A_126, %dma_start3A_127] : memref<1000002x64xf32, #tpu.memory_space<hbm>> -> memref<1000002x64xf32, #tpu.memory_space<hbm>>
    tpu.enqueue_indirect_dma source(%dma_start3A_128 : memref<1000002x64xf32, #tpu.memory_space<hbm>>) target(%dma_start3A_122 : memref<128x64xf32, #tpu.memory_space<vmem>>) offsets(%dma_start3A_125 : memref<128xi32, #tpu.memory_space<vmem>>) semaphore(%arg15 : memref<!tpu.dma_semaphore, #tpu.memory_space<semaphore_mem>>)
    %dma_start3A_129 = arith.constant 0 : i32
    %dma_start3A_130 = arith.constant 1 : i32
    %dma_start3A_131 = arith.constant 0 : i32
    %dma_start3A_132 = arith.constant 1 : i32
    %dma_start3A_133 = arith.constant 0 : i32
    %dma_start3A_134 = arith.constant 0 : i32
    %dma_start3A_135 = tpu.memref_slice %arg10[%dma_start3A_131, %dma_start3A_132, %dma_start3A_133, %dma_start3A_134] : memref<4x2x128x32xf32, #tpu.memory_space<vmem>> -> memref<1x1x128x32xf32, #tpu.memory_space<vmem>>
    %dma_start3A_136 = tpu.memref_squeeze %dma_start3A_135 : memref<1x1x128x32xf32, #tpu.memory_space<vmem>> -> memref<128x32xf32, #tpu.memory_space<vmem>>
    %dma_start3A_137 = arith.constant 0 : i32
    %dma_start3A_138 = tpu.memref_slice %arg8[%dma_start3A_129, %dma_start3A_130, %dma_start3A_137] : memref<4x2x128xi32, #tpu.memory_space<vmem>> -> memref<1x1x128xi32, #tpu.memory_space<vmem>>
    %dma_start3A_139 = tpu.memref_squeeze %dma_start3A_138 : memref<1x1x128xi32, #tpu.memory_space<vmem>> -> memref<128xi32, #tpu.memory_space<vmem>>
    %dma_start3A_140 = arith.constant 0 : i32
    %dma_start3A_141 = arith.constant 0 : i32
    %dma_start3A_142 = tpu.memref_slice %arg5[%dma_start3A_140, %dma_start3A_141] : memref<93x32xf32, #tpu.memory_space<hbm>> -> memref<93x32xf32, #tpu.memory_space<hbm>>
    tpu.enqueue_indirect_dma source(%dma_start3A_142 : memref<93x32xf32, #tpu.memory_space<hbm>>) target(%dma_start3A_136 : memref<128x32xf32, #tpu.memory_space<vmem>>) offsets(%dma_start3A_139 : memref<128xi32, #tpu.memory_space<vmem>>) semaphore(%arg15 : memref<!tpu.dma_semaphore, #tpu.memory_space<semaphore_mem>>)
    %add3A_143 = arith.constant 4 : i32
    %add3A_144 = arith.addi %mul3A_2, %add3A_143 : i32
    %dma_start3A_145 = arith.constant 2 : i32
    %dma_start3A_146 = arith.constant 0 : i32
    %dma_start3A_147 = arith.constant 0 : i32
    %dma_start3A_148 = tpu.memref_slice %arg7[%dma_start3A_145, %dma_start3A_146, %dma_start3A_147] : memref<4x2x128xi32, #tpu.memory_space<vmem>> -> memref<1x2x128xi32, #tpu.memory_space<vmem>>
    %dma_start3A_149 = tpu.memref_squeeze %dma_start3A_148 : memref<1x2x128xi32, #tpu.memory_space<vmem>> -> memref<2x128xi32, #tpu.memory_space<vmem>>
    %dma_start3A_150 = arith.constant 0 : i32
    %dma_start3A_151 = tpu.memref_slice %arg2[%add3A_144, %dma_start3A_150] : memref<6400x128xi32, #tpu.memory_space<hbm>> -> memref<2x128xi32, #tpu.memory_space<hbm>>
    %dma_start3A_152 = arith.constant 0 : i32
    %dma_start3A_153 = arith.constant 0 : i32
    %dma_start3A_154 = tpu.memref_slice %arg7[%dma_start3A_145, %dma_start3A_152, %dma_start3A_153] : memref<4x2x128xi32, #tpu.memory_space<vmem>> -> memref<1x2x128xi32, #tpu.memory_space<vmem>>
    %dma_start3A_155 = tpu.memref_squeeze %dma_start3A_154 : memref<1x2x128xi32, #tpu.memory_space<vmem>> -> memref<2x128xi32, #tpu.memory_space<vmem>>
    %dma_start3A_156 = arith.constant 0 : i32
    %dma_start3A_157 = tpu.memref_slice %arg2[%add3A_144, %dma_start3A_156] : memref<6400x128xi32, #tpu.memory_space<hbm>> -> memref<2x128xi32, #tpu.memory_space<hbm>>
    tpu.enqueue_dma source(%dma_start3A_157 : memref<2x128xi32, #tpu.memory_space<hbm>>) target(%dma_start3A_155 : memref<2x128xi32, #tpu.memory_space<vmem>>) target_semaphore(%arg13 : memref<!tpu.dma_semaphore, #tpu.memory_space<semaphore_mem>>)
    %dma_start3A_158 = arith.constant 2 : i32
    %dma_start3A_159 = arith.constant 0 : i32
    %dma_start3A_160 = arith.constant 0 : i32
    %dma_start3A_161 = tpu.memref_slice %arg8[%dma_start3A_158, %dma_start3A_159, %dma_start3A_160] : memref<4x2x128xi32, #tpu.memory_space<vmem>> -> memref<1x2x128xi32, #tpu.memory_space<vmem>>
    %dma_start3A_162 = tpu.memref_squeeze %dma_start3A_161 : memref<1x2x128xi32, #tpu.memory_space<vmem>> -> memref<2x128xi32, #tpu.memory_space<vmem>>
    %dma_start3A_163 = arith.constant 0 : i32
    %dma_start3A_164 = tpu.memref_slice %arg3[%add3A_144, %dma_start3A_163] : memref<6400x128xi32, #tpu.memory_space<hbm>> -> memref<2x128xi32, #tpu.memory_space<hbm>>
    %dma_start3A_165 = arith.constant 0 : i32
    %dma_start3A_166 = arith.constant 0 : i32
    %dma_start3A_167 = tpu.memref_slice %arg8[%dma_start3A_158, %dma_start3A_165, %dma_start3A_166] : memref<4x2x128xi32, #tpu.memory_space<vmem>> -> memref<1x2x128xi32, #tpu.memory_space<vmem>>
    %dma_start3A_168 = tpu.memref_squeeze %dma_start3A_167 : memref<1x2x128xi32, #tpu.memory_space<vmem>> -> memref<2x128xi32, #tpu.memory_space<vmem>>
    %dma_start3A_169 = arith.constant 0 : i32
    %dma_start3A_170 = tpu.memref_slice %arg3[%add3A_144, %dma_start3A_169] : memref<6400x128xi32, #tpu.memory_space<hbm>> -> memref<2x128xi32, #tpu.memory_space<hbm>>
    tpu.enqueue_dma source(%dma_start3A_170 : memref<2x128xi32, #tpu.memory_space<hbm>>) target(%dma_start3A_168 : memref<2x128xi32, #tpu.memory_space<vmem>>) target_semaphore(%arg13 : memref<!tpu.dma_semaphore, #tpu.memory_space<semaphore_mem>>)
    %dma_wait3A_171 = arith.constant 1 : i32
    %dma_wait3A_172 = arith.constant 0 : i32
    %dma_wait3A_173 = arith.constant 0 : i32
    %dma_wait3A_174 = tpu.memref_slice %arg7[%dma_wait3A_171, %dma_wait3A_172, %dma_wait3A_173] : memref<4x2x128xi32, #tpu.memory_space<vmem>> -> memref<1x2x128xi32, #tpu.memory_space<vmem>>
    %dma_wait3A_175 = tpu.memref_squeeze %dma_wait3A_174 : memref<1x2x128xi32, #tpu.memory_space<vmem>> -> memref<2x128xi32, #tpu.memory_space<vmem>>
    %dma_wait3A_176 = arith.constant 0 : i32
    %dma_wait3A_177 = arith.constant 0 : i32
    %dma_wait3A_178 = tpu.memref_slice %arg2[%dma_wait3A_176, %dma_wait3A_177] : memref<6400x128xi32, #tpu.memory_space<hbm>> -> memref<2x128xi32, #tpu.memory_space<hbm>>
    %dma_wait3A_179 = arith.constant 0 : i32
    %dma_wait3A_180 = arith.constant 0 : i32
    %dma_wait3A_181 = tpu.memref_slice %arg7[%dma_wait3A_171, %dma_wait3A_179, %dma_wait3A_180] : memref<4x2x128xi32, #tpu.memory_space<vmem>> -> memref<1x2x128xi32, #tpu.memory_space<vmem>>
    %dma_wait3A_182 = tpu.memref_squeeze %dma_wait3A_181 : memref<1x2x128xi32, #tpu.memory_space<vmem>> -> memref<2x128xi32, #tpu.memory_space<vmem>>
    %dma_wait3A_183 = arith.constant 0 : i32
    %dma_wait3A_184 = arith.constant 0 : i32
    %dma_wait3A_185 = tpu.memref_slice %arg2[%dma_wait3A_183, %dma_wait3A_184] : memref<6400x128xi32, #tpu.memory_space<hbm>> -> memref<2x128xi32, #tpu.memory_space<hbm>>
    tpu.wait_dma2 semaphore(%arg12 : memref<!tpu.dma_semaphore, #tpu.memory_space<semaphore_mem>>) src(%dma_wait3A_185 : memref<2x128xi32, #tpu.memory_space<hbm>>) dst(%dma_wait3A_182 : memref<2x128xi32, #tpu.memory_space<vmem>>)
    %dma_wait3A_186 = arith.constant 1 : i32
    %dma_wait3A_187 = arith.constant 0 : i32
    %dma_wait3A_188 = arith.constant 0 : i32
    %dma_wait3A_189 = tpu.memref_slice %arg8[%dma_wait3A_186, %dma_wait3A_187, %dma_wait3A_188] : memref<4x2x128xi32, #tpu.memory_space<vmem>> -> memref<1x2x128xi32, #tpu.memory_space<vmem>>
    %dma_wait3A_190 = tpu.memref_squeeze %dma_wait3A_189 : memref<1x2x128xi32, #tpu.memory_space<vmem>> -> memref<2x128xi32, #tpu.memory_space<vmem>>
    %dma_wait3A_191 = arith.constant 0 : i32
    %dma_wait3A_192 = arith.constant 0 : i32
    %dma_wait3A_193 = tpu.memref_slice %arg3[%dma_wait3A_191, %dma_wait3A_192] : memref<6400x128xi32, #tpu.memory_space<hbm>> -> memref<2x128xi32, #tpu.memory_space<hbm>>
    %dma_wait3A_194 = arith.constant 0 : i32
    %dma_wait3A_195 = arith.constant 0 : i32
    %dma_wait3A_196 = tpu.memref_slice %arg8[%dma_wait3A_186, %dma_wait3A_194, %dma_wait3A_195] : memref<4x2x128xi32, #tpu.memory_space<vmem>> -> memref<1x2x128xi32, #tpu.memory_space<vmem>>
    %dma_wait3A_197 = tpu.memref_squeeze %dma_wait3A_196 : memref<1x2x128xi32, #tpu.memory_space<vmem>> -> memref<2x128xi32, #tpu.memory_space<vmem>>
    %dma_wait3A_198 = arith.constant 0 : i32
    %dma_wait3A_199 = arith.constant 0 : i32
    %dma_wait3A_200 = tpu.memref_slice %arg3[%dma_wait3A_198, %dma_wait3A_199] : memref<6400x128xi32, #tpu.memory_space<hbm>> -> memref<2x128xi32, #tpu.memory_space<hbm>>
    tpu.wait_dma2 semaphore(%arg12 : memref<!tpu.dma_semaphore, #tpu.memory_space<semaphore_mem>>) src(%dma_wait3A_200 : memref<2x128xi32, #tpu.memory_space<hbm>>) dst(%dma_wait3A_197 : memref<2x128xi32, #tpu.memory_space<vmem>>)
    %dma_start3A_201 = arith.constant 1 : i32
    %dma_start3A_202 = arith.constant 0 : i32
    %dma_start3A_203 = arith.constant 1 : i32
    %dma_start3A_204 = arith.constant 0 : i32
    %dma_start3A_205 = arith.constant 0 : i32
    %dma_start3A_206 = arith.constant 0 : i32
    %dma_start3A_207 = tpu.memref_slice %arg9[%dma_start3A_203, %dma_start3A_204, %dma_start3A_205, %dma_start3A_206] : memref<4x2x128x64xf32, #tpu.memory_space<vmem>> -> memref<1x1x128x64xf32, #tpu.memory_space<vmem>>
    %dma_start3A_208 = tpu.memref_squeeze %dma_start3A_207 : memref<1x1x128x64xf32, #tpu.memory_space<vmem>> -> memref<128x64xf32, #tpu.memory_space<vmem>>
    %dma_start3A_209 = arith.constant 0 : i32
    %dma_start3A_210 = tpu.memref_slice %arg7[%dma_start3A_201, %dma_start3A_202, %dma_start3A_209] : memref<4x2x128xi32, #tpu.memory_space<vmem>> -> memref<1x1x128xi32, #tpu.memory_space<vmem>>
    %dma_start3A_211 = tpu.memref_squeeze %dma_start3A_210 : memref<1x1x128xi32, #tpu.memory_space<vmem>> -> memref<128xi32, #tpu.memory_space<vmem>>
    %dma_start3A_212 = arith.constant 0 : i32
    %dma_start3A_213 = arith.constant 0 : i32
    %dma_start3A_214 = tpu.memref_slice %arg4[%dma_start3A_212, %dma_start3A_213] : memref<1000002x64xf32, #tpu.memory_space<hbm>> -> memref<1000002x64xf32, #tpu.memory_space<hbm>>
    tpu.enqueue_indirect_dma source(%dma_start3A_214 : memref<1000002x64xf32, #tpu.memory_space<hbm>>) target(%dma_start3A_208 : memref<128x64xf32, #tpu.memory_space<vmem>>) offsets(%dma_start3A_211 : memref<128xi32, #tpu.memory_space<vmem>>) semaphore(%arg16 : memref<!tpu.dma_semaphore, #tpu.memory_space<semaphore_mem>>)
    %dma_start3A_215 = arith.constant 1 : i32
    %dma_start3A_216 = arith.constant 0 : i32
    %dma_start3A_217 = arith.constant 1 : i32
    %dma_start3A_218 = arith.constant 0 : i32
    %dma_start3A_219 = arith.constant 0 : i32
    %dma_start3A_220 = arith.constant 0 : i32
    %dma_start3A_221 = tpu.memref_slice %arg10[%dma_start3A_217, %dma_start3A_218, %dma_start3A_219, %dma_start3A_220] : memref<4x2x128x32xf32, #tpu.memory_space<vmem>> -> memref<1x1x128x32xf32, #tpu.memory_space<vmem>>
    %dma_start3A_222 = tpu.memref_squeeze %dma_start3A_221 : memref<1x1x128x32xf32, #tpu.memory_space<vmem>> -> memref<128x32xf32, #tpu.memory_space<vmem>>
    %dma_start3A_223 = arith.constant 0 : i32
    %dma_start3A_224 = tpu.memref_slice %arg8[%dma_start3A_215, %dma_start3A_216, %dma_start3A_223] : memref<4x2x128xi32, #tpu.memory_space<vmem>> -> memref<1x1x128xi32, #tpu.memory_space<vmem>>
    %dma_start3A_225 = tpu.memref_squeeze %dma_start3A_224 : memref<1x1x128xi32, #tpu.memory_space<vmem>> -> memref<128xi32, #tpu.memory_space<vmem>>
    %dma_start3A_226 = arith.constant 0 : i32
    %dma_start3A_227 = arith.constant 0 : i32
    %dma_start3A_228 = tpu.memref_slice %arg5[%dma_start3A_226, %dma_start3A_227] : memref<93x32xf32, #tpu.memory_space<hbm>> -> memref<93x32xf32, #tpu.memory_space<hbm>>
    tpu.enqueue_indirect_dma source(%dma_start3A_228 : memref<93x32xf32, #tpu.memory_space<hbm>>) target(%dma_start3A_222 : memref<128x32xf32, #tpu.memory_space<vmem>>) offsets(%dma_start3A_225 : memref<128xi32, #tpu.memory_space<vmem>>) semaphore(%arg16 : memref<!tpu.dma_semaphore, #tpu.memory_space<semaphore_mem>>)
    %dma_start3A_229 = arith.constant 1 : i32
    %dma_start3A_230 = arith.constant 1 : i32
    %dma_start3A_231 = arith.constant 1 : i32
    %dma_start3A_232 = arith.constant 1 : i32
    %dma_start3A_233 = arith.constant 0 : i32
    %dma_start3A_234 = arith.constant 0 : i32
    %dma_start3A_235 = tpu.memref_slice %arg9[%dma_start3A_231, %dma_start3A_232, %dma_start3A_233, %dma_start3A_234] : memref<4x2x128x64xf32, #tpu.memory_space<vmem>> -> memref<1x1x128x64xf32, #tpu.memory_space<vmem>>
    %dma_start3A_236 = tpu.memref_squeeze %dma_start3A_235 : memref<1x1x128x64xf32, #tpu.memory_space<vmem>> -> memref<128x64xf32, #tpu.memory_space<vmem>>
    %dma_start3A_237 = arith.constant 0 : i32
    %dma_start3A_238 = tpu.memref_slice %arg7[%dma_start3A_229, %dma_start3A_230, %dma_start3A_237] : memref<4x2x128xi32, #tpu.memory_space<vmem>> -> memref<1x1x128xi32, #tpu.memory_space<vmem>>
    %dma_start3A_239 = tpu.memref_squeeze %dma_start3A_238 : memref<1x1x128xi32, #tpu.memory_space<vmem>> -> memref<128xi32, #tpu.memory_space<vmem>>
    %dma_start3A_240 = arith.constant 0 : i32
    %dma_start3A_241 = arith.constant 0 : i32
    %dma_start3A_242 = tpu.memref_slice %arg4[%dma_start3A_240, %dma_start3A_241] : memref<1000002x64xf32, #tpu.memory_space<hbm>> -> memref<1000002x64xf32, #tpu.memory_space<hbm>>
    tpu.enqueue_indirect_dma source(%dma_start3A_242 : memref<1000002x64xf32, #tpu.memory_space<hbm>>) target(%dma_start3A_236 : memref<128x64xf32, #tpu.memory_space<vmem>>) offsets(%dma_start3A_239 : memref<128xi32, #tpu.memory_space<vmem>>) semaphore(%arg16 : memref<!tpu.dma_semaphore, #tpu.memory_space<semaphore_mem>>)
    %dma_start3A_243 = arith.constant 1 : i32
    %dma_start3A_244 = arith.constant 1 : i32
    %dma_start3A_245 = arith.constant 1 : i32
    %dma_start3A_246 = arith.constant 1 : i32
    %dma_start3A_247 = arith.constant 0 : i32
    %dma_start3A_248 = arith.constant 0 : i32
    %dma_start3A_249 = tpu.memref_slice %arg10[%dma_start3A_245, %dma_start3A_246, %dma_start3A_247, %dma_start3A_248] : memref<4x2x128x32xf32, #tpu.memory_space<vmem>> -> memref<1x1x128x32xf32, #tpu.memory_space<vmem>>
    %dma_start3A_250 = tpu.memref_squeeze %dma_start3A_249 : memref<1x1x128x32xf32, #tpu.memory_space<vmem>> -> memref<128x32xf32, #tpu.memory_space<vmem>>
    %dma_start3A_251 = arith.constant 0 : i32
    %dma_start3A_252 = tpu.memref_slice %arg8[%dma_start3A_243, %dma_start3A_244, %dma_start3A_251] : memref<4x2x128xi32, #tpu.memory_space<vmem>> -> memref<1x1x128xi32, #tpu.memory_space<vmem>>
    %dma_start3A_253 = tpu.memref_squeeze %dma_start3A_252 : memref<1x1x128xi32, #tpu.memory_space<vmem>> -> memref<128xi32, #tpu.memory_space<vmem>>
    %dma_start3A_254 = arith.constant 0 : i32
    %dma_start3A_255 = arith.constant 0 : i32
    %dma_start3A_256 = tpu.memref_slice %arg5[%dma_start3A_254, %dma_start3A_255] : memref<93x32xf32, #tpu.memory_space<hbm>> -> memref<93x32xf32, #tpu.memory_space<hbm>>
    tpu.enqueue_indirect_dma source(%dma_start3A_256 : memref<93x32xf32, #tpu.memory_space<hbm>>) target(%dma_start3A_250 : memref<128x32xf32, #tpu.memory_space<vmem>>) offsets(%dma_start3A_253 : memref<128xi32, #tpu.memory_space<vmem>>) semaphore(%arg16 : memref<!tpu.dma_semaphore, #tpu.memory_space<semaphore_mem>>)
    %add3A_257 = arith.constant 6 : i32
    %add3A_258 = arith.addi %mul3A_2, %add3A_257 : i32
    %dma_start3A_259 = arith.constant 3 : i32
    %dma_start3A_260 = arith.constant 0 : i32
    %dma_start3A_261 = arith.constant 0 : i32
    %dma_start3A_262 = tpu.memref_slice %arg7[%dma_start3A_259, %dma_start3A_260, %dma_start3A_261] : memref<4x2x128xi32, #tpu.memory_space<vmem>> -> memref<1x2x128xi32, #tpu.memory_space<vmem>>
    %dma_start3A_263 = tpu.memref_squeeze %dma_start3A_262 : memref<1x2x128xi32, #tpu.memory_space<vmem>> -> memref<2x128xi32, #tpu.memory_space<vmem>>
    %dma_start3A_264 = arith.constant 0 : i32
    %dma_start3A_265 = tpu.memref_slice %arg2[%add3A_258, %dma_start3A_264] : memref<6400x128xi32, #tpu.memory_space<hbm>> -> memref<2x128xi32, #tpu.memory_space<hbm>>
    %dma_start3A_266 = arith.constant 0 : i32
    %dma_start3A_267 = arith.constant 0 : i32
    %dma_start3A_268 = tpu.memref_slice %arg7[%dma_start3A_259, %dma_start3A_266, %dma_start3A_267] : memref<4x2x128xi32, #tpu.memory_space<vmem>> -> memref<1x2x128xi32, #tpu.memory_space<vmem>>
    %dma_start3A_269 = tpu.memref_squeeze %dma_start3A_268 : memref<1x2x128xi32, #tpu.memory_space<vmem>> -> memref<2x128xi32, #tpu.memory_space<vmem>>
    %dma_start3A_270 = arith.constant 0 : i32
    %dma_start3A_271 = tpu.memref_slice %arg2[%add3A_258, %dma_start3A_270] : memref<6400x128xi32, #tpu.memory_space<hbm>> -> memref<2x128xi32, #tpu.memory_space<hbm>>
    tpu.enqueue_dma source(%dma_start3A_271 : memref<2x128xi32, #tpu.memory_space<hbm>>) target(%dma_start3A_269 : memref<2x128xi32, #tpu.memory_space<vmem>>) target_semaphore(%arg14 : memref<!tpu.dma_semaphore, #tpu.memory_space<semaphore_mem>>)
    %dma_start3A_272 = arith.constant 3 : i32
    %dma_start3A_273 = arith.constant 0 : i32
    %dma_start3A_274 = arith.constant 0 : i32
    %dma_start3A_275 = tpu.memref_slice %arg8[%dma_start3A_272, %dma_start3A_273, %dma_start3A_274] : memref<4x2x128xi32, #tpu.memory_space<vmem>> -> memref<1x2x128xi32, #tpu.memory_space<vmem>>
    %dma_start3A_276 = tpu.memref_squeeze %dma_start3A_275 : memref<1x2x128xi32, #tpu.memory_space<vmem>> -> memref<2x128xi32, #tpu.memory_space<vmem>>
    %dma_start3A_277 = arith.constant 0 : i32
    %dma_start3A_278 = tpu.memref_slice %arg3[%add3A_258, %dma_start3A_277] : memref<6400x128xi32, #tpu.memory_space<hbm>> -> memref<2x128xi32, #tpu.memory_space<hbm>>
    %dma_start3A_279 = arith.constant 0 : i32
    %dma_start3A_280 = arith.constant 0 : i32
    %dma_start3A_281 = tpu.memref_slice %arg8[%dma_start3A_272, %dma_start3A_279, %dma_start3A_280] : memref<4x2x128xi32, #tpu.memory_space<vmem>> -> memref<1x2x128xi32, #tpu.memory_space<vmem>>
    %dma_start3A_282 = tpu.memref_squeeze %dma_start3A_281 : memref<1x2x128xi32, #tpu.memory_space<vmem>> -> memref<2x128xi32, #tpu.memory_space<vmem>>
    %dma_start3A_283 = arith.constant 0 : i32
    %dma_start3A_284 = tpu.memref_slice %arg3[%add3A_258, %dma_start3A_283] : memref<6400x128xi32, #tpu.memory_space<hbm>> -> memref<2x128xi32, #tpu.memory_space<hbm>>
    tpu.enqueue_dma source(%dma_start3A_284 : memref<2x128xi32, #tpu.memory_space<hbm>>) target(%dma_start3A_282 : memref<2x128xi32, #tpu.memory_space<vmem>>) target_semaphore(%arg14 : memref<!tpu.dma_semaphore, #tpu.memory_space<semaphore_mem>>)
    %dma_wait3A_285 = arith.constant 2 : i32
    %dma_wait3A_286 = arith.constant 0 : i32
    %dma_wait3A_287 = arith.constant 0 : i32
    %dma_wait3A_288 = tpu.memref_slice %arg7[%dma_wait3A_285, %dma_wait3A_286, %dma_wait3A_287] : memref<4x2x128xi32, #tpu.memory_space<vmem>> -> memref<1x2x128xi32, #tpu.memory_space<vmem>>
    %dma_wait3A_289 = tpu.memref_squeeze %dma_wait3A_288 : memref<1x2x128xi32, #tpu.memory_space<vmem>> -> memref<2x128xi32, #tpu.memory_space<vmem>>
    %dma_wait3A_290 = arith.constant 0 : i32
    %dma_wait3A_291 = arith.constant 0 : i32
    %dma_wait3A_292 = tpu.memref_slice %arg2[%dma_wait3A_290, %dma_wait3A_291] : memref<6400x128xi32, #tpu.memory_space<hbm>> -> memref<2x128xi32, #tpu.memory_space<hbm>>
    %dma_wait3A_293 = arith.constant 0 : i32
    %dma_wait3A_294 = arith.constant 0 : i32
    %dma_wait3A_295 = tpu.memref_slice %arg7[%dma_wait3A_285, %dma_wait3A_293, %dma_wait3A_294] : memref<4x2x128xi32, #tpu.memory_space<vmem>> -> memref<1x2x128xi32, #tpu.memory_space<vmem>>
    %dma_wait3A_296 = tpu.memref_squeeze %dma_wait3A_295 : memref<1x2x128xi32, #tpu.memory_space<vmem>> -> memref<2x128xi32, #tpu.memory_space<vmem>>
    %dma_wait3A_297 = arith.constant 0 : i32
    %dma_wait3A_298 = arith.constant 0 : i32
    %dma_wait3A_299 = tpu.memref_slice %arg2[%dma_wait3A_297, %dma_wait3A_298] : memref<6400x128xi32, #tpu.memory_space<hbm>> -> memref<2x128xi32, #tpu.memory_space<hbm>>
    tpu.wait_dma2 semaphore(%arg13 : memref<!tpu.dma_semaphore, #tpu.memory_space<semaphore_mem>>) src(%dma_wait3A_299 : memref<2x128xi32, #tpu.memory_space<hbm>>) dst(%dma_wait3A_296 : memref<2x128xi32, #tpu.memory_space<vmem>>)
    %dma_wait3A_300 = arith.constant 2 : i32
    %dma_wait3A_301 = arith.constant 0 : i32
    %dma_wait3A_302 = arith.constant 0 : i32
    %dma_wait3A_303 = tpu.memref_slice %arg8[%dma_wait3A_300, %dma_wait3A_301, %dma_wait3A_302] : memref<4x2x128xi32, #tpu.memory_space<vmem>> -> memref<1x2x128xi32, #tpu.memory_space<vmem>>
    %dma_wait3A_304 = tpu.memref_squeeze %dma_wait3A_303 : memref<1x2x128xi32, #tpu.memory_space<vmem>> -> memref<2x128xi32, #tpu.memory_space<vmem>>
    %dma_wait3A_305 = arith.constant 0 : i32
    %dma_wait3A_306 = arith.constant 0 : i32
    %dma_wait3A_307 = tpu.memref_slice %arg3[%dma_wait3A_305, %dma_wait3A_306] : memref<6400x128xi32, #tpu.memory_space<hbm>> -> memref<2x128xi32, #tpu.memory_space<hbm>>
    %dma_wait3A_308 = arith.constant 0 : i32
    %dma_wait3A_309 = arith.constant 0 : i32
    %dma_wait3A_310 = tpu.memref_slice %arg8[%dma_wait3A_300, %dma_wait3A_308, %dma_wait3A_309] : memref<4x2x128xi32, #tpu.memory_space<vmem>> -> memref<1x2x128xi32, #tpu.memory_space<vmem>>
    %dma_wait3A_311 = tpu.memref_squeeze %dma_wait3A_310 : memref<1x2x128xi32, #tpu.memory_space<vmem>> -> memref<2x128xi32, #tpu.memory_space<vmem>>
    %dma_wait3A_312 = arith.constant 0 : i32
    %dma_wait3A_313 = arith.constant 0 : i32
    %dma_wait3A_314 = tpu.memref_slice %arg3[%dma_wait3A_312, %dma_wait3A_313] : memref<6400x128xi32, #tpu.memory_space<hbm>> -> memref<2x128xi32, #tpu.memory_space<hbm>>
    tpu.wait_dma2 semaphore(%arg13 : memref<!tpu.dma_semaphore, #tpu.memory_space<semaphore_mem>>) src(%dma_wait3A_314 : memref<2x128xi32, #tpu.memory_space<hbm>>) dst(%dma_wait3A_311 : memref<2x128xi32, #tpu.memory_space<vmem>>)
    %dma_start3A_315 = arith.constant 2 : i32
    %dma_start3A_316 = arith.constant 0 : i32
    %dma_start3A_317 = arith.constant 2 : i32
    %dma_start3A_318 = arith.constant 0 : i32
    %dma_start3A_319 = arith.constant 0 : i32
    %dma_start3A_320 = arith.constant 0 : i32
    %dma_start3A_321 = tpu.memref_slice %arg9[%dma_start3A_317, %dma_start3A_318, %dma_start3A_319, %dma_start3A_320] : memref<4x2x128x64xf32, #tpu.memory_space<vmem>> -> memref<1x1x128x64xf32, #tpu.memory_space<vmem>>
    %dma_start3A_322 = tpu.memref_squeeze %dma_start3A_321 : memref<1x1x128x64xf32, #tpu.memory_space<vmem>> -> memref<128x64xf32, #tpu.memory_space<vmem>>
    %dma_start3A_323 = arith.constant 0 : i32
    %dma_start3A_324 = tpu.memref_slice %arg7[%dma_start3A_315, %dma_start3A_316, %dma_start3A_323] : memref<4x2x128xi32, #tpu.memory_space<vmem>> -> memref<1x1x128xi32, #tpu.memory_space<vmem>>
    %dma_start3A_325 = tpu.memref_squeeze %dma_start3A_324 : memref<1x1x128xi32, #tpu.memory_space<vmem>> -> memref<128xi32, #tpu.memory_space<vmem>>
    %dma_start3A_326 = arith.constant 0 : i32
    %dma_start3A_327 = arith.constant 0 : i32
    %dma_start3A_328 = tpu.memref_slice %arg4[%dma_start3A_326, %dma_start3A_327] : memref<1000002x64xf32, #tpu.memory_space<hbm>> -> memref<1000002x64xf32, #tpu.memory_space<hbm>>
    tpu.enqueue_indirect_dma source(%dma_start3A_328 : memref<1000002x64xf32, #tpu.memory_space<hbm>>) target(%dma_start3A_322 : memref<128x64xf32, #tpu.memory_space<vmem>>) offsets(%dma_start3A_325 : memref<128xi32, #tpu.memory_space<vmem>>) semaphore(%arg17 : memref<!tpu.dma_semaphore, #tpu.memory_space<semaphore_mem>>)
    %dma_start3A_329 = arith.constant 2 : i32
    %dma_start3A_330 = arith.constant 0 : i32
    %dma_start3A_331 = arith.constant 2 : i32
    %dma_start3A_332 = arith.constant 0 : i32
    %dma_start3A_333 = arith.constant 0 : i32
    %dma_start3A_334 = arith.constant 0 : i32
    %dma_start3A_335 = tpu.memref_slice %arg10[%dma_start3A_331, %dma_start3A_332, %dma_start3A_333, %dma_start3A_334] : memref<4x2x128x32xf32, #tpu.memory_space<vmem>> -> memref<1x1x128x32xf32, #tpu.memory_space<vmem>>
    %dma_start3A_336 = tpu.memref_squeeze %dma_start3A_335 : memref<1x1x128x32xf32, #tpu.memory_space<vmem>> -> memref<128x32xf32, #tpu.memory_space<vmem>>
    %dma_start3A_337 = arith.constant 0 : i32
    %dma_start3A_338 = tpu.memref_slice %arg8[%dma_start3A_329, %dma_start3A_330, %dma_start3A_337] : memref<4x2x128xi32, #tpu.memory_space<vmem>> -> memref<1x1x128xi32, #tpu.memory_space<vmem>>
    %dma_start3A_339 = tpu.memref_squeeze %dma_start3A_338 : memref<1x1x128xi32, #tpu.memory_space<vmem>> -> memref<128xi32, #tpu.memory_space<vmem>>
    %dma_start3A_340 = arith.constant 0 : i32
    %dma_start3A_341 = arith.constant 0 : i32
    %dma_start3A_342 = tpu.memref_slice %arg5[%dma_start3A_340, %dma_start3A_341] : memref<93x32xf32, #tpu.memory_space<hbm>> -> memref<93x32xf32, #tpu.memory_space<hbm>>
    tpu.enqueue_indirect_dma source(%dma_start3A_342 : memref<93x32xf32, #tpu.memory_space<hbm>>) target(%dma_start3A_336 : memref<128x32xf32, #tpu.memory_space<vmem>>) offsets(%dma_start3A_339 : memref<128xi32, #tpu.memory_space<vmem>>) semaphore(%arg17 : memref<!tpu.dma_semaphore, #tpu.memory_space<semaphore_mem>>)
    %dma_start3A_343 = arith.constant 2 : i32
    %dma_start3A_344 = arith.constant 1 : i32
    %dma_start3A_345 = arith.constant 2 : i32
    %dma_start3A_346 = arith.constant 1 : i32
    %dma_start3A_347 = arith.constant 0 : i32
    %dma_start3A_348 = arith.constant 0 : i32
    %dma_start3A_349 = tpu.memref_slice %arg9[%dma_start3A_345, %dma_start3A_346, %dma_start3A_347, %dma_start3A_348] : memref<4x2x128x64xf32, #tpu.memory_space<vmem>> -> memref<1x1x128x64xf32, #tpu.memory_space<vmem>>
    %dma_start3A_350 = tpu.memref_squeeze %dma_start3A_349 : memref<1x1x128x64xf32, #tpu.memory_space<vmem>> -> memref<128x64xf32, #tpu.memory_space<vmem>>
    %dma_start3A_351 = arith.constant 0 : i32
    %dma_start3A_352 = tpu.memref_slice %arg7[%dma_start3A_343, %dma_start3A_344, %dma_start3A_351] : memref<4x2x128xi32, #tpu.memory_space<vmem>> -> memref<1x1x128xi32, #tpu.memory_space<vmem>>
    %dma_start3A_353 = tpu.memref_squeeze %dma_start3A_352 : memref<1x1x128xi32, #tpu.memory_space<vmem>> -> memref<128xi32, #tpu.memory_space<vmem>>
    %dma_start3A_354 = arith.constant 0 : i32
    %dma_start3A_355 = arith.constant 0 : i32
    %dma_start3A_356 = tpu.memref_slice %arg4[%dma_start3A_354, %dma_start3A_355] : memref<1000002x64xf32, #tpu.memory_space<hbm>> -> memref<1000002x64xf32, #tpu.memory_space<hbm>>
    tpu.enqueue_indirect_dma source(%dma_start3A_356 : memref<1000002x64xf32, #tpu.memory_space<hbm>>) target(%dma_start3A_350 : memref<128x64xf32, #tpu.memory_space<vmem>>) offsets(%dma_start3A_353 : memref<128xi32, #tpu.memory_space<vmem>>) semaphore(%arg17 : memref<!tpu.dma_semaphore, #tpu.memory_space<semaphore_mem>>)
    %dma_start3A_357 = arith.constant 2 : i32
    %dma_start3A_358 = arith.constant 1 : i32
    %dma_start3A_359 = arith.constant 2 : i32
    %dma_start3A_360 = arith.constant 1 : i32
    %dma_start3A_361 = arith.constant 0 : i32
    %dma_start3A_362 = arith.constant 0 : i32
    %dma_start3A_363 = tpu.memref_slice %arg10[%dma_start3A_359, %dma_start3A_360, %dma_start3A_361, %dma_start3A_362] : memref<4x2x128x32xf32, #tpu.memory_space<vmem>> -> memref<1x1x128x32xf32, #tpu.memory_space<vmem>>
    %dma_start3A_364 = tpu.memref_squeeze %dma_start3A_363 : memref<1x1x128x32xf32, #tpu.memory_space<vmem>> -> memref<128x32xf32, #tpu.memory_space<vmem>>
    %dma_start3A_365 = arith.constant 0 : i32
    %dma_start3A_366 = tpu.memref_slice %arg8[%dma_start3A_357, %dma_start3A_358, %dma_start3A_365] : memref<4x2x128xi32, #tpu.memory_space<vmem>> -> memref<1x1x128xi32, #tpu.memory_space<vmem>>
    %dma_start3A_367 = tpu.memref_squeeze %dma_start3A_366 : memref<1x1x128xi32, #tpu.memory_space<vmem>> -> memref<128xi32, #tpu.memory_space<vmem>>
    %dma_start3A_368 = arith.constant 0 : i32
    %dma_start3A_369 = arith.constant 0 : i32
    %dma_start3A_370 = tpu.memref_slice %arg5[%dma_start3A_368, %dma_start3A_369] : memref<93x32xf32, #tpu.memory_space<hbm>> -> memref<93x32xf32, #tpu.memory_space<hbm>>
    tpu.enqueue_indirect_dma source(%dma_start3A_370 : memref<93x32xf32, #tpu.memory_space<hbm>>) target(%dma_start3A_364 : memref<128x32xf32, #tpu.memory_space<vmem>>) offsets(%dma_start3A_367 : memref<128xi32, #tpu.memory_space<vmem>>) semaphore(%arg17 : memref<!tpu.dma_semaphore, #tpu.memory_space<semaphore_mem>>)
    %dma_wait3A_371 = arith.constant 0 : i32
    %dma_wait3A_372 = arith.constant 0 : i32
    %dma_wait3A_373 = arith.constant 0 : i32
    %dma_wait3A_374 = arith.constant 0 : i32
    %dma_wait3A_375 = tpu.memref_slice %arg9[%dma_wait3A_371, %dma_wait3A_372, %dma_wait3A_373, %dma_wait3A_374] : memref<4x2x128x64xf32, #tpu.memory_space<vmem>> -> memref<1x2x128x64xf32, #tpu.memory_space<vmem>>
    %dma_wait3A_376 = tpu.memref_squeeze %dma_wait3A_375 : memref<1x2x128x64xf32, #tpu.memory_space<vmem>> -> memref<2x128x64xf32, #tpu.memory_space<vmem>>
    %dma_wait3A_377 = arith.constant 0 : i32
    %dma_wait3A_378 = arith.constant 0 : i32
    %dma_wait3A_379 = arith.constant 0 : i32
    %dma_wait3A_380 = tpu.memref_slice %arg6[%dma_wait3A_377, %dma_wait3A_378, %dma_wait3A_379] : memref<6400x128x96xf32, #tpu.memory_space<hbm>> -> memref<2x128x64xf32, #tpu.memory_space<hbm>>
    %dma_wait3A_381 = arith.constant 0 : i32
    %dma_wait3A_382 = arith.constant 0 : i32
    %dma_wait3A_383 = arith.constant 0 : i32
    %dma_wait3A_384 = tpu.memref_slice %arg9[%dma_wait3A_371, %dma_wait3A_381, %dma_wait3A_382, %dma_wait3A_383] : memref<4x2x128x64xf32, #tpu.memory_space<vmem>> -> memref<1x2x128x64xf32, #tpu.memory_space<vmem>>
    %dma_wait3A_385 = tpu.memref_squeeze %dma_wait3A_384 : memref<1x2x128x64xf32, #tpu.memory_space<vmem>> -> memref<2x128x64xf32, #tpu.memory_space<vmem>>
    %dma_wait3A_386 = arith.constant 0 : i32
    %dma_wait3A_387 = arith.constant 0 : i32
    %dma_wait3A_388 = arith.constant 0 : i32
    %dma_wait3A_389 = tpu.memref_slice %arg6[%dma_wait3A_386, %dma_wait3A_387, %dma_wait3A_388] : memref<6400x128x96xf32, #tpu.memory_space<hbm>> -> memref<2x128x64xf32, #tpu.memory_space<hbm>>
    tpu.wait_dma2 semaphore(%arg15 : memref<!tpu.dma_semaphore, #tpu.memory_space<semaphore_mem>>) src(%dma_wait3A_389 : memref<2x128x64xf32, #tpu.memory_space<hbm>>) dst(%dma_wait3A_385 : memref<2x128x64xf32, #tpu.memory_space<vmem>>)
    %dma_wait3A_390 = arith.constant 0 : i32
    %dma_wait3A_391 = arith.constant 0 : i32
    %dma_wait3A_392 = arith.constant 0 : i32
    %dma_wait3A_393 = arith.constant 0 : i32
    %dma_wait3A_394 = tpu.memref_slice %arg10[%dma_wait3A_390, %dma_wait3A_391, %dma_wait3A_392, %dma_wait3A_393] : memref<4x2x128x32xf32, #tpu.memory_space<vmem>> -> memref<1x2x128x32xf32, #tpu.memory_space<vmem>>
    %dma_wait3A_395 = tpu.memref_squeeze %dma_wait3A_394 : memref<1x2x128x32xf32, #tpu.memory_space<vmem>> -> memref<2x128x32xf32, #tpu.memory_space<vmem>>
    %dma_wait3A_396 = arith.constant 0 : i32
    %dma_wait3A_397 = arith.constant 0 : i32
    %dma_wait3A_398 = arith.constant 64 : i32
    %dma_wait3A_399 = tpu.memref_slice %arg6[%dma_wait3A_396, %dma_wait3A_397, %dma_wait3A_398] : memref<6400x128x96xf32, #tpu.memory_space<hbm>> -> memref<2x128x32xf32, #tpu.memory_space<hbm>>
    %dma_wait3A_400 = arith.constant 0 : i32
    %dma_wait3A_401 = arith.constant 0 : i32
    %dma_wait3A_402 = arith.constant 0 : i32
    %dma_wait3A_403 = tpu.memref_slice %arg10[%dma_wait3A_390, %dma_wait3A_400, %dma_wait3A_401, %dma_wait3A_402] : memref<4x2x128x32xf32, #tpu.memory_space<vmem>> -> memref<1x2x128x32xf32, #tpu.memory_space<vmem>>
    %dma_wait3A_404 = tpu.memref_squeeze %dma_wait3A_403 : memref<1x2x128x32xf32, #tpu.memory_space<vmem>> -> memref<2x128x32xf32, #tpu.memory_space<vmem>>
    %dma_wait3A_405 = arith.constant 0 : i32
    %dma_wait3A_406 = arith.constant 0 : i32
    %dma_wait3A_407 = arith.constant 64 : i32
    %dma_wait3A_408 = tpu.memref_slice %arg6[%dma_wait3A_405, %dma_wait3A_406, %dma_wait3A_407] : memref<6400x128x96xf32, #tpu.memory_space<hbm>> -> memref<2x128x32xf32, #tpu.memory_space<hbm>>
    tpu.wait_dma2 semaphore(%arg15 : memref<!tpu.dma_semaphore, #tpu.memory_space<semaphore_mem>>) src(%dma_wait3A_408 : memref<2x128x32xf32, #tpu.memory_space<hbm>>) dst(%dma_wait3A_404 : memref<2x128x32xf32, #tpu.memory_space<vmem>>)
    %add3A_409 = arith.constant 0 : i32
    %add3A_410 = arith.addi %mul3A_2, %add3A_409 : i32
    %dma_start3A_411 = arith.constant 0 : i32
    %dma_start3A_412 = arith.constant 0 : i32
    %dma_start3A_413 = arith.constant 0 : i32
    %dma_start3A_414 = arith.constant 0 : i32
    %dma_start3A_415 = tpu.memref_slice %arg9[%dma_start3A_411, %dma_start3A_412, %dma_start3A_413, %dma_start3A_414] : memref<4x2x128x64xf32, #tpu.memory_space<vmem>> -> memref<1x2x128x64xf32, #tpu.memory_space<vmem>>
    %dma_start3A_416 = tpu.memref_squeeze %dma_start3A_415 : memref<1x2x128x64xf32, #tpu.memory_space<vmem>> -> memref<2x128x64xf32, #tpu.memory_space<vmem>>
    %dma_start3A_417 = arith.constant 0 : i32
    %dma_start3A_418 = arith.constant 0 : i32
    %dma_start3A_419 = tpu.memref_slice %arg6[%add3A_410, %dma_start3A_417, %dma_start3A_418] : memref<6400x128x96xf32, #tpu.memory_space<hbm>> -> memref<2x128x64xf32, #tpu.memory_space<hbm>>
    %dma_start3A_420 = arith.constant 0 : i32
    %dma_start3A_421 = arith.constant 0 : i32
    %dma_start3A_422 = tpu.memref_slice %arg6[%add3A_410, %dma_start3A_420, %dma_start3A_421] : memref<6400x128x96xf32, #tpu.memory_space<hbm>> -> memref<2x128x64xf32, #tpu.memory_space<hbm>>
    %dma_start3A_423 = arith.constant 0 : i32
    %dma_start3A_424 = arith.constant 0 : i32
    %dma_start3A_425 = arith.constant 0 : i32
    %dma_start3A_426 = tpu.memref_slice %arg9[%dma_start3A_411, %dma_start3A_423, %dma_start3A_424, %dma_start3A_425] : memref<4x2x128x64xf32, #tpu.memory_space<vmem>> -> memref<1x2x128x64xf32, #tpu.memory_space<vmem>>
    %dma_start3A_427 = tpu.memref_squeeze %dma_start3A_426 : memref<1x2x128x64xf32, #tpu.memory_space<vmem>> -> memref<2x128x64xf32, #tpu.memory_space<vmem>>
    tpu.enqueue_dma source(%dma_start3A_427 : memref<2x128x64xf32, #tpu.memory_space<vmem>>) target(%dma_start3A_422 : memref<2x128x64xf32, #tpu.memory_space<hbm>>) target_semaphore(%arg19 : memref<!tpu.dma_semaphore, #tpu.memory_space<semaphore_mem>>)
    %dma_start3A_428 = arith.constant 0 : i32
    %dma_start3A_429 = arith.constant 0 : i32
    %dma_start3A_430 = arith.constant 0 : i32
    %dma_start3A_431 = arith.constant 0 : i32
    %dma_start3A_432 = tpu.memref_slice %arg10[%dma_start3A_428, %dma_start3A_429, %dma_start3A_430, %dma_start3A_431] : memref<4x2x128x32xf32, #tpu.memory_space<vmem>> -> memref<1x2x128x32xf32, #tpu.memory_space<vmem>>
    %dma_start3A_433 = tpu.memref_squeeze %dma_start3A_432 : memref<1x2x128x32xf32, #tpu.memory_space<vmem>> -> memref<2x128x32xf32, #tpu.memory_space<vmem>>
    %dma_start3A_434 = arith.constant 0 : i32
    %dma_start3A_435 = arith.constant 64 : i32
    %dma_start3A_436 = tpu.memref_slice %arg6[%add3A_410, %dma_start3A_434, %dma_start3A_435] : memref<6400x128x96xf32, #tpu.memory_space<hbm>> -> memref<2x128x32xf32, #tpu.memory_space<hbm>>
    %dma_start3A_437 = arith.constant 0 : i32
    %dma_start3A_438 = arith.constant 64 : i32
    %dma_start3A_439 = tpu.memref_slice %arg6[%add3A_410, %dma_start3A_437, %dma_start3A_438] : memref<6400x128x96xf32, #tpu.memory_space<hbm>> -> memref<2x128x32xf32, #tpu.memory_space<hbm>>
    %dma_start3A_440 = arith.constant 0 : i32
    %dma_start3A_441 = arith.constant 0 : i32
    %dma_start3A_442 = arith.constant 0 : i32
    %dma_start3A_443 = tpu.memref_slice %arg10[%dma_start3A_428, %dma_start3A_440, %dma_start3A_441, %dma_start3A_442] : memref<4x2x128x32xf32, #tpu.memory_space<vmem>> -> memref<1x2x128x32xf32, #tpu.memory_space<vmem>>
    %dma_start3A_444 = tpu.memref_squeeze %dma_start3A_443 : memref<1x2x128x32xf32, #tpu.memory_space<vmem>> -> memref<2x128x32xf32, #tpu.memory_space<vmem>>
    tpu.enqueue_dma source(%dma_start3A_444 : memref<2x128x32xf32, #tpu.memory_space<vmem>>) target(%dma_start3A_439 : memref<2x128x32xf32, #tpu.memory_space<hbm>>) target_semaphore(%arg19 : memref<!tpu.dma_semaphore, #tpu.memory_space<semaphore_mem>>)
    %add3A_445 = arith.constant 8 : i32
    %add3A_446 = arith.addi %mul3A_2, %add3A_445 : i32
    %dma_start3A_447 = arith.constant 0 : i32
    %dma_start3A_448 = arith.constant 0 : i32
    %dma_start3A_449 = arith.constant 0 : i32
    %dma_start3A_450 = tpu.memref_slice %arg7[%dma_start3A_447, %dma_start3A_448, %dma_start3A_449] : memref<4x2x128xi32, #tpu.memory_space<vmem>> -> memref<1x2x128xi32, #tpu.memory_space<vmem>>
    %dma_start3A_451 = tpu.memref_squeeze %dma_start3A_450 : memref<1x2x128xi32, #tpu.memory_space<vmem>> -> memref<2x128xi32, #tpu.memory_space<vmem>>
    %dma_start3A_452 = arith.constant 0 : i32
    %dma_start3A_453 = tpu.memref_slice %arg2[%add3A_446, %dma_start3A_452] : memref<6400x128xi32, #tpu.memory_space<hbm>> -> memref<2x128xi32, #tpu.memory_space<hbm>>
    %dma_start3A_454 = arith.constant 0 : i32
    %dma_start3A_455 = arith.constant 0 : i32
    %dma_start3A_456 = tpu.memref_slice %arg7[%dma_start3A_447, %dma_start3A_454, %dma_start3A_455] : memref<4x2x128xi32, #tpu.memory_space<vmem>> -> memref<1x2x128xi32, #tpu.memory_space<vmem>>
    %dma_start3A_457 = tpu.memref_squeeze %dma_start3A_456 : memref<1x2x128xi32, #tpu.memory_space<vmem>> -> memref<2x128xi32, #tpu.memory_space<vmem>>
    %dma_start3A_458 = arith.constant 0 : i32
    %dma_start3A_459 = tpu.memref_slice %arg2[%add3A_446, %dma_start3A_458] : memref<6400x128xi32, #tpu.memory_space<hbm>> -> memref<2x128xi32, #tpu.memory_space<hbm>>
    tpu.enqueue_dma source(%dma_start3A_459 : memref<2x128xi32, #tpu.memory_space<hbm>>) target(%dma_start3A_457 : memref<2x128xi32, #tpu.memory_space<vmem>>) target_semaphore(%arg11 : memref<!tpu.dma_semaphore, #tpu.memory_space<semaphore_mem>>)
    %dma_start3A_460 = arith.constant 0 : i32
    %dma_start3A_461 = arith.constant 0 : i32
    %dma_start3A_462 = arith.constant 0 : i32
    %dma_start3A_463 = tpu.memref_slice %arg8[%dma_start3A_460, %dma_start3A_461, %dma_start3A_462] : memref<4x2x128xi32, #tpu.memory_space<vmem>> -> memref<1x2x128xi32, #tpu.memory_space<vmem>>
    %dma_start3A_464 = tpu.memref_squeeze %dma_start3A_463 : memref<1x2x128xi32, #tpu.memory_space<vmem>> -> memref<2x128xi32, #tpu.memory_space<vmem>>
    %dma_start3A_465 = arith.constant 0 : i32
    %dma_start3A_466 = tpu.memref_slice %arg3[%add3A_446, %dma_start3A_465] : memref<6400x128xi32, #tpu.memory_space<hbm>> -> memref<2x128xi32, #tpu.memory_space<hbm>>
    %dma_start3A_467 = arith.constant 0 : i32
    %dma_start3A_468 = arith.constant 0 : i32
    %dma_start3A_469 = tpu.memref_slice %arg8[%dma_start3A_460, %dma_start3A_467, %dma_start3A_468] : memref<4x2x128xi32, #tpu.memory_space<vmem>> -> memref<1x2x128xi32, #tpu.memory_space<vmem>>
    %dma_start3A_470 = tpu.memref_squeeze %dma_start3A_469 : memref<1x2x128xi32, #tpu.memory_space<vmem>> -> memref<2x128xi32, #tpu.memory_space<vmem>>
    %dma_start3A_471 = arith.constant 0 : i32
    %dma_start3A_472 = tpu.memref_slice %arg3[%add3A_446, %dma_start3A_471] : memref<6400x128xi32, #tpu.memory_space<hbm>> -> memref<2x128xi32, #tpu.memory_space<hbm>>
    tpu.enqueue_dma source(%dma_start3A_472 : memref<2x128xi32, #tpu.memory_space<hbm>>) target(%dma_start3A_470 : memref<2x128xi32, #tpu.memory_space<vmem>>) target_semaphore(%arg11 : memref<!tpu.dma_semaphore, #tpu.memory_space<semaphore_mem>>)
    %dma_wait3A_473 = arith.constant 3 : i32
    %dma_wait3A_474 = arith.constant 0 : i32
    %dma_wait3A_475 = arith.constant 0 : i32
    %dma_wait3A_476 = tpu.memref_slice %arg7[%dma_wait3A_473, %dma_wait3A_474, %dma_wait3A_475] : memref<4x2x128xi32, #tpu.memory_space<vmem>> -> memref<1x2x128xi32, #tpu.memory_space<vmem>>
    %dma_wait3A_477 = tpu.memref_squeeze %dma_wait3A_476 : memref<1x2x128xi32, #tpu.memory_space<vmem>> -> memref<2x128xi32, #tpu.memory_space<vmem>>
    %dma_wait3A_478 = arith.constant 0 : i32
    %dma_wait3A_479 = arith.constant 0 : i32
    %dma_wait3A_480 = tpu.memref_slice %arg2[%dma_wait3A_478, %dma_wait3A_479] : memref<6400x128xi32, #tpu.memory_space<hbm>> -> memref<2x128xi32, #tpu.memory_space<hbm>>
    %dma_wait3A_481 = arith.constant 0 : i32
    %dma_wait3A_482 = arith.constant 0 : i32
    %dma_wait3A_483 = tpu.memref_slice %arg7[%dma_wait3A_473, %dma_wait3A_481, %dma_wait3A_482] : memref<4x2x128xi32, #tpu.memory_space<vmem>> -> memref<1x2x128xi32, #tpu.memory_space<vmem>>
    %dma_wait3A_484 = tpu.memref_squeeze %dma_wait3A_483 : memref<1x2x128xi32, #tpu.memory_space<vmem>> -> memref<2x128xi32, #tpu.memory_space<vmem>>
    %dma_wait3A_485 = arith.constant 0 : i32
    %dma_wait3A_486 = arith.constant 0 : i32
    %dma_wait3A_487 = tpu.memref_slice %arg2[%dma_wait3A_485, %dma_wait3A_486] : memref<6400x128xi32, #tpu.memory_space<hbm>> -> memref<2x128xi32, #tpu.memory_space<hbm>>
    tpu.wait_dma2 semaphore(%arg14 : memref<!tpu.dma_semaphore, #tpu.memory_space<semaphore_mem>>) src(%dma_wait3A_487 : memref<2x128xi32, #tpu.memory_space<hbm>>) dst(%dma_wait3A_484 : memref<2x128xi32, #tpu.memory_space<vmem>>)
    %dma_wait3A_488 = arith.constant 3 : i32
    %dma_wait3A_489 = arith.constant 0 : i32
    %dma_wait3A_490 = arith.constant 0 : i32
    %dma_wait3A_491 = tpu.memref_slice %arg8[%dma_wait3A_488, %dma_wait3A_489, %dma_wait3A_490] : memref<4x2x128xi32, #tpu.memory_space<vmem>> -> memref<1x2x128xi32, #tpu.memory_space<vmem>>
    %dma_wait3A_492 = tpu.memref_squeeze %dma_wait3A_491 : memref<1x2x128xi32, #tpu.memory_space<vmem>> -> memref<2x128xi32, #tpu.memory_space<vmem>>
    %dma_wait3A_493 = arith.constant 0 : i32
    %dma_wait3A_494 = arith.constant 0 : i32
    %dma_wait3A_495 = tpu.memref_slice %arg3[%dma_wait3A_493, %dma_wait3A_494] : memref<6400x128xi32, #tpu.memory_space<hbm>> -> memref<2x128xi32, #tpu.memory_space<hbm>>
    %dma_wait3A_496 = arith.constant 0 : i32
    %dma_wait3A_497 = arith.constant 0 : i32
    %dma_wait3A_498 = tpu.memref_slice %arg8[%dma_wait3A_488, %dma_wait3A_496, %dma_wait3A_497] : memref<4x2x128xi32, #tpu.memory_space<vmem>> -> memref<1x2x128xi32, #tpu.memory_space<vmem>>
    %dma_wait3A_499 = tpu.memref_squeeze %dma_wait3A_498 : memref<1x2x128xi32, #tpu.memory_space<vmem>> -> memref<2x128xi32, #tpu.memory_space<vmem>>
    %dma_wait3A_500 = arith.constant 0 : i32
    %dma_wait3A_501 = arith.constant 0 : i32
    %dma_wait3A_502 = tpu.memref_slice %arg3[%dma_wait3A_500, %dma_wait3A_501] : memref<6400x128xi32, #tpu.memory_space<hbm>> -> memref<2x128xi32, #tpu.memory_space<hbm>>
    tpu.wait_dma2 semaphore(%arg14 : memref<!tpu.dma_semaphore, #tpu.memory_space<semaphore_mem>>) src(%dma_wait3A_502 : memref<2x128xi32, #tpu.memory_space<hbm>>) dst(%dma_wait3A_499 : memref<2x128xi32, #tpu.memory_space<vmem>>)
    %dma_start3A_503 = arith.constant 3 : i32
    %dma_start3A_504 = arith.constant 0 : i32
    %dma_start3A_505 = arith.constant 3 : i32
    %dma_start3A_506 = arith.constant 0 : i32
    %dma_start3A_507 = arith.constant 0 : i32
    %dma_start3A_508 = arith.constant 0 : i32
    %dma_start3A_509 = tpu.memref_slice %arg9[%dma_start3A_505, %dma_start3A_506, %dma_start3A_507, %dma_start3A_508] : memref<4x2x128x64xf32, #tpu.memory_space<vmem>> -> memref<1x1x128x64xf32, #tpu.memory_space<vmem>>
    %dma_start3A_510 = tpu.memref_squeeze %dma_start3A_509 : memref<1x1x128x64xf32, #tpu.memory_space<vmem>> -> memref<128x64xf32, #tpu.memory_space<vmem>>
    %dma_start3A_511 = arith.constant 0 : i32
    %dma_start3A_512 = tpu.memref_slice %arg7[%dma_start3A_503, %dma_start3A_504, %dma_start3A_511] : memref<4x2x128xi32, #tpu.memory_space<vmem>> -> memref<1x1x128xi32, #tpu.memory_space<vmem>>
    %dma_start3A_513 = tpu.memref_squeeze %dma_start3A_512 : memref<1x1x128xi32, #tpu.memory_space<vmem>> -> memref<128xi32, #tpu.memory_space<vmem>>
    %dma_start3A_514 = arith.constant 0 : i32
    %dma_start3A_515 = arith.constant 0 : i32
    %dma_start3A_516 = tpu.memref_slice %arg4[%dma_start3A_514, %dma_start3A_515] : memref<1000002x64xf32, #tpu.memory_space<hbm>> -> memref<1000002x64xf32, #tpu.memory_space<hbm>>
    tpu.enqueue_indirect_dma source(%dma_start3A_516 : memref<1000002x64xf32, #tpu.memory_space<hbm>>) target(%dma_start3A_510 : memref<128x64xf32, #tpu.memory_space<vmem>>) offsets(%dma_start3A_513 : memref<128xi32, #tpu.memory_space<vmem>>) semaphore(%arg18 : memref<!tpu.dma_semaphore, #tpu.memory_space<semaphore_mem>>)
    %dma_start3A_517 = arith.constant 3 : i32
    %dma_start3A_518 = arith.constant 0 : i32
    %dma_start3A_519 = arith.constant 3 : i32
    %dma_start3A_520 = arith.constant 0 : i32
    %dma_start3A_521 = arith.constant 0 : i32
    %dma_start3A_522 = arith.constant 0 : i32
    %dma_start3A_523 = tpu.memref_slice %arg10[%dma_start3A_519, %dma_start3A_520, %dma_start3A_521, %dma_start3A_522] : memref<4x2x128x32xf32, #tpu.memory_space<vmem>> -> memref<1x1x128x32xf32, #tpu.memory_space<vmem>>
    %dma_start3A_524 = tpu.memref_squeeze %dma_start3A_523 : memref<1x1x128x32xf32, #tpu.memory_space<vmem>> -> memref<128x32xf32, #tpu.memory_space<vmem>>
    %dma_start3A_525 = arith.constant 0 : i32
    %dma_start3A_526 = tpu.memref_slice %arg8[%dma_start3A_517, %dma_start3A_518, %dma_start3A_525] : memref<4x2x128xi32, #tpu.memory_space<vmem>> -> memref<1x1x128xi32, #tpu.memory_space<vmem>>
    %dma_start3A_527 = tpu.memref_squeeze %dma_start3A_526 : memref<1x1x128xi32, #tpu.memory_space<vmem>> -> memref<128xi32, #tpu.memory_space<vmem>>
    %dma_start3A_528 = arith.constant 0 : i32
    %dma_start3A_529 = arith.constant 0 : i32
    %dma_start3A_530 = tpu.memref_slice %arg5[%dma_start3A_528, %dma_start3A_529] : memref<93x32xf32, #tpu.memory_space<hbm>> -> memref<93x32xf32, #tpu.memory_space<hbm>>
    tpu.enqueue_indirect_dma source(%dma_start3A_530 : memref<93x32xf32, #tpu.memory_space<hbm>>) target(%dma_start3A_524 : memref<128x32xf32, #tpu.memory_space<vmem>>) offsets(%dma_start3A_527 : memref<128xi32, #tpu.memory_space<vmem>>) semaphore(%arg18 : memref<!tpu.dma_semaphore, #tpu.memory_space<semaphore_mem>>)
    %dma_start3A_531 = arith.constant 3 : i32
    %dma_start3A_532 = arith.constant 1 : i32
    %dma_start3A_533 = arith.constant 3 : i32
    %dma_start3A_534 = arith.constant 1 : i32
    %dma_start3A_535 = arith.constant 0 : i32
    %dma_start3A_536 = arith.constant 0 : i32
    %dma_start3A_537 = tpu.memref_slice %arg9[%dma_start3A_533, %dma_start3A_534, %dma_start3A_535, %dma_start3A_536] : memref<4x2x128x64xf32, #tpu.memory_space<vmem>> -> memref<1x1x128x64xf32, #tpu.memory_space<vmem>>
    %dma_start3A_538 = tpu.memref_squeeze %dma_start3A_537 : memref<1x1x128x64xf32, #tpu.memory_space<vmem>> -> memref<128x64xf32, #tpu.memory_space<vmem>>
    %dma_start3A_539 = arith.constant 0 : i32
    %dma_start3A_540 = tpu.memref_slice %arg7[%dma_start3A_531, %dma_start3A_532, %dma_start3A_539] : memref<4x2x128xi32, #tpu.memory_space<vmem>> -> memref<1x1x128xi32, #tpu.memory_space<vmem>>
    %dma_start3A_541 = tpu.memref_squeeze %dma_start3A_540 : memref<1x1x128xi32, #tpu.memory_space<vmem>> -> memref<128xi32, #tpu.memory_space<vmem>>
    %dma_start3A_542 = arith.constant 0 : i32
    %dma_start3A_543 = arith.constant 0 : i32
    %dma_start3A_544 = tpu.memref_slice %arg4[%dma_start3A_542, %dma_start3A_543] : memref<1000002x64xf32, #tpu.memory_space<hbm>> -> memref<1000002x64xf32, #tpu.memory_space<hbm>>
    tpu.enqueue_indirect_dma source(%dma_start3A_544 : memref<1000002x64xf32, #tpu.memory_space<hbm>>) target(%dma_start3A_538 : memref<128x64xf32, #tpu.memory_space<vmem>>) offsets(%dma_start3A_541 : memref<128xi32, #tpu.memory_space<vmem>>) semaphore(%arg18 : memref<!tpu.dma_semaphore, #tpu.memory_space<semaphore_mem>>)
    %dma_start3A_545 = arith.constant 3 : i32
    %dma_start3A_546 = arith.constant 1 : i32
    %dma_start3A_547 = arith.constant 3 : i32
    %dma_start3A_548 = arith.constant 1 : i32
    %dma_start3A_549 = arith.constant 0 : i32
    %dma_start3A_550 = arith.constant 0 : i32
    %dma_start3A_551 = tpu.memref_slice %arg10[%dma_start3A_547, %dma_start3A_548, %dma_start3A_549, %dma_start3A_550] : memref<4x2x128x32xf32, #tpu.memory_space<vmem>> -> memref<1x1x128x32xf32, #tpu.memory_space<vmem>>
    %dma_start3A_552 = tpu.memref_squeeze %dma_start3A_551 : memref<1x1x128x32xf32, #tpu.memory_space<vmem>> -> memref<128x32xf32, #tpu.memory_space<vmem>>
    %dma_start3A_553 = arith.constant 0 : i32
    %dma_start3A_554 = tpu.memref_slice %arg8[%dma_start3A_545, %dma_start3A_546, %dma_start3A_553] : memref<4x2x128xi32, #tpu.memory_space<vmem>> -> memref<1x1x128xi32, #tpu.memory_space<vmem>>
    %dma_start3A_555 = tpu.memref_squeeze %dma_start3A_554 : memref<1x1x128xi32, #tpu.memory_space<vmem>> -> memref<128xi32, #tpu.memory_space<vmem>>
    %dma_start3A_556 = arith.constant 0 : i32
    %dma_start3A_557 = arith.constant 0 : i32
    %dma_start3A_558 = tpu.memref_slice %arg5[%dma_start3A_556, %dma_start3A_557] : memref<93x32xf32, #tpu.memory_space<hbm>> -> memref<93x32xf32, #tpu.memory_space<hbm>>
    tpu.enqueue_indirect_dma source(%dma_start3A_558 : memref<93x32xf32, #tpu.memory_space<hbm>>) target(%dma_start3A_552 : memref<128x32xf32, #tpu.memory_space<vmem>>) offsets(%dma_start3A_555 : memref<128xi32, #tpu.memory_space<vmem>>) semaphore(%arg18 : memref<!tpu.dma_semaphore, #tpu.memory_space<semaphore_mem>>)
    %dma_wait3A_559 = arith.constant 1 : i32
    %dma_wait3A_560 = arith.constant 0 : i32
    %dma_wait3A_561 = arith.constant 0 : i32
    %dma_wait3A_562 = arith.constant 0 : i32
    %dma_wait3A_563 = tpu.memref_slice %arg9[%dma_wait3A_559, %dma_wait3A_560, %dma_wait3A_561, %dma_wait3A_562] : memref<4x2x128x64xf32, #tpu.memory_space<vmem>> -> memref<1x2x128x64xf32, #tpu.memory_space<vmem>>
    %dma_wait3A_564 = tpu.memref_squeeze %dma_wait3A_563 : memref<1x2x128x64xf32, #tpu.memory_space<vmem>> -> memref<2x128x64xf32, #tpu.memory_space<vmem>>
    %dma_wait3A_565 = arith.constant 0 : i32
    %dma_wait3A_566 = arith.constant 0 : i32
    %dma_wait3A_567 = arith.constant 0 : i32
    %dma_wait3A_568 = tpu.memref_slice %arg6[%dma_wait3A_565, %dma_wait3A_566, %dma_wait3A_567] : memref<6400x128x96xf32, #tpu.memory_space<hbm>> -> memref<2x128x64xf32, #tpu.memory_space<hbm>>
    %dma_wait3A_569 = arith.constant 0 : i32
    %dma_wait3A_570 = arith.constant 0 : i32
    %dma_wait3A_571 = arith.constant 0 : i32
    %dma_wait3A_572 = tpu.memref_slice %arg9[%dma_wait3A_559, %dma_wait3A_569, %dma_wait3A_570, %dma_wait3A_571] : memref<4x2x128x64xf32, #tpu.memory_space<vmem>> -> memref<1x2x128x64xf32, #tpu.memory_space<vmem>>
    %dma_wait3A_573 = tpu.memref_squeeze %dma_wait3A_572 : memref<1x2x128x64xf32, #tpu.memory_space<vmem>> -> memref<2x128x64xf32, #tpu.memory_space<vmem>>
    %dma_wait3A_574 = arith.constant 0 : i32
    %dma_wait3A_575 = arith.constant 0 : i32
    %dma_wait3A_576 = arith.constant 0 : i32
    %dma_wait3A_577 = tpu.memref_slice %arg6[%dma_wait3A_574, %dma_wait3A_575, %dma_wait3A_576] : memref<6400x128x96xf32, #tpu.memory_space<hbm>> -> memref<2x128x64xf32, #tpu.memory_space<hbm>>
    tpu.wait_dma2 semaphore(%arg16 : memref<!tpu.dma_semaphore, #tpu.memory_space<semaphore_mem>>) src(%dma_wait3A_577 : memref<2x128x64xf32, #tpu.memory_space<hbm>>) dst(%dma_wait3A_573 : memref<2x128x64xf32, #tpu.memory_space<vmem>>)
    %dma_wait3A_578 = arith.constant 1 : i32
    %dma_wait3A_579 = arith.constant 0 : i32
    %dma_wait3A_580 = arith.constant 0 : i32
    %dma_wait3A_581 = arith.constant 0 : i32
    %dma_wait3A_582 = tpu.memref_slice %arg10[%dma_wait3A_578, %dma_wait3A_579, %dma_wait3A_580, %dma_wait3A_581] : memref<4x2x128x32xf32, #tpu.memory_space<vmem>> -> memref<1x2x128x32xf32, #tpu.memory_space<vmem>>
    %dma_wait3A_583 = tpu.memref_squeeze %dma_wait3A_582 : memref<1x2x128x32xf32, #tpu.memory_space<vmem>> -> memref<2x128x32xf32, #tpu.memory_space<vmem>>
    %dma_wait3A_584 = arith.constant 0 : i32
    %dma_wait3A_585 = arith.constant 0 : i32
    %dma_wait3A_586 = arith.constant 64 : i32
    %dma_wait3A_587 = tpu.memref_slice %arg6[%dma_wait3A_584, %dma_wait3A_585, %dma_wait3A_586] : memref<6400x128x96xf32, #tpu.memory_space<hbm>> -> memref<2x128x32xf32, #tpu.memory_space<hbm>>
    %dma_wait3A_588 = arith.constant 0 : i32
    %dma_wait3A_589 = arith.constant 0 : i32
    %dma_wait3A_590 = arith.constant 0 : i32
    %dma_wait3A_591 = tpu.memref_slice %arg10[%dma_wait3A_578, %dma_wait3A_588, %dma_wait3A_589, %dma_wait3A_590] : memref<4x2x128x32xf32, #tpu.memory_space<vmem>> -> memref<1x2x128x32xf32, #tpu.memory_space<vmem>>
    %dma_wait3A_592 = tpu.memref_squeeze %dma_wait3A_591 : memref<1x2x128x32xf32, #tpu.memory_space<vmem>> -> memref<2x128x32xf32, #tpu.memory_space<vmem>>
    %dma_wait3A_593 = arith.constant 0 : i32
    %dma_wait3A_594 = arith.constant 0 : i32
    %dma_wait3A_595 = arith.constant 64 : i32
    %dma_wait3A_596 = tpu.memref_slice %arg6[%dma_wait3A_593, %dma_wait3A_594, %dma_wait3A_595] : memref<6400x128x96xf32, #tpu.memory_space<hbm>> -> memref<2x128x32xf32, #tpu.memory_space<hbm>>
    tpu.wait_dma2 semaphore(%arg16 : memref<!tpu.dma_semaphore, #tpu.memory_space<semaphore_mem>>) src(%dma_wait3A_596 : memref<2x128x32xf32, #tpu.memory_space<hbm>>) dst(%dma_wait3A_592 : memref<2x128x32xf32, #tpu.memory_space<vmem>>)
    %add3A_597 = arith.constant 2 : i32
    %add3A_598 = arith.addi %mul3A_2, %add3A_597 : i32
    %dma_start3A_599 = arith.constant 1 : i32
    %dma_start3A_600 = arith.constant 0 : i32
    %dma_start3A_601 = arith.constant 0 : i32
    %dma_start3A_602 = arith.constant 0 : i32
    %dma_start3A_603 = tpu.memref_slice %arg9[%dma_start3A_599, %dma_start3A_600, %dma_start3A_601, %dma_start3A_602] : memref<4x2x128x64xf32, #tpu.memory_space<vmem>> -> memref<1x2x128x64xf32, #tpu.memory_space<vmem>>
    %dma_start3A_604 = tpu.memref_squeeze %dma_start3A_603 : memref<1x2x128x64xf32, #tpu.memory_space<vmem>> -> memref<2x128x64xf32, #tpu.memory_space<vmem>>
    %dma_start3A_605 = arith.constant 0 : i32
    %dma_start3A_606 = arith.constant 0 : i32
    %dma_start3A_607 = tpu.memref_slice %arg6[%add3A_598, %dma_start3A_605, %dma_start3A_606] : memref<6400x128x96xf32, #tpu.memory_space<hbm>> -> memref<2x128x64xf32, #tpu.memory_space<hbm>>
    %dma_start3A_608 = arith.constant 0 : i32
    %dma_start3A_609 = arith.constant 0 : i32
    %dma_start3A_610 = tpu.memref_slice %arg6[%add3A_598, %dma_start3A_608, %dma_start3A_609] : memref<6400x128x96xf32, #tpu.memory_space<hbm>> -> memref<2x128x64xf32, #tpu.memory_space<hbm>>
    %dma_start3A_611 = arith.constant 0 : i32
    %dma_start3A_612 = arith.constant 0 : i32
    %dma_start3A_613 = arith.constant 0 : i32
    %dma_start3A_614 = tpu.memref_slice %arg9[%dma_start3A_599, %dma_start3A_611, %dma_start3A_612, %dma_start3A_613] : memref<4x2x128x64xf32, #tpu.memory_space<vmem>> -> memref<1x2x128x64xf32, #tpu.memory_space<vmem>>
    %dma_start3A_615 = tpu.memref_squeeze %dma_start3A_614 : memref<1x2x128x64xf32, #tpu.memory_space<vmem>> -> memref<2x128x64xf32, #tpu.memory_space<vmem>>
    tpu.enqueue_dma source(%dma_start3A_615 : memref<2x128x64xf32, #tpu.memory_space<vmem>>) target(%dma_start3A_610 : memref<2x128x64xf32, #tpu.memory_space<hbm>>) target_semaphore(%arg20 : memref<!tpu.dma_semaphore, #tpu.memory_space<semaphore_mem>>)
    %dma_start3A_616 = arith.constant 1 : i32
    %dma_start3A_617 = arith.constant 0 : i32
    %dma_start3A_618 = arith.constant 0 : i32
    %dma_start3A_619 = arith.constant 0 : i32
    %dma_start3A_620 = tpu.memref_slice %arg10[%dma_start3A_616, %dma_start3A_617, %dma_start3A_618, %dma_start3A_619] : memref<4x2x128x32xf32, #tpu.memory_space<vmem>> -> memref<1x2x128x32xf32, #tpu.memory_space<vmem>>
    %dma_start3A_621 = tpu.memref_squeeze %dma_start3A_620 : memref<1x2x128x32xf32, #tpu.memory_space<vmem>> -> memref<2x128x32xf32, #tpu.memory_space<vmem>>
    %dma_start3A_622 = arith.constant 0 : i32
    %dma_start3A_623 = arith.constant 64 : i32
    %dma_start3A_624 = tpu.memref_slice %arg6[%add3A_598, %dma_start3A_622, %dma_start3A_623] : memref<6400x128x96xf32, #tpu.memory_space<hbm>> -> memref<2x128x32xf32, #tpu.memory_space<hbm>>
    %dma_start3A_625 = arith.constant 0 : i32
    %dma_start3A_626 = arith.constant 64 : i32
    %dma_start3A_627 = tpu.memref_slice %arg6[%add3A_598, %dma_start3A_625, %dma_start3A_626] : memref<6400x128x96xf32, #tpu.memory_space<hbm>> -> memref<2x128x32xf32, #tpu.memory_space<hbm>>
    %dma_start3A_628 = arith.constant 0 : i32
    %dma_start3A_629 = arith.constant 0 : i32
    %dma_start3A_630 = arith.constant 0 : i32
    %dma_start3A_631 = tpu.memref_slice %arg10[%dma_start3A_616, %dma_start3A_628, %dma_start3A_629, %dma_start3A_630] : memref<4x2x128x32xf32, #tpu.memory_space<vmem>> -> memref<1x2x128x32xf32, #tpu.memory_space<vmem>>
    %dma_start3A_632 = tpu.memref_squeeze %dma_start3A_631 : memref<1x2x128x32xf32, #tpu.memory_space<vmem>> -> memref<2x128x32xf32, #tpu.memory_space<vmem>>
    tpu.enqueue_dma source(%dma_start3A_632 : memref<2x128x32xf32, #tpu.memory_space<vmem>>) target(%dma_start3A_627 : memref<2x128x32xf32, #tpu.memory_space<hbm>>) target_semaphore(%arg20 : memref<!tpu.dma_semaphore, #tpu.memory_space<semaphore_mem>>)
    %add3A_633 = arith.constant 10 : i32
    %add3A_634 = arith.addi %mul3A_2, %add3A_633 : i32
    %dma_start3A_635 = arith.constant 1 : i32
    %dma_start3A_636 = arith.constant 0 : i32
    %dma_start3A_637 = arith.constant 0 : i32
    %dma_start3A_638 = tpu.memref_slice %arg7[%dma_start3A_635, %dma_start3A_636, %dma_start3A_637] : memref<4x2x128xi32, #tpu.memory_space<vmem>> -> memref<1x2x128xi32, #tpu.memory_space<vmem>>
    %dma_start3A_639 = tpu.memref_squeeze %dma_start3A_638 : memref<1x2x128xi32, #tpu.memory_space<vmem>> -> memref<2x128xi32, #tpu.memory_space<vmem>>
    %dma_start3A_640 = arith.constant 0 : i32
    %dma_start3A_641 = tpu.memref_slice %arg2[%add3A_634, %dma_start3A_640] : memref<6400x128xi32, #tpu.memory_space<hbm>> -> memref<2x128xi32, #tpu.memory_space<hbm>>
    %dma_start3A_642 = arith.constant 0 : i32
    %dma_start3A_643 = arith.constant 0 : i32
    %dma_start3A_644 = tpu.memref_slice %arg7[%dma_start3A_635, %dma_start3A_642, %dma_start3A_643] : memref<4x2x128xi32, #tpu.memory_space<vmem>> -> memref<1x2x128xi32, #tpu.memory_space<vmem>>
    %dma_start3A_645 = tpu.memref_squeeze %dma_start3A_644 : memref<1x2x128xi32, #tpu.memory_space<vmem>> -> memref<2x128xi32, #tpu.memory_space<vmem>>
    %dma_start3A_646 = arith.constant 0 : i32
    %dma_start3A_647 = tpu.memref_slice %arg2[%add3A_634, %dma_start3A_646] : memref<6400x128xi32, #tpu.memory_space<hbm>> -> memref<2x128xi32, #tpu.memory_space<hbm>>
    tpu.enqueue_dma source(%dma_start3A_647 : memref<2x128xi32, #tpu.memory_space<hbm>>) target(%dma_start3A_645 : memref<2x128xi32, #tpu.memory_space<vmem>>) target_semaphore(%arg12 : memref<!tpu.dma_semaphore, #tpu.memory_space<semaphore_mem>>)
    %dma_start3A_648 = arith.constant 1 : i32
    %dma_start3A_649 = arith.constant 0 : i32
    %dma_start3A_650 = arith.constant 0 : i32
    %dma_start3A_651 = tpu.memref_slice %arg8[%dma_start3A_648, %dma_start3A_649, %dma_start3A_650] : memref<4x2x128xi32, #tpu.memory_space<vmem>> -> memref<1x2x128xi32, #tpu.memory_space<vmem>>
    %dma_start3A_652 = tpu.memref_squeeze %dma_start3A_651 : memref<1x2x128xi32, #tpu.memory_space<vmem>> -> memref<2x128xi32, #tpu.memory_space<vmem>>
    %dma_start3A_653 = arith.constant 0 : i32
    %dma_start3A_654 = tpu.memref_slice %arg3[%add3A_634, %dma_start3A_653] : memref<6400x128xi32, #tpu.memory_space<hbm>> -> memref<2x128xi32, #tpu.memory_space<hbm>>
    %dma_start3A_655 = arith.constant 0 : i32
    %dma_start3A_656 = arith.constant 0 : i32
    %dma_start3A_657 = tpu.memref_slice %arg8[%dma_start3A_648, %dma_start3A_655, %dma_start3A_656] : memref<4x2x128xi32, #tpu.memory_space<vmem>> -> memref<1x2x128xi32, #tpu.memory_space<vmem>>
    %dma_start3A_658 = tpu.memref_squeeze %dma_start3A_657 : memref<1x2x128xi32, #tpu.memory_space<vmem>> -> memref<2x128xi32, #tpu.memory_space<vmem>>
    %dma_start3A_659 = arith.constant 0 : i32
    %dma_start3A_660 = tpu.memref_slice %arg3[%add3A_634, %dma_start3A_659] : memref<6400x128xi32, #tpu.memory_space<hbm>> -> memref<2x128xi32, #tpu.memory_space<hbm>>
    tpu.enqueue_dma source(%dma_start3A_660 : memref<2x128xi32, #tpu.memory_space<hbm>>) target(%dma_start3A_658 : memref<2x128xi32, #tpu.memory_space<vmem>>) target_semaphore(%arg12 : memref<!tpu.dma_semaphore, #tpu.memory_space<semaphore_mem>>)
    %scan3A = arith.constant 0 : i32
    %scan3A_661 = arith.constant 0 : i32
    %scan3A_662 = arith.constant 24 : i32
    %scan3A_663 = arith.addi %scan3A_661, %scan3A_662 : i32
    %scan3A_664 = arith.constant 1 : i32
    scf.for %scan3A_1026 = %scan3A_661 to %scan3A_663 step %scan3A_664  : i32 {
      %mul3A_1027 = arith.constant 4 : i32
      %mul3A_1028 = arith.muli %mul3A_1027, %scan3A_1026 : i32
      %add3A_1029 = arith.constant 4 : i32
      %add3A_1030 = arith.addi %add3A_1029, %mul3A_1028 : i32
      %add3A_1031 = arith.constant 0 : i32
      %add3A_1032 = arith.addi %add3A_1030, %add3A_1031 : i32
      %dma_wait3A_1033 = arith.constant 0 : i32
      %dma_wait3A_1034 = arith.constant 0 : i32
      %dma_wait3A_1035 = arith.constant 0 : i32
      %dma_wait3A_1036 = arith.constant 0 : i32
      %dma_wait3A_1037 = tpu.memref_slice %arg9[%dma_wait3A_1033, %dma_wait3A_1034, %dma_wait3A_1035, %dma_wait3A_1036] : memref<4x2x128x64xf32, #tpu.memory_space<vmem>> -> memref<1x2x128x64xf32, #tpu.memory_space<vmem>>
      %dma_wait3A_1038 = tpu.memref_squeeze %dma_wait3A_1037 : memref<1x2x128x64xf32, #tpu.memory_space<vmem>> -> memref<2x128x64xf32, #tpu.memory_space<vmem>>
      %dma_wait3A_1039 = arith.constant 0 : i32
      %dma_wait3A_1040 = arith.constant 0 : i32
      %dma_wait3A_1041 = arith.constant 0 : i32
      %dma_wait3A_1042 = tpu.memref_slice %arg6[%dma_wait3A_1039, %dma_wait3A_1040, %dma_wait3A_1041] : memref<6400x128x96xf32, #tpu.memory_space<hbm>> -> memref<2x128x64xf32, #tpu.memory_space<hbm>>
      %dma_wait3A_1043 = arith.constant 0 : i32
      %dma_wait3A_1044 = arith.constant 0 : i32
      %dma_wait3A_1045 = arith.constant 0 : i32
      %dma_wait3A_1046 = tpu.memref_slice %arg6[%dma_wait3A_1043, %dma_wait3A_1044, %dma_wait3A_1045] : memref<6400x128x96xf32, #tpu.memory_space<hbm>> -> memref<2x128x64xf32, #tpu.memory_space<hbm>>
      %dma_wait3A_1047 = arith.constant 0 : i32
      %dma_wait3A_1048 = arith.constant 0 : i32
      %dma_wait3A_1049 = arith.constant 0 : i32
      %dma_wait3A_1050 = tpu.memref_slice %arg9[%dma_wait3A_1033, %dma_wait3A_1047, %dma_wait3A_1048, %dma_wait3A_1049] : memref<4x2x128x64xf32, #tpu.memory_space<vmem>> -> memref<1x2x128x64xf32, #tpu.memory_space<vmem>>
      %dma_wait3A_1051 = tpu.memref_squeeze %dma_wait3A_1050 : memref<1x2x128x64xf32, #tpu.memory_space<vmem>> -> memref<2x128x64xf32, #tpu.memory_space<vmem>>
      tpu.wait_dma2 semaphore(%arg19 : memref<!tpu.dma_semaphore, #tpu.memory_space<semaphore_mem>>) src(%dma_wait3A_1051 : memref<2x128x64xf32, #tpu.memory_space<vmem>>) dst(%dma_wait3A_1046 : memref<2x128x64xf32, #tpu.memory_space<hbm>>)
      %dma_wait3A_1052 = arith.constant 0 : i32
      %dma_wait3A_1053 = arith.constant 0 : i32
      %dma_wait3A_1054 = arith.constant 0 : i32
      %dma_wait3A_1055 = arith.constant 0 : i32
      %dma_wait3A_1056 = tpu.memref_slice %arg10[%dma_wait3A_1052, %dma_wait3A_1053, %dma_wait3A_1054, %dma_wait3A_1055] : memref<4x2x128x32xf32, #tpu.memory_space<vmem>> -> memref<1x2x128x32xf32, #tpu.memory_space<vmem>>
      %dma_wait3A_1057 = tpu.memref_squeeze %dma_wait3A_1056 : memref<1x2x128x32xf32, #tpu.memory_space<vmem>> -> memref<2x128x32xf32, #tpu.memory_space<vmem>>
      %dma_wait3A_1058 = arith.constant 0 : i32
      %dma_wait3A_1059 = arith.constant 0 : i32
      %dma_wait3A_1060 = arith.constant 64 : i32
      %dma_wait3A_1061 = tpu.memref_slice %arg6[%dma_wait3A_1058, %dma_wait3A_1059, %dma_wait3A_1060] : memref<6400x128x96xf32, #tpu.memory_space<hbm>> -> memref<2x128x32xf32, #tpu.memory_space<hbm>>
      %dma_wait3A_1062 = arith.constant 0 : i32
      %dma_wait3A_1063 = arith.constant 0 : i32
      %dma_wait3A_1064 = arith.constant 64 : i32
      %dma_wait3A_1065 = tpu.memref_slice %arg6[%dma_wait3A_1062, %dma_wait3A_1063, %dma_wait3A_1064] : memref<6400x128x96xf32, #tpu.memory_space<hbm>> -> memref<2x128x32xf32, #tpu.memory_space<hbm>>
      %dma_wait3A_1066 = arith.constant 0 : i32
      %dma_wait3A_1067 = arith.constant 0 : i32
      %dma_wait3A_1068 = arith.constant 0 : i32
      %dma_wait3A_1069 = tpu.memref_slice %arg10[%dma_wait3A_1052, %dma_wait3A_1066, %dma_wait3A_1067, %dma_wait3A_1068] : memref<4x2x128x32xf32, #tpu.memory_space<vmem>> -> memref<1x2x128x32xf32, #tpu.memory_space<vmem>>
      %dma_wait3A_1070 = tpu.memref_squeeze %dma_wait3A_1069 : memref<1x2x128x32xf32, #tpu.memory_space<vmem>> -> memref<2x128x32xf32, #tpu.memory_space<vmem>>
      tpu.wait_dma2 semaphore(%arg19 : memref<!tpu.dma_semaphore, #tpu.memory_space<semaphore_mem>>) src(%dma_wait3A_1070 : memref<2x128x32xf32, #tpu.memory_space<vmem>>) dst(%dma_wait3A_1065 : memref<2x128x32xf32, #tpu.memory_space<hbm>>)
      %dma_wait3A_1071 = arith.constant 0 : i32
      %dma_wait3A_1072 = arith.constant 0 : i32
      %dma_wait3A_1073 = arith.constant 0 : i32
      %dma_wait3A_1074 = tpu.memref_slice %arg7[%dma_wait3A_1071, %dma_wait3A_1072, %dma_wait3A_1073] : memref<4x2x128xi32, #tpu.memory_space<vmem>> -> memref<1x2x128xi32, #tpu.memory_space<vmem>>
      %dma_wait3A_1075 = tpu.memref_squeeze %dma_wait3A_1074 : memref<1x2x128xi32, #tpu.memory_space<vmem>> -> memref<2x128xi32, #tpu.memory_space<vmem>>
      %dma_wait3A_1076 = arith.constant 0 : i32
      %dma_wait3A_1077 = arith.constant 0 : i32
      %dma_wait3A_1078 = tpu.memref_slice %arg2[%dma_wait3A_1076, %dma_wait3A_1077] : memref<6400x128xi32, #tpu.memory_space<hbm>> -> memref<2x128xi32, #tpu.memory_space<hbm>>
      %dma_wait3A_1079 = arith.constant 0 : i32
      %dma_wait3A_1080 = arith.constant 0 : i32
      %dma_wait3A_1081 = tpu.memref_slice %arg7[%dma_wait3A_1071, %dma_wait3A_1079, %dma_wait3A_1080] : memref<4x2x128xi32, #tpu.memory_space<vmem>> -> memref<1x2x128xi32, #tpu.memory_space<vmem>>
      %dma_wait3A_1082 = tpu.memref_squeeze %dma_wait3A_1081 : memref<1x2x128xi32, #tpu.memory_space<vmem>> -> memref<2x128xi32, #tpu.memory_space<vmem>>
      %dma_wait3A_1083 = arith.constant 0 : i32
      %dma_wait3A_1084 = arith.constant 0 : i32
      %dma_wait3A_1085 = tpu.memref_slice %arg2[%dma_wait3A_1083, %dma_wait3A_1084] : memref<6400x128xi32, #tpu.memory_space<hbm>> -> memref<2x128xi32, #tpu.memory_space<hbm>>
      tpu.wait_dma2 semaphore(%arg11 : memref<!tpu.dma_semaphore, #tpu.memory_space<semaphore_mem>>) src(%dma_wait3A_1085 : memref<2x128xi32, #tpu.memory_space<hbm>>) dst(%dma_wait3A_1082 : memref<2x128xi32, #tpu.memory_space<vmem>>)
      %dma_wait3A_1086 = arith.constant 0 : i32
      %dma_wait3A_1087 = arith.constant 0 : i32
      %dma_wait3A_1088 = arith.constant 0 : i32
      %dma_wait3A_1089 = tpu.memref_slice %arg8[%dma_wait3A_1086, %dma_wait3A_1087, %dma_wait3A_1088] : memref<4x2x128xi32, #tpu.memory_space<vmem>> -> memref<1x2x128xi32, #tpu.memory_space<vmem>>
      %dma_wait3A_1090 = tpu.memref_squeeze %dma_wait3A_1089 : memref<1x2x128xi32, #tpu.memory_space<vmem>> -> memref<2x128xi32, #tpu.memory_space<vmem>>
      %dma_wait3A_1091 = arith.constant 0 : i32
      %dma_wait3A_1092 = arith.constant 0 : i32
      %dma_wait3A_1093 = tpu.memref_slice %arg3[%dma_wait3A_1091, %dma_wait3A_1092] : memref<6400x128xi32, #tpu.memory_space<hbm>> -> memref<2x128xi32, #tpu.memory_space<hbm>>
      %dma_wait3A_1094 = arith.constant 0 : i32
      %dma_wait3A_1095 = arith.constant 0 : i32
      %dma_wait3A_1096 = tpu.memref_slice %arg8[%dma_wait3A_1086, %dma_wait3A_1094, %dma_wait3A_1095] : memref<4x2x128xi32, #tpu.memory_space<vmem>> -> memref<1x2x128xi32, #tpu.memory_space<vmem>>
      %dma_wait3A_1097 = tpu.memref_squeeze %dma_wait3A_1096 : memref<1x2x128xi32, #tpu.memory_space<vmem>> -> memref<2x128xi32, #tpu.memory_space<vmem>>
      %dma_wait3A_1098 = arith.constant 0 : i32
      %dma_wait3A_1099 = arith.constant 0 : i32
      %dma_wait3A_1100 = tpu.memref_slice %arg3[%dma_wait3A_1098, %dma_wait3A_1099] : memref<6400x128xi32, #tpu.memory_space<hbm>> -> memref<2x128xi32, #tpu.memory_space<hbm>>
      tpu.wait_dma2 semaphore(%arg11 : memref<!tpu.dma_semaphore, #tpu.memory_space<semaphore_mem>>) src(%dma_wait3A_1100 : memref<2x128xi32, #tpu.memory_space<hbm>>) dst(%dma_wait3A_1097 : memref<2x128xi32, #tpu.memory_space<vmem>>)
      %dma_start3A_1101 = arith.constant 0 : i32
      %dma_start3A_1102 = arith.constant 0 : i32
      %dma_start3A_1103 = arith.constant 0 : i32
      %dma_start3A_1104 = arith.constant 0 : i32
      %dma_start3A_1105 = arith.constant 0 : i32
      %dma_start3A_1106 = arith.constant 0 : i32
      %dma_start3A_1107 = tpu.memref_slice %arg9[%dma_start3A_1103, %dma_start3A_1104, %dma_start3A_1105, %dma_start3A_1106] : memref<4x2x128x64xf32, #tpu.memory_space<vmem>> -> memref<1x1x128x64xf32, #tpu.memory_space<vmem>>
      %dma_start3A_1108 = tpu.memref_squeeze %dma_start3A_1107 : memref<1x1x128x64xf32, #tpu.memory_space<vmem>> -> memref<128x64xf32, #tpu.memory_space<vmem>>
      %dma_start3A_1109 = arith.constant 0 : i32
      %dma_start3A_1110 = tpu.memref_slice %arg7[%dma_start3A_1101, %dma_start3A_1102, %dma_start3A_1109] : memref<4x2x128xi32, #tpu.memory_space<vmem>> -> memref<1x1x128xi32, #tpu.memory_space<vmem>>
      %dma_start3A_1111 = tpu.memref_squeeze %dma_start3A_1110 : memref<1x1x128xi32, #tpu.memory_space<vmem>> -> memref<128xi32, #tpu.memory_space<vmem>>
      %dma_start3A_1112 = arith.constant 0 : i32
      %dma_start3A_1113 = arith.constant 0 : i32
      %dma_start3A_1114 = tpu.memref_slice %arg4[%dma_start3A_1112, %dma_start3A_1113] : memref<1000002x64xf32, #tpu.memory_space<hbm>> -> memref<1000002x64xf32, #tpu.memory_space<hbm>>
      tpu.enqueue_indirect_dma source(%dma_start3A_1114 : memref<1000002x64xf32, #tpu.memory_space<hbm>>) target(%dma_start3A_1108 : memref<128x64xf32, #tpu.memory_space<vmem>>) offsets(%dma_start3A_1111 : memref<128xi32, #tpu.memory_space<vmem>>) semaphore(%arg15 : memref<!tpu.dma_semaphore, #tpu.memory_space<semaphore_mem>>)
      %dma_start3A_1115 = arith.constant 0 : i32
      %dma_start3A_1116 = arith.constant 0 : i32
      %dma_start3A_1117 = arith.constant 0 : i32
      %dma_start3A_1118 = arith.constant 0 : i32
      %dma_start3A_1119 = arith.constant 0 : i32
      %dma_start3A_1120 = arith.constant 0 : i32
      %dma_start3A_1121 = tpu.memref_slice %arg10[%dma_start3A_1117, %dma_start3A_1118, %dma_start3A_1119, %dma_start3A_1120] : memref<4x2x128x32xf32, #tpu.memory_space<vmem>> -> memref<1x1x128x32xf32, #tpu.memory_space<vmem>>
      %dma_start3A_1122 = tpu.memref_squeeze %dma_start3A_1121 : memref<1x1x128x32xf32, #tpu.memory_space<vmem>> -> memref<128x32xf32, #tpu.memory_space<vmem>>
      %dma_start3A_1123 = arith.constant 0 : i32
      %dma_start3A_1124 = tpu.memref_slice %arg8[%dma_start3A_1115, %dma_start3A_1116, %dma_start3A_1123] : memref<4x2x128xi32, #tpu.memory_space<vmem>> -> memref<1x1x128xi32, #tpu.memory_space<vmem>>
      %dma_start3A_1125 = tpu.memref_squeeze %dma_start3A_1124 : memref<1x1x128xi32, #tpu.memory_space<vmem>> -> memref<128xi32, #tpu.memory_space<vmem>>
      %dma_start3A_1126 = arith.constant 0 : i32
      %dma_start3A_1127 = arith.constant 0 : i32
      %dma_start3A_1128 = tpu.memref_slice %arg5[%dma_start3A_1126, %dma_start3A_1127] : memref<93x32xf32, #tpu.memory_space<hbm>> -> memref<93x32xf32, #tpu.memory_space<hbm>>
      tpu.enqueue_indirect_dma source(%dma_start3A_1128 : memref<93x32xf32, #tpu.memory_space<hbm>>) target(%dma_start3A_1122 : memref<128x32xf32, #tpu.memory_space<vmem>>) offsets(%dma_start3A_1125 : memref<128xi32, #tpu.memory_space<vmem>>) semaphore(%arg15 : memref<!tpu.dma_semaphore, #tpu.memory_space<semaphore_mem>>)
      %dma_start3A_1129 = arith.constant 0 : i32
      %dma_start3A_1130 = arith.constant 1 : i32
      %dma_start3A_1131 = arith.constant 0 : i32
      %dma_start3A_1132 = arith.constant 1 : i32
      %dma_start3A_1133 = arith.constant 0 : i32
      %dma_start3A_1134 = arith.constant 0 : i32
      %dma_start3A_1135 = tpu.memref_slice %arg9[%dma_start3A_1131, %dma_start3A_1132, %dma_start3A_1133, %dma_start3A_1134] : memref<4x2x128x64xf32, #tpu.memory_space<vmem>> -> memref<1x1x128x64xf32, #tpu.memory_space<vmem>>
      %dma_start3A_1136 = tpu.memref_squeeze %dma_start3A_1135 : memref<1x1x128x64xf32, #tpu.memory_space<vmem>> -> memref<128x64xf32, #tpu.memory_space<vmem>>
      %dma_start3A_1137 = arith.constant 0 : i32
      %dma_start3A_1138 = tpu.memref_slice %arg7[%dma_start3A_1129, %dma_start3A_1130, %dma_start3A_1137] : memref<4x2x128xi32, #tpu.memory_space<vmem>> -> memref<1x1x128xi32, #tpu.memory_space<vmem>>
      %dma_start3A_1139 = tpu.memref_squeeze %dma_start3A_1138 : memref<1x1x128xi32, #tpu.memory_space<vmem>> -> memref<128xi32, #tpu.memory_space<vmem>>
      %dma_start3A_1140 = arith.constant 0 : i32
      %dma_start3A_1141 = arith.constant 0 : i32
      %dma_start3A_1142 = tpu.memref_slice %arg4[%dma_start3A_1140, %dma_start3A_1141] : memref<1000002x64xf32, #tpu.memory_space<hbm>> -> memref<1000002x64xf32, #tpu.memory_space<hbm>>
      tpu.enqueue_indirect_dma source(%dma_start3A_1142 : memref<1000002x64xf32, #tpu.memory_space<hbm>>) target(%dma_start3A_1136 : memref<128x64xf32, #tpu.memory_space<vmem>>) offsets(%dma_start3A_1139 : memref<128xi32, #tpu.memory_space<vmem>>) semaphore(%arg15 : memref<!tpu.dma_semaphore, #tpu.memory_space<semaphore_mem>>)
      %dma_start3A_1143 = arith.constant 0 : i32
      %dma_start3A_1144 = arith.constant 1 : i32
      %dma_start3A_1145 = arith.constant 0 : i32
      %dma_start3A_1146 = arith.constant 1 : i32
      %dma_start3A_1147 = arith.constant 0 : i32
      %dma_start3A_1148 = arith.constant 0 : i32
      %dma_start3A_1149 = tpu.memref_slice %arg10[%dma_start3A_1145, %dma_start3A_1146, %dma_start3A_1147, %dma_start3A_1148] : memref<4x2x128x32xf32, #tpu.memory_space<vmem>> -> memref<1x1x128x32xf32, #tpu.memory_space<vmem>>
      %dma_start3A_1150 = tpu.memref_squeeze %dma_start3A_1149 : memref<1x1x128x32xf32, #tpu.memory_space<vmem>> -> memref<128x32xf32, #tpu.memory_space<vmem>>
      %dma_start3A_1151 = arith.constant 0 : i32
      %dma_start3A_1152 = tpu.memref_slice %arg8[%dma_start3A_1143, %dma_start3A_1144, %dma_start3A_1151] : memref<4x2x128xi32, #tpu.memory_space<vmem>> -> memref<1x1x128xi32, #tpu.memory_space<vmem>>
      %dma_start3A_1153 = tpu.memref_squeeze %dma_start3A_1152 : memref<1x1x128xi32, #tpu.memory_space<vmem>> -> memref<128xi32, #tpu.memory_space<vmem>>
      %dma_start3A_1154 = arith.constant 0 : i32
      %dma_start3A_1155 = arith.constant 0 : i32
      %dma_start3A_1156 = tpu.memref_slice %arg5[%dma_start3A_1154, %dma_start3A_1155] : memref<93x32xf32, #tpu.memory_space<hbm>> -> memref<93x32xf32, #tpu.memory_space<hbm>>
      tpu.enqueue_indirect_dma source(%dma_start3A_1156 : memref<93x32xf32, #tpu.memory_space<hbm>>) target(%dma_start3A_1150 : memref<128x32xf32, #tpu.memory_space<vmem>>) offsets(%dma_start3A_1153 : memref<128xi32, #tpu.memory_space<vmem>>) semaphore(%arg15 : memref<!tpu.dma_semaphore, #tpu.memory_space<semaphore_mem>>)
      %dma_wait3A_1157 = arith.constant 2 : i32
      %dma_wait3A_1158 = arith.constant 0 : i32
      %dma_wait3A_1159 = arith.constant 0 : i32
      %dma_wait3A_1160 = arith.constant 0 : i32
      %dma_wait3A_1161 = tpu.memref_slice %arg9[%dma_wait3A_1157, %dma_wait3A_1158, %dma_wait3A_1159, %dma_wait3A_1160] : memref<4x2x128x64xf32, #tpu.memory_space<vmem>> -> memref<1x2x128x64xf32, #tpu.memory_space<vmem>>
      %dma_wait3A_1162 = tpu.memref_squeeze %dma_wait3A_1161 : memref<1x2x128x64xf32, #tpu.memory_space<vmem>> -> memref<2x128x64xf32, #tpu.memory_space<vmem>>
      %dma_wait3A_1163 = arith.constant 0 : i32
      %dma_wait3A_1164 = arith.constant 0 : i32
      %dma_wait3A_1165 = arith.constant 0 : i32
      %dma_wait3A_1166 = tpu.memref_slice %arg6[%dma_wait3A_1163, %dma_wait3A_1164, %dma_wait3A_1165] : memref<6400x128x96xf32, #tpu.memory_space<hbm>> -> memref<2x128x64xf32, #tpu.memory_space<hbm>>
      %dma_wait3A_1167 = arith.constant 0 : i32
      %dma_wait3A_1168 = arith.constant 0 : i32
      %dma_wait3A_1169 = arith.constant 0 : i32
      %dma_wait3A_1170 = tpu.memref_slice %arg9[%dma_wait3A_1157, %dma_wait3A_1167, %dma_wait3A_1168, %dma_wait3A_1169] : memref<4x2x128x64xf32, #tpu.memory_space<vmem>> -> memref<1x2x128x64xf32, #tpu.memory_space<vmem>>
      %dma_wait3A_1171 = tpu.memref_squeeze %dma_wait3A_1170 : memref<1x2x128x64xf32, #tpu.memory_space<vmem>> -> memref<2x128x64xf32, #tpu.memory_space<vmem>>
      %dma_wait3A_1172 = arith.constant 0 : i32
      %dma_wait3A_1173 = arith.constant 0 : i32
      %dma_wait3A_1174 = arith.constant 0 : i32
      %dma_wait3A_1175 = tpu.memref_slice %arg6[%dma_wait3A_1172, %dma_wait3A_1173, %dma_wait3A_1174] : memref<6400x128x96xf32, #tpu.memory_space<hbm>> -> memref<2x128x64xf32, #tpu.memory_space<hbm>>
      tpu.wait_dma2 semaphore(%arg17 : memref<!tpu.dma_semaphore, #tpu.memory_space<semaphore_mem>>) src(%dma_wait3A_1175 : memref<2x128x64xf32, #tpu.memory_space<hbm>>) dst(%dma_wait3A_1171 : memref<2x128x64xf32, #tpu.memory_space<vmem>>)
      %dma_wait3A_1176 = arith.constant 2 : i32
      %dma_wait3A_1177 = arith.constant 0 : i32
      %dma_wait3A_1178 = arith.constant 0 : i32
      %dma_wait3A_1179 = arith.constant 0 : i32
      %dma_wait3A_1180 = tpu.memref_slice %arg10[%dma_wait3A_1176, %dma_wait3A_1177, %dma_wait3A_1178, %dma_wait3A_1179] : memref<4x2x128x32xf32, #tpu.memory_space<vmem>> -> memref<1x2x128x32xf32, #tpu.memory_space<vmem>>
      %dma_wait3A_1181 = tpu.memref_squeeze %dma_wait3A_1180 : memref<1x2x128x32xf32, #tpu.memory_space<vmem>> -> memref<2x128x32xf32, #tpu.memory_space<vmem>>
      %dma_wait3A_1182 = arith.constant 0 : i32
      %dma_wait3A_1183 = arith.constant 0 : i32
      %dma_wait3A_1184 = arith.constant 64 : i32
      %dma_wait3A_1185 = tpu.memref_slice %arg6[%dma_wait3A_1182, %dma_wait3A_1183, %dma_wait3A_1184] : memref<6400x128x96xf32, #tpu.memory_space<hbm>> -> memref<2x128x32xf32, #tpu.memory_space<hbm>>
      %dma_wait3A_1186 = arith.constant 0 : i32
      %dma_wait3A_1187 = arith.constant 0 : i32
      %dma_wait3A_1188 = arith.constant 0 : i32
      %dma_wait3A_1189 = tpu.memref_slice %arg10[%dma_wait3A_1176, %dma_wait3A_1186, %dma_wait3A_1187, %dma_wait3A_1188] : memref<4x2x128x32xf32, #tpu.memory_space<vmem>> -> memref<1x2x128x32xf32, #tpu.memory_space<vmem>>
      %dma_wait3A_1190 = tpu.memref_squeeze %dma_wait3A_1189 : memref<1x2x128x32xf32, #tpu.memory_space<vmem>> -> memref<2x128x32xf32, #tpu.memory_space<vmem>>
      %dma_wait3A_1191 = arith.constant 0 : i32
      %dma_wait3A_1192 = arith.constant 0 : i32
      %dma_wait3A_1193 = arith.constant 64 : i32
      %dma_wait3A_1194 = tpu.memref_slice %arg6[%dma_wait3A_1191, %dma_wait3A_1192, %dma_wait3A_1193] : memref<6400x128x96xf32, #tpu.memory_space<hbm>> -> memref<2x128x32xf32, #tpu.memory_space<hbm>>
      tpu.wait_dma2 semaphore(%arg17 : memref<!tpu.dma_semaphore, #tpu.memory_space<semaphore_mem>>) src(%dma_wait3A_1194 : memref<2x128x32xf32, #tpu.memory_space<hbm>>) dst(%dma_wait3A_1190 : memref<2x128x32xf32, #tpu.memory_space<vmem>>)
      %sub3A = arith.constant 2 : i32
      %sub3A_1195 = arith.subi %add3A_1032, %sub3A : i32
      %mul3A_1196 = arith.constant 2 : i32
      %mul3A_1197 = arith.muli %sub3A_1195, %mul3A_1196 : i32
      %add3A_1198 = arith.addi %mul3A_2, %mul3A_1197 : i32
      %dma_start3A_1199 = arith.constant 2 : i32
      %dma_start3A_1200 = arith.constant 0 : i32
      %dma_start3A_1201 = arith.constant 0 : i32
      %dma_start3A_1202 = arith.constant 0 : i32
      %dma_start3A_1203 = tpu.memref_slice %arg9[%dma_start3A_1199, %dma_start3A_1200, %dma_start3A_1201, %dma_start3A_1202] : memref<4x2x128x64xf32, #tpu.memory_space<vmem>> -> memref<1x2x128x64xf32, #tpu.memory_space<vmem>>
      %dma_start3A_1204 = tpu.memref_squeeze %dma_start3A_1203 : memref<1x2x128x64xf32, #tpu.memory_space<vmem>> -> memref<2x128x64xf32, #tpu.memory_space<vmem>>
      %dma_start3A_1205 = arith.constant 0 : i32
      %dma_start3A_1206 = arith.constant 0 : i32
      %dma_start3A_1207 = tpu.memref_slice %arg6[%add3A_1198, %dma_start3A_1205, %dma_start3A_1206] : memref<6400x128x96xf32, #tpu.memory_space<hbm>> -> memref<2x128x64xf32, #tpu.memory_space<hbm>>
      %dma_start3A_1208 = arith.constant 0 : i32
      %dma_start3A_1209 = arith.constant 0 : i32
      %dma_start3A_1210 = tpu.memref_slice %arg6[%add3A_1198, %dma_start3A_1208, %dma_start3A_1209] : memref<6400x128x96xf32, #tpu.memory_space<hbm>> -> memref<2x128x64xf32, #tpu.memory_space<hbm>>
      %dma_start3A_1211 = arith.constant 0 : i32
      %dma_start3A_1212 = arith.constant 0 : i32
      %dma_start3A_1213 = arith.constant 0 : i32
      %dma_start3A_1214 = tpu.memref_slice %arg9[%dma_start3A_1199, %dma_start3A_1211, %dma_start3A_1212, %dma_start3A_1213] : memref<4x2x128x64xf32, #tpu.memory_space<vmem>> -> memref<1x2x128x64xf32, #tpu.memory_space<vmem>>
      %dma_start3A_1215 = tpu.memref_squeeze %dma_start3A_1214 : memref<1x2x128x64xf32, #tpu.memory_space<vmem>> -> memref<2x128x64xf32, #tpu.memory_space<vmem>>
      tpu.enqueue_dma source(%dma_start3A_1215 : memref<2x128x64xf32, #tpu.memory_space<vmem>>) target(%dma_start3A_1210 : memref<2x128x64xf32, #tpu.memory_space<hbm>>) target_semaphore(%arg21 : memref<!tpu.dma_semaphore, #tpu.memory_space<semaphore_mem>>)
      %dma_start3A_1216 = arith.constant 2 : i32
      %dma_start3A_1217 = arith.constant 0 : i32
      %dma_start3A_1218 = arith.constant 0 : i32
      %dma_start3A_1219 = arith.constant 0 : i32
      %dma_start3A_1220 = tpu.memref_slice %arg10[%dma_start3A_1216, %dma_start3A_1217, %dma_start3A_1218, %dma_start3A_1219] : memref<4x2x128x32xf32, #tpu.memory_space<vmem>> -> memref<1x2x128x32xf32, #tpu.memory_space<vmem>>
      %dma_start3A_1221 = tpu.memref_squeeze %dma_start3A_1220 : memref<1x2x128x32xf32, #tpu.memory_space<vmem>> -> memref<2x128x32xf32, #tpu.memory_space<vmem>>
      %dma_start3A_1222 = arith.constant 0 : i32
      %dma_start3A_1223 = arith.constant 64 : i32
      %dma_start3A_1224 = tpu.memref_slice %arg6[%add3A_1198, %dma_start3A_1222, %dma_start3A_1223] : memref<6400x128x96xf32, #tpu.memory_space<hbm>> -> memref<2x128x32xf32, #tpu.memory_space<hbm>>
      %dma_start3A_1225 = arith.constant 0 : i32
      %dma_start3A_1226 = arith.constant 64 : i32
      %dma_start3A_1227 = tpu.memref_slice %arg6[%add3A_1198, %dma_start3A_1225, %dma_start3A_1226] : memref<6400x128x96xf32, #tpu.memory_space<hbm>> -> memref<2x128x32xf32, #tpu.memory_space<hbm>>
      %dma_start3A_1228 = arith.constant 0 : i32
      %dma_start3A_1229 = arith.constant 0 : i32
      %dma_start3A_1230 = arith.constant 0 : i32
      %dma_start3A_1231 = tpu.memref_slice %arg10[%dma_start3A_1216, %dma_start3A_1228, %dma_start3A_1229, %dma_start3A_1230] : memref<4x2x128x32xf32, #tpu.memory_space<vmem>> -> memref<1x2x128x32xf32, #tpu.memory_space<vmem>>
      %dma_start3A_1232 = tpu.memref_squeeze %dma_start3A_1231 : memref<1x2x128x32xf32, #tpu.memory_space<vmem>> -> memref<2x128x32xf32, #tpu.memory_space<vmem>>
      tpu.enqueue_dma source(%dma_start3A_1232 : memref<2x128x32xf32, #tpu.memory_space<vmem>>) target(%dma_start3A_1227 : memref<2x128x32xf32, #tpu.memory_space<hbm>>) target_semaphore(%arg21 : memref<!tpu.dma_semaphore, #tpu.memory_space<semaphore_mem>>)
      %add3A_1233 = arith.constant 2 : i32
      %add3A_1234 = arith.addi %add3A_1032, %add3A_1233 : i32
      %min3A = arith.constant 99 : i32
      %min3A_1235 = arith.minsi %add3A_1234, %min3A : i32
      %mul3A_1236 = arith.constant 2 : i32
      %mul3A_1237 = arith.muli %min3A_1235, %mul3A_1236 : i32
      %add3A_1238 = arith.addi %mul3A_2, %mul3A_1237 : i32
      %dma_start3A_1239 = arith.constant 2 : i32
      %dma_start3A_1240 = arith.constant 0 : i32
      %dma_start3A_1241 = arith.constant 0 : i32
      %dma_start3A_1242 = tpu.memref_slice %arg7[%dma_start3A_1239, %dma_start3A_1240, %dma_start3A_1241] : memref<4x2x128xi32, #tpu.memory_space<vmem>> -> memref<1x2x128xi32, #tpu.memory_space<vmem>>
      %dma_start3A_1243 = tpu.memref_squeeze %dma_start3A_1242 : memref<1x2x128xi32, #tpu.memory_space<vmem>> -> memref<2x128xi32, #tpu.memory_space<vmem>>
      %dma_start3A_1244 = arith.constant 0 : i32
      %dma_start3A_1245 = tpu.memref_slice %arg2[%add3A_1238, %dma_start3A_1244] : memref<6400x128xi32, #tpu.memory_space<hbm>> -> memref<2x128xi32, #tpu.memory_space<hbm>>
      %dma_start3A_1246 = arith.constant 0 : i32
      %dma_start3A_1247 = arith.constant 0 : i32
      %dma_start3A_1248 = tpu.memref_slice %arg7[%dma_start3A_1239, %dma_start3A_1246, %dma_start3A_1247] : memref<4x2x128xi32, #tpu.memory_space<vmem>> -> memref<1x2x128xi32, #tpu.memory_space<vmem>>
      %dma_start3A_1249 = tpu.memref_squeeze %dma_start3A_1248 : memref<1x2x128xi32, #tpu.memory_space<vmem>> -> memref<2x128xi32, #tpu.memory_space<vmem>>
      %dma_start3A_1250 = arith.constant 0 : i32
      %dma_start3A_1251 = tpu.memref_slice %arg2[%add3A_1238, %dma_start3A_1250] : memref<6400x128xi32, #tpu.memory_space<hbm>> -> memref<2x128xi32, #tpu.memory_space<hbm>>
      tpu.enqueue_dma source(%dma_start3A_1251 : memref<2x128xi32, #tpu.memory_space<hbm>>) target(%dma_start3A_1249 : memref<2x128xi32, #tpu.memory_space<vmem>>) target_semaphore(%arg13 : memref<!tpu.dma_semaphore, #tpu.memory_space<semaphore_mem>>)
      %dma_start3A_1252 = arith.constant 2 : i32
      %dma_start3A_1253 = arith.constant 0 : i32
      %dma_start3A_1254 = arith.constant 0 : i32
      %dma_start3A_1255 = tpu.memref_slice %arg8[%dma_start3A_1252, %dma_start3A_1253, %dma_start3A_1254] : memref<4x2x128xi32, #tpu.memory_space<vmem>> -> memref<1x2x128xi32, #tpu.memory_space<vmem>>
      %dma_start3A_1256 = tpu.memref_squeeze %dma_start3A_1255 : memref<1x2x128xi32, #tpu.memory_space<vmem>> -> memref<2x128xi32, #tpu.memory_space<vmem>>
      %dma_start3A_1257 = arith.constant 0 : i32
      %dma_start3A_1258 = tpu.memref_slice %arg3[%add3A_1238, %dma_start3A_1257] : memref<6400x128xi32, #tpu.memory_space<hbm>> -> memref<2x128xi32, #tpu.memory_space<hbm>>
      %dma_start3A_1259 = arith.constant 0 : i32
      %dma_start3A_1260 = arith.constant 0 : i32
      %dma_start3A_1261 = tpu.memref_slice %arg8[%dma_start3A_1252, %dma_start3A_1259, %dma_start3A_1260] : memref<4x2x128xi32, #tpu.memory_space<vmem>> -> memref<1x2x128xi32, #tpu.memory_space<vmem>>
      %dma_start3A_1262 = tpu.memref_squeeze %dma_start3A_1261 : memref<1x2x128xi32, #tpu.memory_space<vmem>> -> memref<2x128xi32, #tpu.memory_space<vmem>>
      %dma_start3A_1263 = arith.constant 0 : i32
      %dma_start3A_1264 = tpu.memref_slice %arg3[%add3A_1238, %dma_start3A_1263] : memref<6400x128xi32, #tpu.memory_space<hbm>> -> memref<2x128xi32, #tpu.memory_space<hbm>>
      tpu.enqueue_dma source(%dma_start3A_1264 : memref<2x128xi32, #tpu.memory_space<hbm>>) target(%dma_start3A_1262 : memref<2x128xi32, #tpu.memory_space<vmem>>) target_semaphore(%arg13 : memref<!tpu.dma_semaphore, #tpu.memory_space<semaphore_mem>>)
      %mul3A_1265 = arith.constant 4 : i32
      %mul3A_1266 = arith.muli %mul3A_1265, %scan3A_1026 : i32
      %add3A_1267 = arith.constant 4 : i32
      %add3A_1268 = arith.addi %add3A_1267, %mul3A_1266 : i32
      %add3A_1269 = arith.constant 1 : i32
      %add3A_1270 = arith.addi %add3A_1268, %add3A_1269 : i32
      %dma_wait3A_1271 = arith.constant 1 : i32
      %dma_wait3A_1272 = arith.constant 0 : i32
      %dma_wait3A_1273 = arith.constant 0 : i32
      %dma_wait3A_1274 = arith.constant 0 : i32
      %dma_wait3A_1275 = tpu.memref_slice %arg9[%dma_wait3A_1271, %dma_wait3A_1272, %dma_wait3A_1273, %dma_wait3A_1274] : memref<4x2x128x64xf32, #tpu.memory_space<vmem>> -> memref<1x2x128x64xf32, #tpu.memory_space<vmem>>
      %dma_wait3A_1276 = tpu.memref_squeeze %dma_wait3A_1275 : memref<1x2x128x64xf32, #tpu.memory_space<vmem>> -> memref<2x128x64xf32, #tpu.memory_space<vmem>>
      %dma_wait3A_1277 = arith.constant 0 : i32
      %dma_wait3A_1278 = arith.constant 0 : i32
      %dma_wait3A_1279 = arith.constant 0 : i32
      %dma_wait3A_1280 = tpu.memref_slice %arg6[%dma_wait3A_1277, %dma_wait3A_1278, %dma_wait3A_1279] : memref<6400x128x96xf32, #tpu.memory_space<hbm>> -> memref<2x128x64xf32, #tpu.memory_space<hbm>>
      %dma_wait3A_1281 = arith.constant 0 : i32
      %dma_wait3A_1282 = arith.constant 0 : i32
      %dma_wait3A_1283 = arith.constant 0 : i32
      %dma_wait3A_1284 = tpu.memref_slice %arg6[%dma_wait3A_1281, %dma_wait3A_1282, %dma_wait3A_1283] : memref<6400x128x96xf32, #tpu.memory_space<hbm>> -> memref<2x128x64xf32, #tpu.memory_space<hbm>>
      %dma_wait3A_1285 = arith.constant 0 : i32
      %dma_wait3A_1286 = arith.constant 0 : i32
      %dma_wait3A_1287 = arith.constant 0 : i32
      %dma_wait3A_1288 = tpu.memref_slice %arg9[%dma_wait3A_1271, %dma_wait3A_1285, %dma_wait3A_1286, %dma_wait3A_1287] : memref<4x2x128x64xf32, #tpu.memory_space<vmem>> -> memref<1x2x128x64xf32, #tpu.memory_space<vmem>>
      %dma_wait3A_1289 = tpu.memref_squeeze %dma_wait3A_1288 : memref<1x2x128x64xf32, #tpu.memory_space<vmem>> -> memref<2x128x64xf32, #tpu.memory_space<vmem>>
      tpu.wait_dma2 semaphore(%arg20 : memref<!tpu.dma_semaphore, #tpu.memory_space<semaphore_mem>>) src(%dma_wait3A_1289 : memref<2x128x64xf32, #tpu.memory_space<vmem>>) dst(%dma_wait3A_1284 : memref<2x128x64xf32, #tpu.memory_space<hbm>>)
      %dma_wait3A_1290 = arith.constant 1 : i32
      %dma_wait3A_1291 = arith.constant 0 : i32
      %dma_wait3A_1292 = arith.constant 0 : i32
      %dma_wait3A_1293 = arith.constant 0 : i32
      %dma_wait3A_1294 = tpu.memref_slice %arg10[%dma_wait3A_1290, %dma_wait3A_1291, %dma_wait3A_1292, %dma_wait3A_1293] : memref<4x2x128x32xf32, #tpu.memory_space<vmem>> -> memref<1x2x128x32xf32, #tpu.memory_space<vmem>>
      %dma_wait3A_1295 = tpu.memref_squeeze %dma_wait3A_1294 : memref<1x2x128x32xf32, #tpu.memory_space<vmem>> -> memref<2x128x32xf32, #tpu.memory_space<vmem>>
      %dma_wait3A_1296 = arith.constant 0 : i32
      %dma_wait3A_1297 = arith.constant 0 : i32
      %dma_wait3A_1298 = arith.constant 64 : i32
      %dma_wait3A_1299 = tpu.memref_slice %arg6[%dma_wait3A_1296, %dma_wait3A_1297, %dma_wait3A_1298] : memref<6400x128x96xf32, #tpu.memory_space<hbm>> -> memref<2x128x32xf32, #tpu.memory_space<hbm>>
      %dma_wait3A_1300 = arith.constant 0 : i32
      %dma_wait3A_1301 = arith.constant 0 : i32
      %dma_wait3A_1302 = arith.constant 64 : i32
      %dma_wait3A_1303 = tpu.memref_slice %arg6[%dma_wait3A_1300, %dma_wait3A_1301, %dma_wait3A_1302] : memref<6400x128x96xf32, #tpu.memory_space<hbm>> -> memref<2x128x32xf32, #tpu.memory_space<hbm>>
      %dma_wait3A_1304 = arith.constant 0 : i32
      %dma_wait3A_1305 = arith.constant 0 : i32
      %dma_wait3A_1306 = arith.constant 0 : i32
      %dma_wait3A_1307 = tpu.memref_slice %arg10[%dma_wait3A_1290, %dma_wait3A_1304, %dma_wait3A_1305, %dma_wait3A_1306] : memref<4x2x128x32xf32, #tpu.memory_space<vmem>> -> memref<1x2x128x32xf32, #tpu.memory_space<vmem>>
      %dma_wait3A_1308 = tpu.memref_squeeze %dma_wait3A_1307 : memref<1x2x128x32xf32, #tpu.memory_space<vmem>> -> memref<2x128x32xf32, #tpu.memory_space<vmem>>
      tpu.wait_dma2 semaphore(%arg20 : memref<!tpu.dma_semaphore, #tpu.memory_space<semaphore_mem>>) src(%dma_wait3A_1308 : memref<2x128x32xf32, #tpu.memory_space<vmem>>) dst(%dma_wait3A_1303 : memref<2x128x32xf32, #tpu.memory_space<hbm>>)
      %dma_wait3A_1309 = arith.constant 1 : i32
      %dma_wait3A_1310 = arith.constant 0 : i32
      %dma_wait3A_1311 = arith.constant 0 : i32
      %dma_wait3A_1312 = tpu.memref_slice %arg7[%dma_wait3A_1309, %dma_wait3A_1310, %dma_wait3A_1311] : memref<4x2x128xi32, #tpu.memory_space<vmem>> -> memref<1x2x128xi32, #tpu.memory_space<vmem>>
      %dma_wait3A_1313 = tpu.memref_squeeze %dma_wait3A_1312 : memref<1x2x128xi32, #tpu.memory_space<vmem>> -> memref<2x128xi32, #tpu.memory_space<vmem>>
      %dma_wait3A_1314 = arith.constant 0 : i32
      %dma_wait3A_1315 = arith.constant 0 : i32
      %dma_wait3A_1316 = tpu.memref_slice %arg2[%dma_wait3A_1314, %dma_wait3A_1315] : memref<6400x128xi32, #tpu.memory_space<hbm>> -> memref<2x128xi32, #tpu.memory_space<hbm>>
      %dma_wait3A_1317 = arith.constant 0 : i32
      %dma_wait3A_1318 = arith.constant 0 : i32
      %dma_wait3A_1319 = tpu.memref_slice %arg7[%dma_wait3A_1309, %dma_wait3A_1317, %dma_wait3A_1318] : memref<4x2x128xi32, #tpu.memory_space<vmem>> -> memref<1x2x128xi32, #tpu.memory_space<vmem>>
      %dma_wait3A_1320 = tpu.memref_squeeze %dma_wait3A_1319 : memref<1x2x128xi32, #tpu.memory_space<vmem>> -> memref<2x128xi32, #tpu.memory_space<vmem>>
      %dma_wait3A_1321 = arith.constant 0 : i32
      %dma_wait3A_1322 = arith.constant 0 : i32
      %dma_wait3A_1323 = tpu.memref_slice %arg2[%dma_wait3A_1321, %dma_wait3A_1322] : memref<6400x128xi32, #tpu.memory_space<hbm>> -> memref<2x128xi32, #tpu.memory_space<hbm>>
      tpu.wait_dma2 semaphore(%arg12 : memref<!tpu.dma_semaphore, #tpu.memory_space<semaphore_mem>>) src(%dma_wait3A_1323 : memref<2x128xi32, #tpu.memory_space<hbm>>) dst(%dma_wait3A_1320 : memref<2x128xi32, #tpu.memory_space<vmem>>)
      %dma_wait3A_1324 = arith.constant 1 : i32
      %dma_wait3A_1325 = arith.constant 0 : i32
      %dma_wait3A_1326 = arith.constant 0 : i32
      %dma_wait3A_1327 = tpu.memref_slice %arg8[%dma_wait3A_1324, %dma_wait3A_1325, %dma_wait3A_1326] : memref<4x2x128xi32, #tpu.memory_space<vmem>> -> memref<1x2x128xi32, #tpu.memory_space<vmem>>
      %dma_wait3A_1328 = tpu.memref_squeeze %dma_wait3A_1327 : memref<1x2x128xi32, #tpu.memory_space<vmem>> -> memref<2x128xi32, #tpu.memory_space<vmem>>
      %dma_wait3A_1329 = arith.constant 0 : i32
      %dma_wait3A_1330 = arith.constant 0 : i32
      %dma_wait3A_1331 = tpu.memref_slice %arg3[%dma_wait3A_1329, %dma_wait3A_1330] : memref<6400x128xi32, #tpu.memory_space<hbm>> -> memref<2x128xi32, #tpu.memory_space<hbm>>
      %dma_wait3A_1332 = arith.constant 0 : i32
      %dma_wait3A_1333 = arith.constant 0 : i32
      %dma_wait3A_1334 = tpu.memref_slice %arg8[%dma_wait3A_1324, %dma_wait3A_1332, %dma_wait3A_1333] : memref<4x2x128xi32, #tpu.memory_space<vmem>> -> memref<1x2x128xi32, #tpu.memory_space<vmem>>
      %dma_wait3A_1335 = tpu.memref_squeeze %dma_wait3A_1334 : memref<1x2x128xi32, #tpu.memory_space<vmem>> -> memref<2x128xi32, #tpu.memory_space<vmem>>
      %dma_wait3A_1336 = arith.constant 0 : i32
      %dma_wait3A_1337 = arith.constant 0 : i32
      %dma_wait3A_1338 = tpu.memref_slice %arg3[%dma_wait3A_1336, %dma_wait3A_1337] : memref<6400x128xi32, #tpu.memory_space<hbm>> -> memref<2x128xi32, #tpu.memory_space<hbm>>
      tpu.wait_dma2 semaphore(%arg12 : memref<!tpu.dma_semaphore, #tpu.memory_space<semaphore_mem>>) src(%dma_wait3A_1338 : memref<2x128xi32, #tpu.memory_space<hbm>>) dst(%dma_wait3A_1335 : memref<2x128xi32, #tpu.memory_space<vmem>>)
      %dma_start3A_1339 = arith.constant 1 : i32
      %dma_start3A_1340 = arith.constant 0 : i32
      %dma_start3A_1341 = arith.constant 1 : i32
      %dma_start3A_1342 = arith.constant 0 : i32
      %dma_start3A_1343 = arith.constant 0 : i32
      %dma_start3A_1344 = arith.constant 0 : i32
      %dma_start3A_1345 = tpu.memref_slice %arg9[%dma_start3A_1341, %dma_start3A_1342, %dma_start3A_1343, %dma_start3A_1344] : memref<4x2x128x64xf32, #tpu.memory_space<vmem>> -> memref<1x1x128x64xf32, #tpu.memory_space<vmem>>
      %dma_start3A_1346 = tpu.memref_squeeze %dma_start3A_1345 : memref<1x1x128x64xf32, #tpu.memory_space<vmem>> -> memref<128x64xf32, #tpu.memory_space<vmem>>
      %dma_start3A_1347 = arith.constant 0 : i32
      %dma_start3A_1348 = tpu.memref_slice %arg7[%dma_start3A_1339, %dma_start3A_1340, %dma_start3A_1347] : memref<4x2x128xi32, #tpu.memory_space<vmem>> -> memref<1x1x128xi32, #tpu.memory_space<vmem>>
      %dma_start3A_1349 = tpu.memref_squeeze %dma_start3A_1348 : memref<1x1x128xi32, #tpu.memory_space<vmem>> -> memref<128xi32, #tpu.memory_space<vmem>>
      %dma_start3A_1350 = arith.constant 0 : i32
      %dma_start3A_1351 = arith.constant 0 : i32
      %dma_start3A_1352 = tpu.memref_slice %arg4[%dma_start3A_1350, %dma_start3A_1351] : memref<1000002x64xf32, #tpu.memory_space<hbm>> -> memref<1000002x64xf32, #tpu.memory_space<hbm>>
      tpu.enqueue_indirect_dma source(%dma_start3A_1352 : memref<1000002x64xf32, #tpu.memory_space<hbm>>) target(%dma_start3A_1346 : memref<128x64xf32, #tpu.memory_space<vmem>>) offsets(%dma_start3A_1349 : memref<128xi32, #tpu.memory_space<vmem>>) semaphore(%arg16 : memref<!tpu.dma_semaphore, #tpu.memory_space<semaphore_mem>>)
      %dma_start3A_1353 = arith.constant 1 : i32
      %dma_start3A_1354 = arith.constant 0 : i32
      %dma_start3A_1355 = arith.constant 1 : i32
      %dma_start3A_1356 = arith.constant 0 : i32
      %dma_start3A_1357 = arith.constant 0 : i32
      %dma_start3A_1358 = arith.constant 0 : i32
      %dma_start3A_1359 = tpu.memref_slice %arg10[%dma_start3A_1355, %dma_start3A_1356, %dma_start3A_1357, %dma_start3A_1358] : memref<4x2x128x32xf32, #tpu.memory_space<vmem>> -> memref<1x1x128x32xf32, #tpu.memory_space<vmem>>
      %dma_start3A_1360 = tpu.memref_squeeze %dma_start3A_1359 : memref<1x1x128x32xf32, #tpu.memory_space<vmem>> -> memref<128x32xf32, #tpu.memory_space<vmem>>
      %dma_start3A_1361 = arith.constant 0 : i32
      %dma_start3A_1362 = tpu.memref_slice %arg8[%dma_start3A_1353, %dma_start3A_1354, %dma_start3A_1361] : memref<4x2x128xi32, #tpu.memory_space<vmem>> -> memref<1x1x128xi32, #tpu.memory_space<vmem>>
      %dma_start3A_1363 = tpu.memref_squeeze %dma_start3A_1362 : memref<1x1x128xi32, #tpu.memory_space<vmem>> -> memref<128xi32, #tpu.memory_space<vmem>>
      %dma_start3A_1364 = arith.constant 0 : i32
      %dma_start3A_1365 = arith.constant 0 : i32
      %dma_start3A_1366 = tpu.memref_slice %arg5[%dma_start3A_1364, %dma_start3A_1365] : memref<93x32xf32, #tpu.memory_space<hbm>> -> memref<93x32xf32, #tpu.memory_space<hbm>>
      tpu.enqueue_indirect_dma source(%dma_start3A_1366 : memref<93x32xf32, #tpu.memory_space<hbm>>) target(%dma_start3A_1360 : memref<128x32xf32, #tpu.memory_space<vmem>>) offsets(%dma_start3A_1363 : memref<128xi32, #tpu.memory_space<vmem>>) semaphore(%arg16 : memref<!tpu.dma_semaphore, #tpu.memory_space<semaphore_mem>>)
      %dma_start3A_1367 = arith.constant 1 : i32
      %dma_start3A_1368 = arith.constant 1 : i32
      %dma_start3A_1369 = arith.constant 1 : i32
      %dma_start3A_1370 = arith.constant 1 : i32
      %dma_start3A_1371 = arith.constant 0 : i32
      %dma_start3A_1372 = arith.constant 0 : i32
      %dma_start3A_1373 = tpu.memref_slice %arg9[%dma_start3A_1369, %dma_start3A_1370, %dma_start3A_1371, %dma_start3A_1372] : memref<4x2x128x64xf32, #tpu.memory_space<vmem>> -> memref<1x1x128x64xf32, #tpu.memory_space<vmem>>
      %dma_start3A_1374 = tpu.memref_squeeze %dma_start3A_1373 : memref<1x1x128x64xf32, #tpu.memory_space<vmem>> -> memref<128x64xf32, #tpu.memory_space<vmem>>
      %dma_start3A_1375 = arith.constant 0 : i32
      %dma_start3A_1376 = tpu.memref_slice %arg7[%dma_start3A_1367, %dma_start3A_1368, %dma_start3A_1375] : memref<4x2x128xi32, #tpu.memory_space<vmem>> -> memref<1x1x128xi32, #tpu.memory_space<vmem>>
      %dma_start3A_1377 = tpu.memref_squeeze %dma_start3A_1376 : memref<1x1x128xi32, #tpu.memory_space<vmem>> -> memref<128xi32, #tpu.memory_space<vmem>>
      %dma_start3A_1378 = arith.constant 0 : i32
      %dma_start3A_1379 = arith.constant 0 : i32
      %dma_start3A_1380 = tpu.memref_slice %arg4[%dma_start3A_1378, %dma_start3A_1379] : memref<1000002x64xf32, #tpu.memory_space<hbm>> -> memref<1000002x64xf32, #tpu.memory_space<hbm>>
      tpu.enqueue_indirect_dma source(%dma_start3A_1380 : memref<1000002x64xf32, #tpu.memory_space<hbm>>) target(%dma_start3A_1374 : memref<128x64xf32, #tpu.memory_space<vmem>>) offsets(%dma_start3A_1377 : memref<128xi32, #tpu.memory_space<vmem>>) semaphore(%arg16 : memref<!tpu.dma_semaphore, #tpu.memory_space<semaphore_mem>>)
      %dma_start3A_1381 = arith.constant 1 : i32
      %dma_start3A_1382 = arith.constant 1 : i32
      %dma_start3A_1383 = arith.constant 1 : i32
      %dma_start3A_1384 = arith.constant 1 : i32
      %dma_start3A_1385 = arith.constant 0 : i32
      %dma_start3A_1386 = arith.constant 0 : i32
      %dma_start3A_1387 = tpu.memref_slice %arg10[%dma_start3A_1383, %dma_start3A_1384, %dma_start3A_1385, %dma_start3A_1386] : memref<4x2x128x32xf32, #tpu.memory_space<vmem>> -> memref<1x1x128x32xf32, #tpu.memory_space<vmem>>
      %dma_start3A_1388 = tpu.memref_squeeze %dma_start3A_1387 : memref<1x1x128x32xf32, #tpu.memory_space<vmem>> -> memref<128x32xf32, #tpu.memory_space<vmem>>
      %dma_start3A_1389 = arith.constant 0 : i32
      %dma_start3A_1390 = tpu.memref_slice %arg8[%dma_start3A_1381, %dma_start3A_1382, %dma_start3A_1389] : memref<4x2x128xi32, #tpu.memory_space<vmem>> -> memref<1x1x128xi32, #tpu.memory_space<vmem>>
      %dma_start3A_1391 = tpu.memref_squeeze %dma_start3A_1390 : memref<1x1x128xi32, #tpu.memory_space<vmem>> -> memref<128xi32, #tpu.memory_space<vmem>>
      %dma_start3A_1392 = arith.constant 0 : i32
      %dma_start3A_1393 = arith.constant 0 : i32
      %dma_start3A_1394 = tpu.memref_slice %arg5[%dma_start3A_1392, %dma_start3A_1393] : memref<93x32xf32, #tpu.memory_space<hbm>> -> memref<93x32xf32, #tpu.memory_space<hbm>>
      tpu.enqueue_indirect_dma source(%dma_start3A_1394 : memref<93x32xf32, #tpu.memory_space<hbm>>) target(%dma_start3A_1388 : memref<128x32xf32, #tpu.memory_space<vmem>>) offsets(%dma_start3A_1391 : memref<128xi32, #tpu.memory_space<vmem>>) semaphore(%arg16 : memref<!tpu.dma_semaphore, #tpu.memory_space<semaphore_mem>>)
      %dma_wait3A_1395 = arith.constant 3 : i32
      %dma_wait3A_1396 = arith.constant 0 : i32
      %dma_wait3A_1397 = arith.constant 0 : i32
      %dma_wait3A_1398 = arith.constant 0 : i32
      %dma_wait3A_1399 = tpu.memref_slice %arg9[%dma_wait3A_1395, %dma_wait3A_1396, %dma_wait3A_1397, %dma_wait3A_1398] : memref<4x2x128x64xf32, #tpu.memory_space<vmem>> -> memref<1x2x128x64xf32, #tpu.memory_space<vmem>>
      %dma_wait3A_1400 = tpu.memref_squeeze %dma_wait3A_1399 : memref<1x2x128x64xf32, #tpu.memory_space<vmem>> -> memref<2x128x64xf32, #tpu.memory_space<vmem>>
      %dma_wait3A_1401 = arith.constant 0 : i32
      %dma_wait3A_1402 = arith.constant 0 : i32
      %dma_wait3A_1403 = arith.constant 0 : i32
      %dma_wait3A_1404 = tpu.memref_slice %arg6[%dma_wait3A_1401, %dma_wait3A_1402, %dma_wait3A_1403] : memref<6400x128x96xf32, #tpu.memory_space<hbm>> -> memref<2x128x64xf32, #tpu.memory_space<hbm>>
      %dma_wait3A_1405 = arith.constant 0 : i32
      %dma_wait3A_1406 = arith.constant 0 : i32
      %dma_wait3A_1407 = arith.constant 0 : i32
      %dma_wait3A_1408 = tpu.memref_slice %arg9[%dma_wait3A_1395, %dma_wait3A_1405, %dma_wait3A_1406, %dma_wait3A_1407] : memref<4x2x128x64xf32, #tpu.memory_space<vmem>> -> memref<1x2x128x64xf32, #tpu.memory_space<vmem>>
      %dma_wait3A_1409 = tpu.memref_squeeze %dma_wait3A_1408 : memref<1x2x128x64xf32, #tpu.memory_space<vmem>> -> memref<2x128x64xf32, #tpu.memory_space<vmem>>
      %dma_wait3A_1410 = arith.constant 0 : i32
      %dma_wait3A_1411 = arith.constant 0 : i32
      %dma_wait3A_1412 = arith.constant 0 : i32
      %dma_wait3A_1413 = tpu.memref_slice %arg6[%dma_wait3A_1410, %dma_wait3A_1411, %dma_wait3A_1412] : memref<6400x128x96xf32, #tpu.memory_space<hbm>> -> memref<2x128x64xf32, #tpu.memory_space<hbm>>
      tpu.wait_dma2 semaphore(%arg18 : memref<!tpu.dma_semaphore, #tpu.memory_space<semaphore_mem>>) src(%dma_wait3A_1413 : memref<2x128x64xf32, #tpu.memory_space<hbm>>) dst(%dma_wait3A_1409 : memref<2x128x64xf32, #tpu.memory_space<vmem>>)
      %dma_wait3A_1414 = arith.constant 3 : i32
      %dma_wait3A_1415 = arith.constant 0 : i32
      %dma_wait3A_1416 = arith.constant 0 : i32
      %dma_wait3A_1417 = arith.constant 0 : i32
      %dma_wait3A_1418 = tpu.memref_slice %arg10[%dma_wait3A_1414, %dma_wait3A_1415, %dma_wait3A_1416, %dma_wait3A_1417] : memref<4x2x128x32xf32, #tpu.memory_space<vmem>> -> memref<1x2x128x32xf32, #tpu.memory_space<vmem>>
      %dma_wait3A_1419 = tpu.memref_squeeze %dma_wait3A_1418 : memref<1x2x128x32xf32, #tpu.memory_space<vmem>> -> memref<2x128x32xf32, #tpu.memory_space<vmem>>
      %dma_wait3A_1420 = arith.constant 0 : i32
      %dma_wait3A_1421 = arith.constant 0 : i32
      %dma_wait3A_1422 = arith.constant 64 : i32
      %dma_wait3A_1423 = tpu.memref_slice %arg6[%dma_wait3A_1420, %dma_wait3A_1421, %dma_wait3A_1422] : memref<6400x128x96xf32, #tpu.memory_space<hbm>> -> memref<2x128x32xf32, #tpu.memory_space<hbm>>
      %dma_wait3A_1424 = arith.constant 0 : i32
      %dma_wait3A_1425 = arith.constant 0 : i32
      %dma_wait3A_1426 = arith.constant 0 : i32
      %dma_wait3A_1427 = tpu.memref_slice %arg10[%dma_wait3A_1414, %dma_wait3A_1424, %dma_wait3A_1425, %dma_wait3A_1426] : memref<4x2x128x32xf32, #tpu.memory_space<vmem>> -> memref<1x2x128x32xf32, #tpu.memory_space<vmem>>
      %dma_wait3A_1428 = tpu.memref_squeeze %dma_wait3A_1427 : memref<1x2x128x32xf32, #tpu.memory_space<vmem>> -> memref<2x128x32xf32, #tpu.memory_space<vmem>>
      %dma_wait3A_1429 = arith.constant 0 : i32
      %dma_wait3A_1430 = arith.constant 0 : i32
      %dma_wait3A_1431 = arith.constant 64 : i32
      %dma_wait3A_1432 = tpu.memref_slice %arg6[%dma_wait3A_1429, %dma_wait3A_1430, %dma_wait3A_1431] : memref<6400x128x96xf32, #tpu.memory_space<hbm>> -> memref<2x128x32xf32, #tpu.memory_space<hbm>>
      tpu.wait_dma2 semaphore(%arg18 : memref<!tpu.dma_semaphore, #tpu.memory_space<semaphore_mem>>) src(%dma_wait3A_1432 : memref<2x128x32xf32, #tpu.memory_space<hbm>>) dst(%dma_wait3A_1428 : memref<2x128x32xf32, #tpu.memory_space<vmem>>)
      %sub3A_1433 = arith.constant 2 : i32
      %sub3A_1434 = arith.subi %add3A_1270, %sub3A_1433 : i32
      %mul3A_1435 = arith.constant 2 : i32
      %mul3A_1436 = arith.muli %sub3A_1434, %mul3A_1435 : i32
      %add3A_1437 = arith.addi %mul3A_2, %mul3A_1436 : i32
      %dma_start3A_1438 = arith.constant 3 : i32
      %dma_start3A_1439 = arith.constant 0 : i32
      %dma_start3A_1440 = arith.constant 0 : i32
      %dma_start3A_1441 = arith.constant 0 : i32
      %dma_start3A_1442 = tpu.memref_slice %arg9[%dma_start3A_1438, %dma_start3A_1439, %dma_start3A_1440, %dma_start3A_1441] : memref<4x2x128x64xf32, #tpu.memory_space<vmem>> -> memref<1x2x128x64xf32, #tpu.memory_space<vmem>>
      %dma_start3A_1443 = tpu.memref_squeeze %dma_start3A_1442 : memref<1x2x128x64xf32, #tpu.memory_space<vmem>> -> memref<2x128x64xf32, #tpu.memory_space<vmem>>
      %dma_start3A_1444 = arith.constant 0 : i32
      %dma_start3A_1445 = arith.constant 0 : i32
      %dma_start3A_1446 = tpu.memref_slice %arg6[%add3A_1437, %dma_start3A_1444, %dma_start3A_1445] : memref<6400x128x96xf32, #tpu.memory_space<hbm>> -> memref<2x128x64xf32, #tpu.memory_space<hbm>>
      %dma_start3A_1447 = arith.constant 0 : i32
      %dma_start3A_1448 = arith.constant 0 : i32
      %dma_start3A_1449 = tpu.memref_slice %arg6[%add3A_1437, %dma_start3A_1447, %dma_start3A_1448] : memref<6400x128x96xf32, #tpu.memory_space<hbm>> -> memref<2x128x64xf32, #tpu.memory_space<hbm>>
      %dma_start3A_1450 = arith.constant 0 : i32
      %dma_start3A_1451 = arith.constant 0 : i32
      %dma_start3A_1452 = arith.constant 0 : i32
      %dma_start3A_1453 = tpu.memref_slice %arg9[%dma_start3A_1438, %dma_start3A_1450, %dma_start3A_1451, %dma_start3A_1452] : memref<4x2x128x64xf32, #tpu.memory_space<vmem>> -> memref<1x2x128x64xf32, #tpu.memory_space<vmem>>
      %dma_start3A_1454 = tpu.memref_squeeze %dma_start3A_1453 : memref<1x2x128x64xf32, #tpu.memory_space<vmem>> -> memref<2x128x64xf32, #tpu.memory_space<vmem>>
      tpu.enqueue_dma source(%dma_start3A_1454 : memref<2x128x64xf32, #tpu.memory_space<vmem>>) target(%dma_start3A_1449 : memref<2x128x64xf32, #tpu.memory_space<hbm>>) target_semaphore(%arg22 : memref<!tpu.dma_semaphore, #tpu.memory_space<semaphore_mem>>)
      %dma_start3A_1455 = arith.constant 3 : i32
      %dma_start3A_1456 = arith.constant 0 : i32
      %dma_start3A_1457 = arith.constant 0 : i32
      %dma_start3A_1458 = arith.constant 0 : i32
      %dma_start3A_1459 = tpu.memref_slice %arg10[%dma_start3A_1455, %dma_start3A_1456, %dma_start3A_1457, %dma_start3A_1458] : memref<4x2x128x32xf32, #tpu.memory_space<vmem>> -> memref<1x2x128x32xf32, #tpu.memory_space<vmem>>
      %dma_start3A_1460 = tpu.memref_squeeze %dma_start3A_1459 : memref<1x2x128x32xf32, #tpu.memory_space<vmem>> -> memref<2x128x32xf32, #tpu.memory_space<vmem>>
      %dma_start3A_1461 = arith.constant 0 : i32
      %dma_start3A_1462 = arith.constant 64 : i32
      %dma_start3A_1463 = tpu.memref_slice %arg6[%add3A_1437, %dma_start3A_1461, %dma_start3A_1462] : memref<6400x128x96xf32, #tpu.memory_space<hbm>> -> memref<2x128x32xf32, #tpu.memory_space<hbm>>
      %dma_start3A_1464 = arith.constant 0 : i32
      %dma_start3A_1465 = arith.constant 64 : i32
      %dma_start3A_1466 = tpu.memref_slice %arg6[%add3A_1437, %dma_start3A_1464, %dma_start3A_1465] : memref<6400x128x96xf32, #tpu.memory_space<hbm>> -> memref<2x128x32xf32, #tpu.memory_space<hbm>>
      %dma_start3A_1467 = arith.constant 0 : i32
      %dma_start3A_1468 = arith.constant 0 : i32
      %dma_start3A_1469 = arith.constant 0 : i32
      %dma_start3A_1470 = tpu.memref_slice %arg10[%dma_start3A_1455, %dma_start3A_1467, %dma_start3A_1468, %dma_start3A_1469] : memref<4x2x128x32xf32, #tpu.memory_space<vmem>> -> memref<1x2x128x32xf32, #tpu.memory_space<vmem>>
      %dma_start3A_1471 = tpu.memref_squeeze %dma_start3A_1470 : memref<1x2x128x32xf32, #tpu.memory_space<vmem>> -> memref<2x128x32xf32, #tpu.memory_space<vmem>>
      tpu.enqueue_dma source(%dma_start3A_1471 : memref<2x128x32xf32, #tpu.memory_space<vmem>>) target(%dma_start3A_1466 : memref<2x128x32xf32, #tpu.memory_space<hbm>>) target_semaphore(%arg22 : memref<!tpu.dma_semaphore, #tpu.memory_space<semaphore_mem>>)
      %add3A_1472 = arith.constant 2 : i32
      %add3A_1473 = arith.addi %add3A_1270, %add3A_1472 : i32
      %min3A_1474 = arith.constant 99 : i32
      %min3A_1475 = arith.minsi %add3A_1473, %min3A_1474 : i32
      %mul3A_1476 = arith.constant 2 : i32
      %mul3A_1477 = arith.muli %min3A_1475, %mul3A_1476 : i32
      %add3A_1478 = arith.addi %mul3A_2, %mul3A_1477 : i32
      %dma_start3A_1479 = arith.constant 3 : i32
      %dma_start3A_1480 = arith.constant 0 : i32
      %dma_start3A_1481 = arith.constant 0 : i32
      %dma_start3A_1482 = tpu.memref_slice %arg7[%dma_start3A_1479, %dma_start3A_1480, %dma_start3A_1481] : memref<4x2x128xi32, #tpu.memory_space<vmem>> -> memref<1x2x128xi32, #tpu.memory_space<vmem>>
      %dma_start3A_1483 = tpu.memref_squeeze %dma_start3A_1482 : memref<1x2x128xi32, #tpu.memory_space<vmem>> -> memref<2x128xi32, #tpu.memory_space<vmem>>
      %dma_start3A_1484 = arith.constant 0 : i32
      %dma_start3A_1485 = tpu.memref_slice %arg2[%add3A_1478, %dma_start3A_1484] : memref<6400x128xi32, #tpu.memory_space<hbm>> -> memref<2x128xi32, #tpu.memory_space<hbm>>
      %dma_start3A_1486 = arith.constant 0 : i32
      %dma_start3A_1487 = arith.constant 0 : i32
      %dma_start3A_1488 = tpu.memref_slice %arg7[%dma_start3A_1479, %dma_start3A_1486, %dma_start3A_1487] : memref<4x2x128xi32, #tpu.memory_space<vmem>> -> memref<1x2x128xi32, #tpu.memory_space<vmem>>
      %dma_start3A_1489 = tpu.memref_squeeze %dma_start3A_1488 : memref<1x2x128xi32, #tpu.memory_space<vmem>> -> memref<2x128xi32, #tpu.memory_space<vmem>>
      %dma_start3A_1490 = arith.constant 0 : i32
      %dma_start3A_1491 = tpu.memref_slice %arg2[%add3A_1478, %dma_start3A_1490] : memref<6400x128xi32, #tpu.memory_space<hbm>> -> memref<2x128xi32, #tpu.memory_space<hbm>>
      tpu.enqueue_dma source(%dma_start3A_1491 : memref<2x128xi32, #tpu.memory_space<hbm>>) target(%dma_start3A_1489 : memref<2x128xi32, #tpu.memory_space<vmem>>) target_semaphore(%arg14 : memref<!tpu.dma_semaphore, #tpu.memory_space<semaphore_mem>>)
      %dma_start3A_1492 = arith.constant 3 : i32
      %dma_start3A_1493 = arith.constant 0 : i32
      %dma_start3A_1494 = arith.constant 0 : i32
      %dma_start3A_1495 = tpu.memref_slice %arg8[%dma_start3A_1492, %dma_start3A_1493, %dma_start3A_1494] : memref<4x2x128xi32, #tpu.memory_space<vmem>> -> memref<1x2x128xi32, #tpu.memory_space<vmem>>
      %dma_start3A_1496 = tpu.memref_squeeze %dma_start3A_1495 : memref<1x2x128xi32, #tpu.memory_space<vmem>> -> memref<2x128xi32, #tpu.memory_space<vmem>>
      %dma_start3A_1497 = arith.constant 0 : i32
      %dma_start3A_1498 = tpu.memref_slice %arg3[%add3A_1478, %dma_start3A_1497] : memref<6400x128xi32, #tpu.memory_space<hbm>> -> memref<2x128xi32, #tpu.memory_space<hbm>>
      %dma_start3A_1499 = arith.constant 0 : i32
      %dma_start3A_1500 = arith.constant 0 : i32
      %dma_start3A_1501 = tpu.memref_slice %arg8[%dma_start3A_1492, %dma_start3A_1499, %dma_start3A_1500] : memref<4x2x128xi32, #tpu.memory_space<vmem>> -> memref<1x2x128xi32, #tpu.memory_space<vmem>>
      %dma_start3A_1502 = tpu.memref_squeeze %dma_start3A_1501 : memref<1x2x128xi32, #tpu.memory_space<vmem>> -> memref<2x128xi32, #tpu.memory_space<vmem>>
      %dma_start3A_1503 = arith.constant 0 : i32
      %dma_start3A_1504 = tpu.memref_slice %arg3[%add3A_1478, %dma_start3A_1503] : memref<6400x128xi32, #tpu.memory_space<hbm>> -> memref<2x128xi32, #tpu.memory_space<hbm>>
      tpu.enqueue_dma source(%dma_start3A_1504 : memref<2x128xi32, #tpu.memory_space<hbm>>) target(%dma_start3A_1502 : memref<2x128xi32, #tpu.memory_space<vmem>>) target_semaphore(%arg14 : memref<!tpu.dma_semaphore, #tpu.memory_space<semaphore_mem>>)
      %mul3A_1505 = arith.constant 4 : i32
      %mul3A_1506 = arith.muli %mul3A_1505, %scan3A_1026 : i32
      %add3A_1507 = arith.constant 4 : i32
      %add3A_1508 = arith.addi %add3A_1507, %mul3A_1506 : i32
      %add3A_1509 = arith.constant 2 : i32
      %add3A_1510 = arith.addi %add3A_1508, %add3A_1509 : i32
      %dma_wait3A_1511 = arith.constant 2 : i32
      %dma_wait3A_1512 = arith.constant 0 : i32
      %dma_wait3A_1513 = arith.constant 0 : i32
      %dma_wait3A_1514 = arith.constant 0 : i32
      %dma_wait3A_1515 = tpu.memref_slice %arg9[%dma_wait3A_1511, %dma_wait3A_1512, %dma_wait3A_1513, %dma_wait3A_1514] : memref<4x2x128x64xf32, #tpu.memory_space<vmem>> -> memref<1x2x128x64xf32, #tpu.memory_space<vmem>>
      %dma_wait3A_1516 = tpu.memref_squeeze %dma_wait3A_1515 : memref<1x2x128x64xf32, #tpu.memory_space<vmem>> -> memref<2x128x64xf32, #tpu.memory_space<vmem>>
      %dma_wait3A_1517 = arith.constant 0 : i32
      %dma_wait3A_1518 = arith.constant 0 : i32
      %dma_wait3A_1519 = arith.constant 0 : i32
      %dma_wait3A_1520 = tpu.memref_slice %arg6[%dma_wait3A_1517, %dma_wait3A_1518, %dma_wait3A_1519] : memref<6400x128x96xf32, #tpu.memory_space<hbm>> -> memref<2x128x64xf32, #tpu.memory_space<hbm>>
      %dma_wait3A_1521 = arith.constant 0 : i32
      %dma_wait3A_1522 = arith.constant 0 : i32
      %dma_wait3A_1523 = arith.constant 0 : i32
      %dma_wait3A_1524 = tpu.memref_slice %arg6[%dma_wait3A_1521, %dma_wait3A_1522, %dma_wait3A_1523] : memref<6400x128x96xf32, #tpu.memory_space<hbm>> -> memref<2x128x64xf32, #tpu.memory_space<hbm>>
      %dma_wait3A_1525 = arith.constant 0 : i32
      %dma_wait3A_1526 = arith.constant 0 : i32
      %dma_wait3A_1527 = arith.constant 0 : i32
      %dma_wait3A_1528 = tpu.memref_slice %arg9[%dma_wait3A_1511, %dma_wait3A_1525, %dma_wait3A_1526, %dma_wait3A_1527] : memref<4x2x128x64xf32, #tpu.memory_space<vmem>> -> memref<1x2x128x64xf32, #tpu.memory_space<vmem>>
      %dma_wait3A_1529 = tpu.memref_squeeze %dma_wait3A_1528 : memref<1x2x128x64xf32, #tpu.memory_space<vmem>> -> memref<2x128x64xf32, #tpu.memory_space<vmem>>
      tpu.wait_dma2 semaphore(%arg21 : memref<!tpu.dma_semaphore, #tpu.memory_space<semaphore_mem>>) src(%dma_wait3A_1529 : memref<2x128x64xf32, #tpu.memory_space<vmem>>) dst(%dma_wait3A_1524 : memref<2x128x64xf32, #tpu.memory_space<hbm>>)
      %dma_wait3A_1530 = arith.constant 2 : i32
      %dma_wait3A_1531 = arith.constant 0 : i32
      %dma_wait3A_1532 = arith.constant 0 : i32
      %dma_wait3A_1533 = arith.constant 0 : i32
      %dma_wait3A_1534 = tpu.memref_slice %arg10[%dma_wait3A_1530, %dma_wait3A_1531, %dma_wait3A_1532, %dma_wait3A_1533] : memref<4x2x128x32xf32, #tpu.memory_space<vmem>> -> memref<1x2x128x32xf32, #tpu.memory_space<vmem>>
      %dma_wait3A_1535 = tpu.memref_squeeze %dma_wait3A_1534 : memref<1x2x128x32xf32, #tpu.memory_space<vmem>> -> memref<2x128x32xf32, #tpu.memory_space<vmem>>
      %dma_wait3A_1536 = arith.constant 0 : i32
      %dma_wait3A_1537 = arith.constant 0 : i32
      %dma_wait3A_1538 = arith.constant 64 : i32
      %dma_wait3A_1539 = tpu.memref_slice %arg6[%dma_wait3A_1536, %dma_wait3A_1537, %dma_wait3A_1538] : memref<6400x128x96xf32, #tpu.memory_space<hbm>> -> memref<2x128x32xf32, #tpu.memory_space<hbm>>
      %dma_wait3A_1540 = arith.constant 0 : i32
      %dma_wait3A_1541 = arith.constant 0 : i32
      %dma_wait3A_1542 = arith.constant 64 : i32
      %dma_wait3A_1543 = tpu.memref_slice %arg6[%dma_wait3A_1540, %dma_wait3A_1541, %dma_wait3A_1542] : memref<6400x128x96xf32, #tpu.memory_space<hbm>> -> memref<2x128x32xf32, #tpu.memory_space<hbm>>
      %dma_wait3A_1544 = arith.constant 0 : i32
      %dma_wait3A_1545 = arith.constant 0 : i32
      %dma_wait3A_1546 = arith.constant 0 : i32
      %dma_wait3A_1547 = tpu.memref_slice %arg10[%dma_wait3A_1530, %dma_wait3A_1544, %dma_wait3A_1545, %dma_wait3A_1546] : memref<4x2x128x32xf32, #tpu.memory_space<vmem>> -> memref<1x2x128x32xf32, #tpu.memory_space<vmem>>
      %dma_wait3A_1548 = tpu.memref_squeeze %dma_wait3A_1547 : memref<1x2x128x32xf32, #tpu.memory_space<vmem>> -> memref<2x128x32xf32, #tpu.memory_space<vmem>>
      tpu.wait_dma2 semaphore(%arg21 : memref<!tpu.dma_semaphore, #tpu.memory_space<semaphore_mem>>) src(%dma_wait3A_1548 : memref<2x128x32xf32, #tpu.memory_space<vmem>>) dst(%dma_wait3A_1543 : memref<2x128x32xf32, #tpu.memory_space<hbm>>)
      %dma_wait3A_1549 = arith.constant 2 : i32
      %dma_wait3A_1550 = arith.constant 0 : i32
      %dma_wait3A_1551 = arith.constant 0 : i32
      %dma_wait3A_1552 = tpu.memref_slice %arg7[%dma_wait3A_1549, %dma_wait3A_1550, %dma_wait3A_1551] : memref<4x2x128xi32, #tpu.memory_space<vmem>> -> memref<1x2x128xi32, #tpu.memory_space<vmem>>
      %dma_wait3A_1553 = tpu.memref_squeeze %dma_wait3A_1552 : memref<1x2x128xi32, #tpu.memory_space<vmem>> -> memref<2x128xi32, #tpu.memory_space<vmem>>
      %dma_wait3A_1554 = arith.constant 0 : i32
      %dma_wait3A_1555 = arith.constant 0 : i32
      %dma_wait3A_1556 = tpu.memref_slice %arg2[%dma_wait3A_1554, %dma_wait3A_1555] : memref<6400x128xi32, #tpu.memory_space<hbm>> -> memref<2x128xi32, #tpu.memory_space<hbm>>
      %dma_wait3A_1557 = arith.constant 0 : i32
      %dma_wait3A_1558 = arith.constant 0 : i32
      %dma_wait3A_1559 = tpu.memref_slice %arg7[%dma_wait3A_1549, %dma_wait3A_1557, %dma_wait3A_1558] : memref<4x2x128xi32, #tpu.memory_space<vmem>> -> memref<1x2x128xi32, #tpu.memory_space<vmem>>
      %dma_wait3A_1560 = tpu.memref_squeeze %dma_wait3A_1559 : memref<1x2x128xi32, #tpu.memory_space<vmem>> -> memref<2x128xi32, #tpu.memory_space<vmem>>
      %dma_wait3A_1561 = arith.constant 0 : i32
      %dma_wait3A_1562 = arith.constant 0 : i32
      %dma_wait3A_1563 = tpu.memref_slice %arg2[%dma_wait3A_1561, %dma_wait3A_1562] : memref<6400x128xi32, #tpu.memory_space<hbm>> -> memref<2x128xi32, #tpu.memory_space<hbm>>
      tpu.wait_dma2 semaphore(%arg13 : memref<!tpu.dma_semaphore, #tpu.memory_space<semaphore_mem>>) src(%dma_wait3A_1563 : memref<2x128xi32, #tpu.memory_space<hbm>>) dst(%dma_wait3A_1560 : memref<2x128xi32, #tpu.memory_space<vmem>>)
      %dma_wait3A_1564 = arith.constant 2 : i32
      %dma_wait3A_1565 = arith.constant 0 : i32
      %dma_wait3A_1566 = arith.constant 0 : i32
      %dma_wait3A_1567 = tpu.memref_slice %arg8[%dma_wait3A_1564, %dma_wait3A_1565, %dma_wait3A_1566] : memref<4x2x128xi32, #tpu.memory_space<vmem>> -> memref<1x2x128xi32, #tpu.memory_space<vmem>>
      %dma_wait3A_1568 = tpu.memref_squeeze %dma_wait3A_1567 : memref<1x2x128xi32, #tpu.memory_space<vmem>> -> memref<2x128xi32, #tpu.memory_space<vmem>>
      %dma_wait3A_1569 = arith.constant 0 : i32
      %dma_wait3A_1570 = arith.constant 0 : i32
      %dma_wait3A_1571 = tpu.memref_slice %arg3[%dma_wait3A_1569, %dma_wait3A_1570] : memref<6400x128xi32, #tpu.memory_space<hbm>> -> memref<2x128xi32, #tpu.memory_space<hbm>>
      %dma_wait3A_1572 = arith.constant 0 : i32
      %dma_wait3A_1573 = arith.constant 0 : i32
      %dma_wait3A_1574 = tpu.memref_slice %arg8[%dma_wait3A_1564, %dma_wait3A_1572, %dma_wait3A_1573] : memref<4x2x128xi32, #tpu.memory_space<vmem>> -> memref<1x2x128xi32, #tpu.memory_space<vmem>>
      %dma_wait3A_1575 = tpu.memref_squeeze %dma_wait3A_1574 : memref<1x2x128xi32, #tpu.memory_space<vmem>> -> memref<2x128xi32, #tpu.memory_space<vmem>>
      %dma_wait3A_1576 = arith.constant 0 : i32
      %dma_wait3A_1577 = arith.constant 0 : i32
      %dma_wait3A_1578 = tpu.memref_slice %arg3[%dma_wait3A_1576, %dma_wait3A_1577] : memref<6400x128xi32, #tpu.memory_space<hbm>> -> memref<2x128xi32, #tpu.memory_space<hbm>>
      tpu.wait_dma2 semaphore(%arg13 : memref<!tpu.dma_semaphore, #tpu.memory_space<semaphore_mem>>) src(%dma_wait3A_1578 : memref<2x128xi32, #tpu.memory_space<hbm>>) dst(%dma_wait3A_1575 : memref<2x128xi32, #tpu.memory_space<vmem>>)
      %dma_start3A_1579 = arith.constant 2 : i32
      %dma_start3A_1580 = arith.constant 0 : i32
      %dma_start3A_1581 = arith.constant 2 : i32
      %dma_start3A_1582 = arith.constant 0 : i32
      %dma_start3A_1583 = arith.constant 0 : i32
      %dma_start3A_1584 = arith.constant 0 : i32
      %dma_start3A_1585 = tpu.memref_slice %arg9[%dma_start3A_1581, %dma_start3A_1582, %dma_start3A_1583, %dma_start3A_1584] : memref<4x2x128x64xf32, #tpu.memory_space<vmem>> -> memref<1x1x128x64xf32, #tpu.memory_space<vmem>>
      %dma_start3A_1586 = tpu.memref_squeeze %dma_start3A_1585 : memref<1x1x128x64xf32, #tpu.memory_space<vmem>> -> memref<128x64xf32, #tpu.memory_space<vmem>>
      %dma_start3A_1587 = arith.constant 0 : i32
      %dma_start3A_1588 = tpu.memref_slice %arg7[%dma_start3A_1579, %dma_start3A_1580, %dma_start3A_1587] : memref<4x2x128xi32, #tpu.memory_space<vmem>> -> memref<1x1x128xi32, #tpu.memory_space<vmem>>
      %dma_start3A_1589 = tpu.memref_squeeze %dma_start3A_1588 : memref<1x1x128xi32, #tpu.memory_space<vmem>> -> memref<128xi32, #tpu.memory_space<vmem>>
      %dma_start3A_1590 = arith.constant 0 : i32
      %dma_start3A_1591 = arith.constant 0 : i32
      %dma_start3A_1592 = tpu.memref_slice %arg4[%dma_start3A_1590, %dma_start3A_1591] : memref<1000002x64xf32, #tpu.memory_space<hbm>> -> memref<1000002x64xf32, #tpu.memory_space<hbm>>
      tpu.enqueue_indirect_dma source(%dma_start3A_1592 : memref<1000002x64xf32, #tpu.memory_space<hbm>>) target(%dma_start3A_1586 : memref<128x64xf32, #tpu.memory_space<vmem>>) offsets(%dma_start3A_1589 : memref<128xi32, #tpu.memory_space<vmem>>) semaphore(%arg17 : memref<!tpu.dma_semaphore, #tpu.memory_space<semaphore_mem>>)
      %dma_start3A_1593 = arith.constant 2 : i32
      %dma_start3A_1594 = arith.constant 0 : i32
      %dma_start3A_1595 = arith.constant 2 : i32
      %dma_start3A_1596 = arith.constant 0 : i32
      %dma_start3A_1597 = arith.constant 0 : i32
      %dma_start3A_1598 = arith.constant 0 : i32
      %dma_start3A_1599 = tpu.memref_slice %arg10[%dma_start3A_1595, %dma_start3A_1596, %dma_start3A_1597, %dma_start3A_1598] : memref<4x2x128x32xf32, #tpu.memory_space<vmem>> -> memref<1x1x128x32xf32, #tpu.memory_space<vmem>>
      %dma_start3A_1600 = tpu.memref_squeeze %dma_start3A_1599 : memref<1x1x128x32xf32, #tpu.memory_space<vmem>> -> memref<128x32xf32, #tpu.memory_space<vmem>>
      %dma_start3A_1601 = arith.constant 0 : i32
      %dma_start3A_1602 = tpu.memref_slice %arg8[%dma_start3A_1593, %dma_start3A_1594, %dma_start3A_1601] : memref<4x2x128xi32, #tpu.memory_space<vmem>> -> memref<1x1x128xi32, #tpu.memory_space<vmem>>
      %dma_start3A_1603 = tpu.memref_squeeze %dma_start3A_1602 : memref<1x1x128xi32, #tpu.memory_space<vmem>> -> memref<128xi32, #tpu.memory_space<vmem>>
      %dma_start3A_1604 = arith.constant 0 : i32
      %dma_start3A_1605 = arith.constant 0 : i32
      %dma_start3A_1606 = tpu.memref_slice %arg5[%dma_start3A_1604, %dma_start3A_1605] : memref<93x32xf32, #tpu.memory_space<hbm>> -> memref<93x32xf32, #tpu.memory_space<hbm>>
      tpu.enqueue_indirect_dma source(%dma_start3A_1606 : memref<93x32xf32, #tpu.memory_space<hbm>>) target(%dma_start3A_1600 : memref<128x32xf32, #tpu.memory_space<vmem>>) offsets(%dma_start3A_1603 : memref<128xi32, #tpu.memory_space<vmem>>) semaphore(%arg17 : memref<!tpu.dma_semaphore, #tpu.memory_space<semaphore_mem>>)
      %dma_start3A_1607 = arith.constant 2 : i32
      %dma_start3A_1608 = arith.constant 1 : i32
      %dma_start3A_1609 = arith.constant 2 : i32
      %dma_start3A_1610 = arith.constant 1 : i32
      %dma_start3A_1611 = arith.constant 0 : i32
      %dma_start3A_1612 = arith.constant 0 : i32
      %dma_start3A_1613 = tpu.memref_slice %arg9[%dma_start3A_1609, %dma_start3A_1610, %dma_start3A_1611, %dma_start3A_1612] : memref<4x2x128x64xf32, #tpu.memory_space<vmem>> -> memref<1x1x128x64xf32, #tpu.memory_space<vmem>>
      %dma_start3A_1614 = tpu.memref_squeeze %dma_start3A_1613 : memref<1x1x128x64xf32, #tpu.memory_space<vmem>> -> memref<128x64xf32, #tpu.memory_space<vmem>>
      %dma_start3A_1615 = arith.constant 0 : i32
      %dma_start3A_1616 = tpu.memref_slice %arg7[%dma_start3A_1607, %dma_start3A_1608, %dma_start3A_1615] : memref<4x2x128xi32, #tpu.memory_space<vmem>> -> memref<1x1x128xi32, #tpu.memory_space<vmem>>
      %dma_start3A_1617 = tpu.memref_squeeze %dma_start3A_1616 : memref<1x1x128xi32, #tpu.memory_space<vmem>> -> memref<128xi32, #tpu.memory_space<vmem>>
      %dma_start3A_1618 = arith.constant 0 : i32
      %dma_start3A_1619 = arith.constant 0 : i32
      %dma_start3A_1620 = tpu.memref_slice %arg4[%dma_start3A_1618, %dma_start3A_1619] : memref<1000002x64xf32, #tpu.memory_space<hbm>> -> memref<1000002x64xf32, #tpu.memory_space<hbm>>
      tpu.enqueue_indirect_dma source(%dma_start3A_1620 : memref<1000002x64xf32, #tpu.memory_space<hbm>>) target(%dma_start3A_1614 : memref<128x64xf32, #tpu.memory_space<vmem>>) offsets(%dma_start3A_1617 : memref<128xi32, #tpu.memory_space<vmem>>) semaphore(%arg17 : memref<!tpu.dma_semaphore, #tpu.memory_space<semaphore_mem>>)
      %dma_start3A_1621 = arith.constant 2 : i32
      %dma_start3A_1622 = arith.constant 1 : i32
      %dma_start3A_1623 = arith.constant 2 : i32
      %dma_start3A_1624 = arith.constant 1 : i32
      %dma_start3A_1625 = arith.constant 0 : i32
      %dma_start3A_1626 = arith.constant 0 : i32
      %dma_start3A_1627 = tpu.memref_slice %arg10[%dma_start3A_1623, %dma_start3A_1624, %dma_start3A_1625, %dma_start3A_1626] : memref<4x2x128x32xf32, #tpu.memory_space<vmem>> -> memref<1x1x128x32xf32, #tpu.memory_space<vmem>>
      %dma_start3A_1628 = tpu.memref_squeeze %dma_start3A_1627 : memref<1x1x128x32xf32, #tpu.memory_space<vmem>> -> memref<128x32xf32, #tpu.memory_space<vmem>>
      %dma_start3A_1629 = arith.constant 0 : i32
      %dma_start3A_1630 = tpu.memref_slice %arg8[%dma_start3A_1621, %dma_start3A_1622, %dma_start3A_1629] : memref<4x2x128xi32, #tpu.memory_space<vmem>> -> memref<1x1x128xi32, #tpu.memory_space<vmem>>
      %dma_start3A_1631 = tpu.memref_squeeze %dma_start3A_1630 : memref<1x1x128xi32, #tpu.memory_space<vmem>> -> memref<128xi32, #tpu.memory_space<vmem>>
      %dma_start3A_1632 = arith.constant 0 : i32
      %dma_start3A_1633 = arith.constant 0 : i32
      %dma_start3A_1634 = tpu.memref_slice %arg5[%dma_start3A_1632, %dma_start3A_1633] : memref<93x32xf32, #tpu.memory_space<hbm>> -> memref<93x32xf32, #tpu.memory_space<hbm>>
      tpu.enqueue_indirect_dma source(%dma_start3A_1634 : memref<93x32xf32, #tpu.memory_space<hbm>>) target(%dma_start3A_1628 : memref<128x32xf32, #tpu.memory_space<vmem>>) offsets(%dma_start3A_1631 : memref<128xi32, #tpu.memory_space<vmem>>) semaphore(%arg17 : memref<!tpu.dma_semaphore, #tpu.memory_space<semaphore_mem>>)
      %dma_wait3A_1635 = arith.constant 0 : i32
      %dma_wait3A_1636 = arith.constant 0 : i32
      %dma_wait3A_1637 = arith.constant 0 : i32
      %dma_wait3A_1638 = arith.constant 0 : i32
      %dma_wait3A_1639 = tpu.memref_slice %arg9[%dma_wait3A_1635, %dma_wait3A_1636, %dma_wait3A_1637, %dma_wait3A_1638] : memref<4x2x128x64xf32, #tpu.memory_space<vmem>> -> memref<1x2x128x64xf32, #tpu.memory_space<vmem>>
      %dma_wait3A_1640 = tpu.memref_squeeze %dma_wait3A_1639 : memref<1x2x128x64xf32, #tpu.memory_space<vmem>> -> memref<2x128x64xf32, #tpu.memory_space<vmem>>
      %dma_wait3A_1641 = arith.constant 0 : i32
      %dma_wait3A_1642 = arith.constant 0 : i32
      %dma_wait3A_1643 = arith.constant 0 : i32
      %dma_wait3A_1644 = tpu.memref_slice %arg6[%dma_wait3A_1641, %dma_wait3A_1642, %dma_wait3A_1643] : memref<6400x128x96xf32, #tpu.memory_space<hbm>> -> memref<2x128x64xf32, #tpu.memory_space<hbm>>
      %dma_wait3A_1645 = arith.constant 0 : i32
      %dma_wait3A_1646 = arith.constant 0 : i32
      %dma_wait3A_1647 = arith.constant 0 : i32
      %dma_wait3A_1648 = tpu.memref_slice %arg9[%dma_wait3A_1635, %dma_wait3A_1645, %dma_wait3A_1646, %dma_wait3A_1647] : memref<4x2x128x64xf32, #tpu.memory_space<vmem>> -> memref<1x2x128x64xf32, #tpu.memory_space<vmem>>
      %dma_wait3A_1649 = tpu.memref_squeeze %dma_wait3A_1648 : memref<1x2x128x64xf32, #tpu.memory_space<vmem>> -> memref<2x128x64xf32, #tpu.memory_space<vmem>>
      %dma_wait3A_1650 = arith.constant 0 : i32
      %dma_wait3A_1651 = arith.constant 0 : i32
      %dma_wait3A_1652 = arith.constant 0 : i32
      %dma_wait3A_1653 = tpu.memref_slice %arg6[%dma_wait3A_1650, %dma_wait3A_1651, %dma_wait3A_1652] : memref<6400x128x96xf32, #tpu.memory_space<hbm>> -> memref<2x128x64xf32, #tpu.memory_space<hbm>>
      tpu.wait_dma2 semaphore(%arg15 : memref<!tpu.dma_semaphore, #tpu.memory_space<semaphore_mem>>) src(%dma_wait3A_1653 : memref<2x128x64xf32, #tpu.memory_space<hbm>>) dst(%dma_wait3A_1649 : memref<2x128x64xf32, #tpu.memory_space<vmem>>)
      %dma_wait3A_1654 = arith.constant 0 : i32
      %dma_wait3A_1655 = arith.constant 0 : i32
      %dma_wait3A_1656 = arith.constant 0 : i32
      %dma_wait3A_1657 = arith.constant 0 : i32
      %dma_wait3A_1658 = tpu.memref_slice %arg10[%dma_wait3A_1654, %dma_wait3A_1655, %dma_wait3A_1656, %dma_wait3A_1657] : memref<4x2x128x32xf32, #tpu.memory_space<vmem>> -> memref<1x2x128x32xf32, #tpu.memory_space<vmem>>
      %dma_wait3A_1659 = tpu.memref_squeeze %dma_wait3A_1658 : memref<1x2x128x32xf32, #tpu.memory_space<vmem>> -> memref<2x128x32xf32, #tpu.memory_space<vmem>>
      %dma_wait3A_1660 = arith.constant 0 : i32
      %dma_wait3A_1661 = arith.constant 0 : i32
      %dma_wait3A_1662 = arith.constant 64 : i32
      %dma_wait3A_1663 = tpu.memref_slice %arg6[%dma_wait3A_1660, %dma_wait3A_1661, %dma_wait3A_1662] : memref<6400x128x96xf32, #tpu.memory_space<hbm>> -> memref<2x128x32xf32, #tpu.memory_space<hbm>>
      %dma_wait3A_1664 = arith.constant 0 : i32
      %dma_wait3A_1665 = arith.constant 0 : i32
      %dma_wait3A_1666 = arith.constant 0 : i32
      %dma_wait3A_1667 = tpu.memref_slice %arg10[%dma_wait3A_1654, %dma_wait3A_1664, %dma_wait3A_1665, %dma_wait3A_1666] : memref<4x2x128x32xf32, #tpu.memory_space<vmem>> -> memref<1x2x128x32xf32, #tpu.memory_space<vmem>>
      %dma_wait3A_1668 = tpu.memref_squeeze %dma_wait3A_1667 : memref<1x2x128x32xf32, #tpu.memory_space<vmem>> -> memref<2x128x32xf32, #tpu.memory_space<vmem>>
      %dma_wait3A_1669 = arith.constant 0 : i32
      %dma_wait3A_1670 = arith.constant 0 : i32
      %dma_wait3A_1671 = arith.constant 64 : i32
      %dma_wait3A_1672 = tpu.memref_slice %arg6[%dma_wait3A_1669, %dma_wait3A_1670, %dma_wait3A_1671] : memref<6400x128x96xf32, #tpu.memory_space<hbm>> -> memref<2x128x32xf32, #tpu.memory_space<hbm>>
      tpu.wait_dma2 semaphore(%arg15 : memref<!tpu.dma_semaphore, #tpu.memory_space<semaphore_mem>>) src(%dma_wait3A_1672 : memref<2x128x32xf32, #tpu.memory_space<hbm>>) dst(%dma_wait3A_1668 : memref<2x128x32xf32, #tpu.memory_space<vmem>>)
      %sub3A_1673 = arith.constant 2 : i32
      %sub3A_1674 = arith.subi %add3A_1510, %sub3A_1673 : i32
      %mul3A_1675 = arith.constant 2 : i32
      %mul3A_1676 = arith.muli %sub3A_1674, %mul3A_1675 : i32
      %add3A_1677 = arith.addi %mul3A_2, %mul3A_1676 : i32
      %dma_start3A_1678 = arith.constant 0 : i32
      %dma_start3A_1679 = arith.constant 0 : i32
      %dma_start3A_1680 = arith.constant 0 : i32
      %dma_start3A_1681 = arith.constant 0 : i32
      %dma_start3A_1682 = tpu.memref_slice %arg9[%dma_start3A_1678, %dma_start3A_1679, %dma_start3A_1680, %dma_start3A_1681] : memref<4x2x128x64xf32, #tpu.memory_space<vmem>> -> memref<1x2x128x64xf32, #tpu.memory_space<vmem>>
      %dma_start3A_1683 = tpu.memref_squeeze %dma_start3A_1682 : memref<1x2x128x64xf32, #tpu.memory_space<vmem>> -> memref<2x128x64xf32, #tpu.memory_space<vmem>>
      %dma_start3A_1684 = arith.constant 0 : i32
      %dma_start3A_1685 = arith.constant 0 : i32
      %dma_start3A_1686 = tpu.memref_slice %arg6[%add3A_1677, %dma_start3A_1684, %dma_start3A_1685] : memref<6400x128x96xf32, #tpu.memory_space<hbm>> -> memref<2x128x64xf32, #tpu.memory_space<hbm>>
      %dma_start3A_1687 = arith.constant 0 : i32
      %dma_start3A_1688 = arith.constant 0 : i32
      %dma_start3A_1689 = tpu.memref_slice %arg6[%add3A_1677, %dma_start3A_1687, %dma_start3A_1688] : memref<6400x128x96xf32, #tpu.memory_space<hbm>> -> memref<2x128x64xf32, #tpu.memory_space<hbm>>
      %dma_start3A_1690 = arith.constant 0 : i32
      %dma_start3A_1691 = arith.constant 0 : i32
      %dma_start3A_1692 = arith.constant 0 : i32
      %dma_start3A_1693 = tpu.memref_slice %arg9[%dma_start3A_1678, %dma_start3A_1690, %dma_start3A_1691, %dma_start3A_1692] : memref<4x2x128x64xf32, #tpu.memory_space<vmem>> -> memref<1x2x128x64xf32, #tpu.memory_space<vmem>>
      %dma_start3A_1694 = tpu.memref_squeeze %dma_start3A_1693 : memref<1x2x128x64xf32, #tpu.memory_space<vmem>> -> memref<2x128x64xf32, #tpu.memory_space<vmem>>
      tpu.enqueue_dma source(%dma_start3A_1694 : memref<2x128x64xf32, #tpu.memory_space<vmem>>) target(%dma_start3A_1689 : memref<2x128x64xf32, #tpu.memory_space<hbm>>) target_semaphore(%arg19 : memref<!tpu.dma_semaphore, #tpu.memory_space<semaphore_mem>>)
      %dma_start3A_1695 = arith.constant 0 : i32
      %dma_start3A_1696 = arith.constant 0 : i32
      %dma_start3A_1697 = arith.constant 0 : i32
      %dma_start3A_1698 = arith.constant 0 : i32
      %dma_start3A_1699 = tpu.memref_slice %arg10[%dma_start3A_1695, %dma_start3A_1696, %dma_start3A_1697, %dma_start3A_1698] : memref<4x2x128x32xf32, #tpu.memory_space<vmem>> -> memref<1x2x128x32xf32, #tpu.memory_space<vmem>>
      %dma_start3A_1700 = tpu.memref_squeeze %dma_start3A_1699 : memref<1x2x128x32xf32, #tpu.memory_space<vmem>> -> memref<2x128x32xf32, #tpu.memory_space<vmem>>
      %dma_start3A_1701 = arith.constant 0 : i32
      %dma_start3A_1702 = arith.constant 64 : i32
      %dma_start3A_1703 = tpu.memref_slice %arg6[%add3A_1677, %dma_start3A_1701, %dma_start3A_1702] : memref<6400x128x96xf32, #tpu.memory_space<hbm>> -> memref<2x128x32xf32, #tpu.memory_space<hbm>>
      %dma_start3A_1704 = arith.constant 0 : i32
      %dma_start3A_1705 = arith.constant 64 : i32
      %dma_start3A_1706 = tpu.memref_slice %arg6[%add3A_1677, %dma_start3A_1704, %dma_start3A_1705] : memref<6400x128x96xf32, #tpu.memory_space<hbm>> -> memref<2x128x32xf32, #tpu.memory_space<hbm>>
      %dma_start3A_1707 = arith.constant 0 : i32
      %dma_start3A_1708 = arith.constant 0 : i32
      %dma_start3A_1709 = arith.constant 0 : i32
      %dma_start3A_1710 = tpu.memref_slice %arg10[%dma_start3A_1695, %dma_start3A_1707, %dma_start3A_1708, %dma_start3A_1709] : memref<4x2x128x32xf32, #tpu.memory_space<vmem>> -> memref<1x2x128x32xf32, #tpu.memory_space<vmem>>
      %dma_start3A_1711 = tpu.memref_squeeze %dma_start3A_1710 : memref<1x2x128x32xf32, #tpu.memory_space<vmem>> -> memref<2x128x32xf32, #tpu.memory_space<vmem>>
      tpu.enqueue_dma source(%dma_start3A_1711 : memref<2x128x32xf32, #tpu.memory_space<vmem>>) target(%dma_start3A_1706 : memref<2x128x32xf32, #tpu.memory_space<hbm>>) target_semaphore(%arg19 : memref<!tpu.dma_semaphore, #tpu.memory_space<semaphore_mem>>)
      %add3A_1712 = arith.constant 2 : i32
      %add3A_1713 = arith.addi %add3A_1510, %add3A_1712 : i32
      %min3A_1714 = arith.constant 99 : i32
      %min3A_1715 = arith.minsi %add3A_1713, %min3A_1714 : i32
      %mul3A_1716 = arith.constant 2 : i32
      %mul3A_1717 = arith.muli %min3A_1715, %mul3A_1716 : i32
      %add3A_1718 = arith.addi %mul3A_2, %mul3A_1717 : i32
      %dma_start3A_1719 = arith.constant 0 : i32
      %dma_start3A_1720 = arith.constant 0 : i32
      %dma_start3A_1721 = arith.constant 0 : i32
      %dma_start3A_1722 = tpu.memref_slice %arg7[%dma_start3A_1719, %dma_start3A_1720, %dma_start3A_1721] : memref<4x2x128xi32, #tpu.memory_space<vmem>> -> memref<1x2x128xi32, #tpu.memory_space<vmem>>
      %dma_start3A_1723 = tpu.memref_squeeze %dma_start3A_1722 : memref<1x2x128xi32, #tpu.memory_space<vmem>> -> memref<2x128xi32, #tpu.memory_space<vmem>>
      %dma_start3A_1724 = arith.constant 0 : i32
      %dma_start3A_1725 = tpu.memref_slice %arg2[%add3A_1718, %dma_start3A_1724] : memref<6400x128xi32, #tpu.memory_space<hbm>> -> memref<2x128xi32, #tpu.memory_space<hbm>>
      %dma_start3A_1726 = arith.constant 0 : i32
      %dma_start3A_1727 = arith.constant 0 : i32
      %dma_start3A_1728 = tpu.memref_slice %arg7[%dma_start3A_1719, %dma_start3A_1726, %dma_start3A_1727] : memref<4x2x128xi32, #tpu.memory_space<vmem>> -> memref<1x2x128xi32, #tpu.memory_space<vmem>>
      %dma_start3A_1729 = tpu.memref_squeeze %dma_start3A_1728 : memref<1x2x128xi32, #tpu.memory_space<vmem>> -> memref<2x128xi32, #tpu.memory_space<vmem>>
      %dma_start3A_1730 = arith.constant 0 : i32
      %dma_start3A_1731 = tpu.memref_slice %arg2[%add3A_1718, %dma_start3A_1730] : memref<6400x128xi32, #tpu.memory_space<hbm>> -> memref<2x128xi32, #tpu.memory_space<hbm>>
      tpu.enqueue_dma source(%dma_start3A_1731 : memref<2x128xi32, #tpu.memory_space<hbm>>) target(%dma_start3A_1729 : memref<2x128xi32, #tpu.memory_space<vmem>>) target_semaphore(%arg11 : memref<!tpu.dma_semaphore, #tpu.memory_space<semaphore_mem>>)
      %dma_start3A_1732 = arith.constant 0 : i32
      %dma_start3A_1733 = arith.constant 0 : i32
      %dma_start3A_1734 = arith.constant 0 : i32
      %dma_start3A_1735 = tpu.memref_slice %arg8[%dma_start3A_1732, %dma_start3A_1733, %dma_start3A_1734] : memref<4x2x128xi32, #tpu.memory_space<vmem>> -> memref<1x2x128xi32, #tpu.memory_space<vmem>>
      %dma_start3A_1736 = tpu.memref_squeeze %dma_start3A_1735 : memref<1x2x128xi32, #tpu.memory_space<vmem>> -> memref<2x128xi32, #tpu.memory_space<vmem>>
      %dma_start3A_1737 = arith.constant 0 : i32
      %dma_start3A_1738 = tpu.memref_slice %arg3[%add3A_1718, %dma_start3A_1737] : memref<6400x128xi32, #tpu.memory_space<hbm>> -> memref<2x128xi32, #tpu.memory_space<hbm>>
      %dma_start3A_1739 = arith.constant 0 : i32
      %dma_start3A_1740 = arith.constant 0 : i32
      %dma_start3A_1741 = tpu.memref_slice %arg8[%dma_start3A_1732, %dma_start3A_1739, %dma_start3A_1740] : memref<4x2x128xi32, #tpu.memory_space<vmem>> -> memref<1x2x128xi32, #tpu.memory_space<vmem>>
      %dma_start3A_1742 = tpu.memref_squeeze %dma_start3A_1741 : memref<1x2x128xi32, #tpu.memory_space<vmem>> -> memref<2x128xi32, #tpu.memory_space<vmem>>
      %dma_start3A_1743 = arith.constant 0 : i32
      %dma_start3A_1744 = tpu.memref_slice %arg3[%add3A_1718, %dma_start3A_1743] : memref<6400x128xi32, #tpu.memory_space<hbm>> -> memref<2x128xi32, #tpu.memory_space<hbm>>
      tpu.enqueue_dma source(%dma_start3A_1744 : memref<2x128xi32, #tpu.memory_space<hbm>>) target(%dma_start3A_1742 : memref<2x128xi32, #tpu.memory_space<vmem>>) target_semaphore(%arg11 : memref<!tpu.dma_semaphore, #tpu.memory_space<semaphore_mem>>)
      %mul3A_1745 = arith.constant 4 : i32
      %mul3A_1746 = arith.muli %mul3A_1745, %scan3A_1026 : i32
      %add3A_1747 = arith.constant 4 : i32
      %add3A_1748 = arith.addi %add3A_1747, %mul3A_1746 : i32
      %add3A_1749 = arith.constant 3 : i32
      %add3A_1750 = arith.addi %add3A_1748, %add3A_1749 : i32
      %dma_wait3A_1751 = arith.constant 3 : i32
      %dma_wait3A_1752 = arith.constant 0 : i32
      %dma_wait3A_1753 = arith.constant 0 : i32
      %dma_wait3A_1754 = arith.constant 0 : i32
      %dma_wait3A_1755 = tpu.memref_slice %arg9[%dma_wait3A_1751, %dma_wait3A_1752, %dma_wait3A_1753, %dma_wait3A_1754] : memref<4x2x128x64xf32, #tpu.memory_space<vmem>> -> memref<1x2x128x64xf32, #tpu.memory_space<vmem>>
      %dma_wait3A_1756 = tpu.memref_squeeze %dma_wait3A_1755 : memref<1x2x128x64xf32, #tpu.memory_space<vmem>> -> memref<2x128x64xf32, #tpu.memory_space<vmem>>
      %dma_wait3A_1757 = arith.constant 0 : i32
      %dma_wait3A_1758 = arith.constant 0 : i32
      %dma_wait3A_1759 = arith.constant 0 : i32
      %dma_wait3A_1760 = tpu.memref_slice %arg6[%dma_wait3A_1757, %dma_wait3A_1758, %dma_wait3A_1759] : memref<6400x128x96xf32, #tpu.memory_space<hbm>> -> memref<2x128x64xf32, #tpu.memory_space<hbm>>
      %dma_wait3A_1761 = arith.constant 0 : i32
      %dma_wait3A_1762 = arith.constant 0 : i32
      %dma_wait3A_1763 = arith.constant 0 : i32
      %dma_wait3A_1764 = tpu.memref_slice %arg6[%dma_wait3A_1761, %dma_wait3A_1762, %dma_wait3A_1763] : memref<6400x128x96xf32, #tpu.memory_space<hbm>> -> memref<2x128x64xf32, #tpu.memory_space<hbm>>
      %dma_wait3A_1765 = arith.constant 0 : i32
      %dma_wait3A_1766 = arith.constant 0 : i32
      %dma_wait3A_1767 = arith.constant 0 : i32
      %dma_wait3A_1768 = tpu.memref_slice %arg9[%dma_wait3A_1751, %dma_wait3A_1765, %dma_wait3A_1766, %dma_wait3A_1767] : memref<4x2x128x64xf32, #tpu.memory_space<vmem>> -> memref<1x2x128x64xf32, #tpu.memory_space<vmem>>
      %dma_wait3A_1769 = tpu.memref_squeeze %dma_wait3A_1768 : memref<1x2x128x64xf32, #tpu.memory_space<vmem>> -> memref<2x128x64xf32, #tpu.memory_space<vmem>>
      tpu.wait_dma2 semaphore(%arg22 : memref<!tpu.dma_semaphore, #tpu.memory_space<semaphore_mem>>) src(%dma_wait3A_1769 : memref<2x128x64xf32, #tpu.memory_space<vmem>>) dst(%dma_wait3A_1764 : memref<2x128x64xf32, #tpu.memory_space<hbm>>)
      %dma_wait3A_1770 = arith.constant 3 : i32
      %dma_wait3A_1771 = arith.constant 0 : i32
      %dma_wait3A_1772 = arith.constant 0 : i32
      %dma_wait3A_1773 = arith.constant 0 : i32
      %dma_wait3A_1774 = tpu.memref_slice %arg10[%dma_wait3A_1770, %dma_wait3A_1771, %dma_wait3A_1772, %dma_wait3A_1773] : memref<4x2x128x32xf32, #tpu.memory_space<vmem>> -> memref<1x2x128x32xf32, #tpu.memory_space<vmem>>
      %dma_wait3A_1775 = tpu.memref_squeeze %dma_wait3A_1774 : memref<1x2x128x32xf32, #tpu.memory_space<vmem>> -> memref<2x128x32xf32, #tpu.memory_space<vmem>>
      %dma_wait3A_1776 = arith.constant 0 : i32
      %dma_wait3A_1777 = arith.constant 0 : i32
      %dma_wait3A_1778 = arith.constant 64 : i32
      %dma_wait3A_1779 = tpu.memref_slice %arg6[%dma_wait3A_1776, %dma_wait3A_1777, %dma_wait3A_1778] : memref<6400x128x96xf32, #tpu.memory_space<hbm>> -> memref<2x128x32xf32, #tpu.memory_space<hbm>>
      %dma_wait3A_1780 = arith.constant 0 : i32
      %dma_wait3A_1781 = arith.constant 0 : i32
      %dma_wait3A_1782 = arith.constant 64 : i32
      %dma_wait3A_1783 = tpu.memref_slice %arg6[%dma_wait3A_1780, %dma_wait3A_1781, %dma_wait3A_1782] : memref<6400x128x96xf32, #tpu.memory_space<hbm>> -> memref<2x128x32xf32, #tpu.memory_space<hbm>>
      %dma_wait3A_1784 = arith.constant 0 : i32
      %dma_wait3A_1785 = arith.constant 0 : i32
      %dma_wait3A_1786 = arith.constant 0 : i32
      %dma_wait3A_1787 = tpu.memref_slice %arg10[%dma_wait3A_1770, %dma_wait3A_1784, %dma_wait3A_1785, %dma_wait3A_1786] : memref<4x2x128x32xf32, #tpu.memory_space<vmem>> -> memref<1x2x128x32xf32, #tpu.memory_space<vmem>>
      %dma_wait3A_1788 = tpu.memref_squeeze %dma_wait3A_1787 : memref<1x2x128x32xf32, #tpu.memory_space<vmem>> -> memref<2x128x32xf32, #tpu.memory_space<vmem>>
      tpu.wait_dma2 semaphore(%arg22 : memref<!tpu.dma_semaphore, #tpu.memory_space<semaphore_mem>>) src(%dma_wait3A_1788 : memref<2x128x32xf32, #tpu.memory_space<vmem>>) dst(%dma_wait3A_1783 : memref<2x128x32xf32, #tpu.memory_space<hbm>>)
      %dma_wait3A_1789 = arith.constant 3 : i32
      %dma_wait3A_1790 = arith.constant 0 : i32
      %dma_wait3A_1791 = arith.constant 0 : i32
      %dma_wait3A_1792 = tpu.memref_slice %arg7[%dma_wait3A_1789, %dma_wait3A_1790, %dma_wait3A_1791] : memref<4x2x128xi32, #tpu.memory_space<vmem>> -> memref<1x2x128xi32, #tpu.memory_space<vmem>>
      %dma_wait3A_1793 = tpu.memref_squeeze %dma_wait3A_1792 : memref<1x2x128xi32, #tpu.memory_space<vmem>> -> memref<2x128xi32, #tpu.memory_space<vmem>>
      %dma_wait3A_1794 = arith.constant 0 : i32
      %dma_wait3A_1795 = arith.constant 0 : i32
      %dma_wait3A_1796 = tpu.memref_slice %arg2[%dma_wait3A_1794, %dma_wait3A_1795] : memref<6400x128xi32, #tpu.memory_space<hbm>> -> memref<2x128xi32, #tpu.memory_space<hbm>>
      %dma_wait3A_1797 = arith.constant 0 : i32
      %dma_wait3A_1798 = arith.constant 0 : i32
      %dma_wait3A_1799 = tpu.memref_slice %arg7[%dma_wait3A_1789, %dma_wait3A_1797, %dma_wait3A_1798] : memref<4x2x128xi32, #tpu.memory_space<vmem>> -> memref<1x2x128xi32, #tpu.memory_space<vmem>>
      %dma_wait3A_1800 = tpu.memref_squeeze %dma_wait3A_1799 : memref<1x2x128xi32, #tpu.memory_space<vmem>> -> memref<2x128xi32, #tpu.memory_space<vmem>>
      %dma_wait3A_1801 = arith.constant 0 : i32
      %dma_wait3A_1802 = arith.constant 0 : i32
      %dma_wait3A_1803 = tpu.memref_slice %arg2[%dma_wait3A_1801, %dma_wait3A_1802] : memref<6400x128xi32, #tpu.memory_space<hbm>> -> memref<2x128xi32, #tpu.memory_space<hbm>>
      tpu.wait_dma2 semaphore(%arg14 : memref<!tpu.dma_semaphore, #tpu.memory_space<semaphore_mem>>) src(%dma_wait3A_1803 : memref<2x128xi32, #tpu.memory_space<hbm>>) dst(%dma_wait3A_1800 : memref<2x128xi32, #tpu.memory_space<vmem>>)
      %dma_wait3A_1804 = arith.constant 3 : i32
      %dma_wait3A_1805 = arith.constant 0 : i32
      %dma_wait3A_1806 = arith.constant 0 : i32
      %dma_wait3A_1807 = tpu.memref_slice %arg8[%dma_wait3A_1804, %dma_wait3A_1805, %dma_wait3A_1806] : memref<4x2x128xi32, #tpu.memory_space<vmem>> -> memref<1x2x128xi32, #tpu.memory_space<vmem>>
      %dma_wait3A_1808 = tpu.memref_squeeze %dma_wait3A_1807 : memref<1x2x128xi32, #tpu.memory_space<vmem>> -> memref<2x128xi32, #tpu.memory_space<vmem>>
      %dma_wait3A_1809 = arith.constant 0 : i32
      %dma_wait3A_1810 = arith.constant 0 : i32
      %dma_wait3A_1811 = tpu.memref_slice %arg3[%dma_wait3A_1809, %dma_wait3A_1810] : memref<6400x128xi32, #tpu.memory_space<hbm>> -> memref<2x128xi32, #tpu.memory_space<hbm>>
      %dma_wait3A_1812 = arith.constant 0 : i32
      %dma_wait3A_1813 = arith.constant 0 : i32
      %dma_wait3A_1814 = tpu.memref_slice %arg8[%dma_wait3A_1804, %dma_wait3A_1812, %dma_wait3A_1813] : memref<4x2x128xi32, #tpu.memory_space<vmem>> -> memref<1x2x128xi32, #tpu.memory_space<vmem>>
      %dma_wait3A_1815 = tpu.memref_squeeze %dma_wait3A_1814 : memref<1x2x128xi32, #tpu.memory_space<vmem>> -> memref<2x128xi32, #tpu.memory_space<vmem>>
      %dma_wait3A_1816 = arith.constant 0 : i32
      %dma_wait3A_1817 = arith.constant 0 : i32
      %dma_wait3A_1818 = tpu.memref_slice %arg3[%dma_wait3A_1816, %dma_wait3A_1817] : memref<6400x128xi32, #tpu.memory_space<hbm>> -> memref<2x128xi32, #tpu.memory_space<hbm>>
      tpu.wait_dma2 semaphore(%arg14 : memref<!tpu.dma_semaphore, #tpu.memory_space<semaphore_mem>>) src(%dma_wait3A_1818 : memref<2x128xi32, #tpu.memory_space<hbm>>) dst(%dma_wait3A_1815 : memref<2x128xi32, #tpu.memory_space<vmem>>)
      %dma_start3A_1819 = arith.constant 3 : i32
      %dma_start3A_1820 = arith.constant 0 : i32
      %dma_start3A_1821 = arith.constant 3 : i32
      %dma_start3A_1822 = arith.constant 0 : i32
      %dma_start3A_1823 = arith.constant 0 : i32
      %dma_start3A_1824 = arith.constant 0 : i32
      %dma_start3A_1825 = tpu.memref_slice %arg9[%dma_start3A_1821, %dma_start3A_1822, %dma_start3A_1823, %dma_start3A_1824] : memref<4x2x128x64xf32, #tpu.memory_space<vmem>> -> memref<1x1x128x64xf32, #tpu.memory_space<vmem>>
      %dma_start3A_1826 = tpu.memref_squeeze %dma_start3A_1825 : memref<1x1x128x64xf32, #tpu.memory_space<vmem>> -> memref<128x64xf32, #tpu.memory_space<vmem>>
      %dma_start3A_1827 = arith.constant 0 : i32
      %dma_start3A_1828 = tpu.memref_slice %arg7[%dma_start3A_1819, %dma_start3A_1820, %dma_start3A_1827] : memref<4x2x128xi32, #tpu.memory_space<vmem>> -> memref<1x1x128xi32, #tpu.memory_space<vmem>>
      %dma_start3A_1829 = tpu.memref_squeeze %dma_start3A_1828 : memref<1x1x128xi32, #tpu.memory_space<vmem>> -> memref<128xi32, #tpu.memory_space<vmem>>
      %dma_start3A_1830 = arith.constant 0 : i32
      %dma_start3A_1831 = arith.constant 0 : i32
      %dma_start3A_1832 = tpu.memref_slice %arg4[%dma_start3A_1830, %dma_start3A_1831] : memref<1000002x64xf32, #tpu.memory_space<hbm>> -> memref<1000002x64xf32, #tpu.memory_space<hbm>>
      tpu.enqueue_indirect_dma source(%dma_start3A_1832 : memref<1000002x64xf32, #tpu.memory_space<hbm>>) target(%dma_start3A_1826 : memref<128x64xf32, #tpu.memory_space<vmem>>) offsets(%dma_start3A_1829 : memref<128xi32, #tpu.memory_space<vmem>>) semaphore(%arg18 : memref<!tpu.dma_semaphore, #tpu.memory_space<semaphore_mem>>)
      %dma_start3A_1833 = arith.constant 3 : i32
      %dma_start3A_1834 = arith.constant 0 : i32
      %dma_start3A_1835 = arith.constant 3 : i32
      %dma_start3A_1836 = arith.constant 0 : i32
      %dma_start3A_1837 = arith.constant 0 : i32
      %dma_start3A_1838 = arith.constant 0 : i32
      %dma_start3A_1839 = tpu.memref_slice %arg10[%dma_start3A_1835, %dma_start3A_1836, %dma_start3A_1837, %dma_start3A_1838] : memref<4x2x128x32xf32, #tpu.memory_space<vmem>> -> memref<1x1x128x32xf32, #tpu.memory_space<vmem>>
      %dma_start3A_1840 = tpu.memref_squeeze %dma_start3A_1839 : memref<1x1x128x32xf32, #tpu.memory_space<vmem>> -> memref<128x32xf32, #tpu.memory_space<vmem>>
      %dma_start3A_1841 = arith.constant 0 : i32
      %dma_start3A_1842 = tpu.memref_slice %arg8[%dma_start3A_1833, %dma_start3A_1834, %dma_start3A_1841] : memref<4x2x128xi32, #tpu.memory_space<vmem>> -> memref<1x1x128xi32, #tpu.memory_space<vmem>>
      %dma_start3A_1843 = tpu.memref_squeeze %dma_start3A_1842 : memref<1x1x128xi32, #tpu.memory_space<vmem>> -> memref<128xi32, #tpu.memory_space<vmem>>
      %dma_start3A_1844 = arith.constant 0 : i32
      %dma_start3A_1845 = arith.constant 0 : i32
      %dma_start3A_1846 = tpu.memref_slice %arg5[%dma_start3A_1844, %dma_start3A_1845] : memref<93x32xf32, #tpu.memory_space<hbm>> -> memref<93x32xf32, #tpu.memory_space<hbm>>
      tpu.enqueue_indirect_dma source(%dma_start3A_1846 : memref<93x32xf32, #tpu.memory_space<hbm>>) target(%dma_start3A_1840 : memref<128x32xf32, #tpu.memory_space<vmem>>) offsets(%dma_start3A_1843 : memref<128xi32, #tpu.memory_space<vmem>>) semaphore(%arg18 : memref<!tpu.dma_semaphore, #tpu.memory_space<semaphore_mem>>)
      %dma_start3A_1847 = arith.constant 3 : i32
      %dma_start3A_1848 = arith.constant 1 : i32
      %dma_start3A_1849 = arith.constant 3 : i32
      %dma_start3A_1850 = arith.constant 1 : i32
      %dma_start3A_1851 = arith.constant 0 : i32
      %dma_start3A_1852 = arith.constant 0 : i32
      %dma_start3A_1853 = tpu.memref_slice %arg9[%dma_start3A_1849, %dma_start3A_1850, %dma_start3A_1851, %dma_start3A_1852] : memref<4x2x128x64xf32, #tpu.memory_space<vmem>> -> memref<1x1x128x64xf32, #tpu.memory_space<vmem>>
      %dma_start3A_1854 = tpu.memref_squeeze %dma_start3A_1853 : memref<1x1x128x64xf32, #tpu.memory_space<vmem>> -> memref<128x64xf32, #tpu.memory_space<vmem>>
      %dma_start3A_1855 = arith.constant 0 : i32
      %dma_start3A_1856 = tpu.memref_slice %arg7[%dma_start3A_1847, %dma_start3A_1848, %dma_start3A_1855] : memref<4x2x128xi32, #tpu.memory_space<vmem>> -> memref<1x1x128xi32, #tpu.memory_space<vmem>>
      %dma_start3A_1857 = tpu.memref_squeeze %dma_start3A_1856 : memref<1x1x128xi32, #tpu.memory_space<vmem>> -> memref<128xi32, #tpu.memory_space<vmem>>
      %dma_start3A_1858 = arith.constant 0 : i32
      %dma_start3A_1859 = arith.constant 0 : i32
      %dma_start3A_1860 = tpu.memref_slice %arg4[%dma_start3A_1858, %dma_start3A_1859] : memref<1000002x64xf32, #tpu.memory_space<hbm>> -> memref<1000002x64xf32, #tpu.memory_space<hbm>>
      tpu.enqueue_indirect_dma source(%dma_start3A_1860 : memref<1000002x64xf32, #tpu.memory_space<hbm>>) target(%dma_start3A_1854 : memref<128x64xf32, #tpu.memory_space<vmem>>) offsets(%dma_start3A_1857 : memref<128xi32, #tpu.memory_space<vmem>>) semaphore(%arg18 : memref<!tpu.dma_semaphore, #tpu.memory_space<semaphore_mem>>)
      %dma_start3A_1861 = arith.constant 3 : i32
      %dma_start3A_1862 = arith.constant 1 : i32
      %dma_start3A_1863 = arith.constant 3 : i32
      %dma_start3A_1864 = arith.constant 1 : i32
      %dma_start3A_1865 = arith.constant 0 : i32
      %dma_start3A_1866 = arith.constant 0 : i32
      %dma_start3A_1867 = tpu.memref_slice %arg10[%dma_start3A_1863, %dma_start3A_1864, %dma_start3A_1865, %dma_start3A_1866] : memref<4x2x128x32xf32, #tpu.memory_space<vmem>> -> memref<1x1x128x32xf32, #tpu.memory_space<vmem>>
      %dma_start3A_1868 = tpu.memref_squeeze %dma_start3A_1867 : memref<1x1x128x32xf32, #tpu.memory_space<vmem>> -> memref<128x32xf32, #tpu.memory_space<vmem>>
      %dma_start3A_1869 = arith.constant 0 : i32
      %dma_start3A_1870 = tpu.memref_slice %arg8[%dma_start3A_1861, %dma_start3A_1862, %dma_start3A_1869] : memref<4x2x128xi32, #tpu.memory_space<vmem>> -> memref<1x1x128xi32, #tpu.memory_space<vmem>>
      %dma_start3A_1871 = tpu.memref_squeeze %dma_start3A_1870 : memref<1x1x128xi32, #tpu.memory_space<vmem>> -> memref<128xi32, #tpu.memory_space<vmem>>
      %dma_start3A_1872 = arith.constant 0 : i32
      %dma_start3A_1873 = arith.constant 0 : i32
      %dma_start3A_1874 = tpu.memref_slice %arg5[%dma_start3A_1872, %dma_start3A_1873] : memref<93x32xf32, #tpu.memory_space<hbm>> -> memref<93x32xf32, #tpu.memory_space<hbm>>
      tpu.enqueue_indirect_dma source(%dma_start3A_1874 : memref<93x32xf32, #tpu.memory_space<hbm>>) target(%dma_start3A_1868 : memref<128x32xf32, #tpu.memory_space<vmem>>) offsets(%dma_start3A_1871 : memref<128xi32, #tpu.memory_space<vmem>>) semaphore(%arg18 : memref<!tpu.dma_semaphore, #tpu.memory_space<semaphore_mem>>)
      %dma_wait3A_1875 = arith.constant 1 : i32
      %dma_wait3A_1876 = arith.constant 0 : i32
      %dma_wait3A_1877 = arith.constant 0 : i32
      %dma_wait3A_1878 = arith.constant 0 : i32
      %dma_wait3A_1879 = tpu.memref_slice %arg9[%dma_wait3A_1875, %dma_wait3A_1876, %dma_wait3A_1877, %dma_wait3A_1878] : memref<4x2x128x64xf32, #tpu.memory_space<vmem>> -> memref<1x2x128x64xf32, #tpu.memory_space<vmem>>
      %dma_wait3A_1880 = tpu.memref_squeeze %dma_wait3A_1879 : memref<1x2x128x64xf32, #tpu.memory_space<vmem>> -> memref<2x128x64xf32, #tpu.memory_space<vmem>>
      %dma_wait3A_1881 = arith.constant 0 : i32
      %dma_wait3A_1882 = arith.constant 0 : i32
      %dma_wait3A_1883 = arith.constant 0 : i32
      %dma_wait3A_1884 = tpu.memref_slice %arg6[%dma_wait3A_1881, %dma_wait3A_1882, %dma_wait3A_1883] : memref<6400x128x96xf32, #tpu.memory_space<hbm>> -> memref<2x128x64xf32, #tpu.memory_space<hbm>>
      %dma_wait3A_1885 = arith.constant 0 : i32
      %dma_wait3A_1886 = arith.constant 0 : i32
      %dma_wait3A_1887 = arith.constant 0 : i32
      %dma_wait3A_1888 = tpu.memref_slice %arg9[%dma_wait3A_1875, %dma_wait3A_1885, %dma_wait3A_1886, %dma_wait3A_1887] : memref<4x2x128x64xf32, #tpu.memory_space<vmem>> -> memref<1x2x128x64xf32, #tpu.memory_space<vmem>>
      %dma_wait3A_1889 = tpu.memref_squeeze %dma_wait3A_1888 : memref<1x2x128x64xf32, #tpu.memory_space<vmem>> -> memref<2x128x64xf32, #tpu.memory_space<vmem>>
      %dma_wait3A_1890 = arith.constant 0 : i32
      %dma_wait3A_1891 = arith.constant 0 : i32
      %dma_wait3A_1892 = arith.constant 0 : i32
      %dma_wait3A_1893 = tpu.memref_slice %arg6[%dma_wait3A_1890, %dma_wait3A_1891, %dma_wait3A_1892] : memref<6400x128x96xf32, #tpu.memory_space<hbm>> -> memref<2x128x64xf32, #tpu.memory_space<hbm>>
      tpu.wait_dma2 semaphore(%arg16 : memref<!tpu.dma_semaphore, #tpu.memory_space<semaphore_mem>>) src(%dma_wait3A_1893 : memref<2x128x64xf32, #tpu.memory_space<hbm>>) dst(%dma_wait3A_1889 : memref<2x128x64xf32, #tpu.memory_space<vmem>>)
      %dma_wait3A_1894 = arith.constant 1 : i32
      %dma_wait3A_1895 = arith.constant 0 : i32
      %dma_wait3A_1896 = arith.constant 0 : i32
      %dma_wait3A_1897 = arith.constant 0 : i32
      %dma_wait3A_1898 = tpu.memref_slice %arg10[%dma_wait3A_1894, %dma_wait3A_1895, %dma_wait3A_1896, %dma_wait3A_1897] : memref<4x2x128x32xf32, #tpu.memory_space<vmem>> -> memref<1x2x128x32xf32, #tpu.memory_space<vmem>>
      %dma_wait3A_1899 = tpu.memref_squeeze %dma_wait3A_1898 : memref<1x2x128x32xf32, #tpu.memory_space<vmem>> -> memref<2x128x32xf32, #tpu.memory_space<vmem>>
      %dma_wait3A_1900 = arith.constant 0 : i32
      %dma_wait3A_1901 = arith.constant 0 : i32
      %dma_wait3A_1902 = arith.constant 64 : i32
      %dma_wait3A_1903 = tpu.memref_slice %arg6[%dma_wait3A_1900, %dma_wait3A_1901, %dma_wait3A_1902] : memref<6400x128x96xf32, #tpu.memory_space<hbm>> -> memref<2x128x32xf32, #tpu.memory_space<hbm>>
      %dma_wait3A_1904 = arith.constant 0 : i32
      %dma_wait3A_1905 = arith.constant 0 : i32
      %dma_wait3A_1906 = arith.constant 0 : i32
      %dma_wait3A_1907 = tpu.memref_slice %arg10[%dma_wait3A_1894, %dma_wait3A_1904, %dma_wait3A_1905, %dma_wait3A_1906] : memref<4x2x128x32xf32, #tpu.memory_space<vmem>> -> memref<1x2x128x32xf32, #tpu.memory_space<vmem>>
      %dma_wait3A_1908 = tpu.memref_squeeze %dma_wait3A_1907 : memref<1x2x128x32xf32, #tpu.memory_space<vmem>> -> memref<2x128x32xf32, #tpu.memory_space<vmem>>
      %dma_wait3A_1909 = arith.constant 0 : i32
      %dma_wait3A_1910 = arith.constant 0 : i32
      %dma_wait3A_1911 = arith.constant 64 : i32
      %dma_wait3A_1912 = tpu.memref_slice %arg6[%dma_wait3A_1909, %dma_wait3A_1910, %dma_wait3A_1911] : memref<6400x128x96xf32, #tpu.memory_space<hbm>> -> memref<2x128x32xf32, #tpu.memory_space<hbm>>
      tpu.wait_dma2 semaphore(%arg16 : memref<!tpu.dma_semaphore, #tpu.memory_space<semaphore_mem>>) src(%dma_wait3A_1912 : memref<2x128x32xf32, #tpu.memory_space<hbm>>) dst(%dma_wait3A_1908 : memref<2x128x32xf32, #tpu.memory_space<vmem>>)
      %sub3A_1913 = arith.constant 2 : i32
      %sub3A_1914 = arith.subi %add3A_1750, %sub3A_1913 : i32
      %mul3A_1915 = arith.constant 2 : i32
      %mul3A_1916 = arith.muli %sub3A_1914, %mul3A_1915 : i32
      %add3A_1917 = arith.addi %mul3A_2, %mul3A_1916 : i32
      %dma_start3A_1918 = arith.constant 1 : i32
      %dma_start3A_1919 = arith.constant 0 : i32
      %dma_start3A_1920 = arith.constant 0 : i32
      %dma_start3A_1921 = arith.constant 0 : i32
      %dma_start3A_1922 = tpu.memref_slice %arg9[%dma_start3A_1918, %dma_start3A_1919, %dma_start3A_1920, %dma_start3A_1921] : memref<4x2x128x64xf32, #tpu.memory_space<vmem>> -> memref<1x2x128x64xf32, #tpu.memory_space<vmem>>
      %dma_start3A_1923 = tpu.memref_squeeze %dma_start3A_1922 : memref<1x2x128x64xf32, #tpu.memory_space<vmem>> -> memref<2x128x64xf32, #tpu.memory_space<vmem>>
      %dma_start3A_1924 = arith.constant 0 : i32
      %dma_start3A_1925 = arith.constant 0 : i32
      %dma_start3A_1926 = tpu.memref_slice %arg6[%add3A_1917, %dma_start3A_1924, %dma_start3A_1925] : memref<6400x128x96xf32, #tpu.memory_space<hbm>> -> memref<2x128x64xf32, #tpu.memory_space<hbm>>
      %dma_start3A_1927 = arith.constant 0 : i32
      %dma_start3A_1928 = arith.constant 0 : i32
      %dma_start3A_1929 = tpu.memref_slice %arg6[%add3A_1917, %dma_start3A_1927, %dma_start3A_1928] : memref<6400x128x96xf32, #tpu.memory_space<hbm>> -> memref<2x128x64xf32, #tpu.memory_space<hbm>>
      %dma_start3A_1930 = arith.constant 0 : i32
      %dma_start3A_1931 = arith.constant 0 : i32
      %dma_start3A_1932 = arith.constant 0 : i32
      %dma_start3A_1933 = tpu.memref_slice %arg9[%dma_start3A_1918, %dma_start3A_1930, %dma_start3A_1931, %dma_start3A_1932] : memref<4x2x128x64xf32, #tpu.memory_space<vmem>> -> memref<1x2x128x64xf32, #tpu.memory_space<vmem>>
      %dma_start3A_1934 = tpu.memref_squeeze %dma_start3A_1933 : memref<1x2x128x64xf32, #tpu.memory_space<vmem>> -> memref<2x128x64xf32, #tpu.memory_space<vmem>>
      tpu.enqueue_dma source(%dma_start3A_1934 : memref<2x128x64xf32, #tpu.memory_space<vmem>>) target(%dma_start3A_1929 : memref<2x128x64xf32, #tpu.memory_space<hbm>>) target_semaphore(%arg20 : memref<!tpu.dma_semaphore, #tpu.memory_space<semaphore_mem>>)
      %dma_start3A_1935 = arith.constant 1 : i32
      %dma_start3A_1936 = arith.constant 0 : i32
      %dma_start3A_1937 = arith.constant 0 : i32
      %dma_start3A_1938 = arith.constant 0 : i32
      %dma_start3A_1939 = tpu.memref_slice %arg10[%dma_start3A_1935, %dma_start3A_1936, %dma_start3A_1937, %dma_start3A_1938] : memref<4x2x128x32xf32, #tpu.memory_space<vmem>> -> memref<1x2x128x32xf32, #tpu.memory_space<vmem>>
      %dma_start3A_1940 = tpu.memref_squeeze %dma_start3A_1939 : memref<1x2x128x32xf32, #tpu.memory_space<vmem>> -> memref<2x128x32xf32, #tpu.memory_space<vmem>>
      %dma_start3A_1941 = arith.constant 0 : i32
      %dma_start3A_1942 = arith.constant 64 : i32
      %dma_start3A_1943 = tpu.memref_slice %arg6[%add3A_1917, %dma_start3A_1941, %dma_start3A_1942] : memref<6400x128x96xf32, #tpu.memory_space<hbm>> -> memref<2x128x32xf32, #tpu.memory_space<hbm>>
      %dma_start3A_1944 = arith.constant 0 : i32
      %dma_start3A_1945 = arith.constant 64 : i32
      %dma_start3A_1946 = tpu.memref_slice %arg6[%add3A_1917, %dma_start3A_1944, %dma_start3A_1945] : memref<6400x128x96xf32, #tpu.memory_space<hbm>> -> memref<2x128x32xf32, #tpu.memory_space<hbm>>
      %dma_start3A_1947 = arith.constant 0 : i32
      %dma_start3A_1948 = arith.constant 0 : i32
      %dma_start3A_1949 = arith.constant 0 : i32
      %dma_start3A_1950 = tpu.memref_slice %arg10[%dma_start3A_1935, %dma_start3A_1947, %dma_start3A_1948, %dma_start3A_1949] : memref<4x2x128x32xf32, #tpu.memory_space<vmem>> -> memref<1x2x128x32xf32, #tpu.memory_space<vmem>>
      %dma_start3A_1951 = tpu.memref_squeeze %dma_start3A_1950 : memref<1x2x128x32xf32, #tpu.memory_space<vmem>> -> memref<2x128x32xf32, #tpu.memory_space<vmem>>
      tpu.enqueue_dma source(%dma_start3A_1951 : memref<2x128x32xf32, #tpu.memory_space<vmem>>) target(%dma_start3A_1946 : memref<2x128x32xf32, #tpu.memory_space<hbm>>) target_semaphore(%arg20 : memref<!tpu.dma_semaphore, #tpu.memory_space<semaphore_mem>>)
      %add3A_1952 = arith.constant 2 : i32
      %add3A_1953 = arith.addi %add3A_1750, %add3A_1952 : i32
      %min3A_1954 = arith.constant 99 : i32
      %min3A_1955 = arith.minsi %add3A_1953, %min3A_1954 : i32
      %mul3A_1956 = arith.constant 2 : i32
      %mul3A_1957 = arith.muli %min3A_1955, %mul3A_1956 : i32
      %add3A_1958 = arith.addi %mul3A_2, %mul3A_1957 : i32
      %dma_start3A_1959 = arith.constant 1 : i32
      %dma_start3A_1960 = arith.constant 0 : i32
      %dma_start3A_1961 = arith.constant 0 : i32
      %dma_start3A_1962 = tpu.memref_slice %arg7[%dma_start3A_1959, %dma_start3A_1960, %dma_start3A_1961] : memref<4x2x128xi32, #tpu.memory_space<vmem>> -> memref<1x2x128xi32, #tpu.memory_space<vmem>>
      %dma_start3A_1963 = tpu.memref_squeeze %dma_start3A_1962 : memref<1x2x128xi32, #tpu.memory_space<vmem>> -> memref<2x128xi32, #tpu.memory_space<vmem>>
      %dma_start3A_1964 = arith.constant 0 : i32
      %dma_start3A_1965 = tpu.memref_slice %arg2[%add3A_1958, %dma_start3A_1964] : memref<6400x128xi32, #tpu.memory_space<hbm>> -> memref<2x128xi32, #tpu.memory_space<hbm>>
      %dma_start3A_1966 = arith.constant 0 : i32
      %dma_start3A_1967 = arith.constant 0 : i32
      %dma_start3A_1968 = tpu.memref_slice %arg7[%dma_start3A_1959, %dma_start3A_1966, %dma_start3A_1967] : memref<4x2x128xi32, #tpu.memory_space<vmem>> -> memref<1x2x128xi32, #tpu.memory_space<vmem>>
      %dma_start3A_1969 = tpu.memref_squeeze %dma_start3A_1968 : memref<1x2x128xi32, #tpu.memory_space<vmem>> -> memref<2x128xi32, #tpu.memory_space<vmem>>
      %dma_start3A_1970 = arith.constant 0 : i32
      %dma_start3A_1971 = tpu.memref_slice %arg2[%add3A_1958, %dma_start3A_1970] : memref<6400x128xi32, #tpu.memory_space<hbm>> -> memref<2x128xi32, #tpu.memory_space<hbm>>
      tpu.enqueue_dma source(%dma_start3A_1971 : memref<2x128xi32, #tpu.memory_space<hbm>>) target(%dma_start3A_1969 : memref<2x128xi32, #tpu.memory_space<vmem>>) target_semaphore(%arg12 : memref<!tpu.dma_semaphore, #tpu.memory_space<semaphore_mem>>)
      %dma_start3A_1972 = arith.constant 1 : i32
      %dma_start3A_1973 = arith.constant 0 : i32
      %dma_start3A_1974 = arith.constant 0 : i32
      %dma_start3A_1975 = tpu.memref_slice %arg8[%dma_start3A_1972, %dma_start3A_1973, %dma_start3A_1974] : memref<4x2x128xi32, #tpu.memory_space<vmem>> -> memref<1x2x128xi32, #tpu.memory_space<vmem>>
      %dma_start3A_1976 = tpu.memref_squeeze %dma_start3A_1975 : memref<1x2x128xi32, #tpu.memory_space<vmem>> -> memref<2x128xi32, #tpu.memory_space<vmem>>
      %dma_start3A_1977 = arith.constant 0 : i32
      %dma_start3A_1978 = tpu.memref_slice %arg3[%add3A_1958, %dma_start3A_1977] : memref<6400x128xi32, #tpu.memory_space<hbm>> -> memref<2x128xi32, #tpu.memory_space<hbm>>
      %dma_start3A_1979 = arith.constant 0 : i32
      %dma_start3A_1980 = arith.constant 0 : i32
      %dma_start3A_1981 = tpu.memref_slice %arg8[%dma_start3A_1972, %dma_start3A_1979, %dma_start3A_1980] : memref<4x2x128xi32, #tpu.memory_space<vmem>> -> memref<1x2x128xi32, #tpu.memory_space<vmem>>
      %dma_start3A_1982 = tpu.memref_squeeze %dma_start3A_1981 : memref<1x2x128xi32, #tpu.memory_space<vmem>> -> memref<2x128xi32, #tpu.memory_space<vmem>>
      %dma_start3A_1983 = arith.constant 0 : i32
      %dma_start3A_1984 = tpu.memref_slice %arg3[%add3A_1958, %dma_start3A_1983] : memref<6400x128xi32, #tpu.memory_space<hbm>> -> memref<2x128xi32, #tpu.memory_space<hbm>>
      tpu.enqueue_dma source(%dma_start3A_1984 : memref<2x128xi32, #tpu.memory_space<hbm>>) target(%dma_start3A_1982 : memref<2x128xi32, #tpu.memory_space<vmem>>) target_semaphore(%arg12 : memref<!tpu.dma_semaphore, #tpu.memory_space<semaphore_mem>>)
    }
    %scan3A_665 = arith.constant 24 : i32
    %dma_wait3A_666 = arith.constant 2 : i32
    %dma_wait3A_667 = arith.constant 0 : i32
    %dma_wait3A_668 = arith.constant 0 : i32
    %dma_wait3A_669 = arith.constant 0 : i32
    %dma_wait3A_670 = tpu.memref_slice %arg9[%dma_wait3A_666, %dma_wait3A_667, %dma_wait3A_668, %dma_wait3A_669] : memref<4x2x128x64xf32, #tpu.memory_space<vmem>> -> memref<1x2x128x64xf32, #tpu.memory_space<vmem>>
    %dma_wait3A_671 = tpu.memref_squeeze %dma_wait3A_670 : memref<1x2x128x64xf32, #tpu.memory_space<vmem>> -> memref<2x128x64xf32, #tpu.memory_space<vmem>>
    %dma_wait3A_672 = arith.constant 0 : i32
    %dma_wait3A_673 = arith.constant 0 : i32
    %dma_wait3A_674 = arith.constant 0 : i32
    %dma_wait3A_675 = tpu.memref_slice %arg6[%dma_wait3A_672, %dma_wait3A_673, %dma_wait3A_674] : memref<6400x128x96xf32, #tpu.memory_space<hbm>> -> memref<2x128x64xf32, #tpu.memory_space<hbm>>
    %dma_wait3A_676 = arith.constant 0 : i32
    %dma_wait3A_677 = arith.constant 0 : i32
    %dma_wait3A_678 = arith.constant 0 : i32
    %dma_wait3A_679 = tpu.memref_slice %arg9[%dma_wait3A_666, %dma_wait3A_676, %dma_wait3A_677, %dma_wait3A_678] : memref<4x2x128x64xf32, #tpu.memory_space<vmem>> -> memref<1x2x128x64xf32, #tpu.memory_space<vmem>>
    %dma_wait3A_680 = tpu.memref_squeeze %dma_wait3A_679 : memref<1x2x128x64xf32, #tpu.memory_space<vmem>> -> memref<2x128x64xf32, #tpu.memory_space<vmem>>
    %dma_wait3A_681 = arith.constant 0 : i32
    %dma_wait3A_682 = arith.constant 0 : i32
    %dma_wait3A_683 = arith.constant 0 : i32
    %dma_wait3A_684 = tpu.memref_slice %arg6[%dma_wait3A_681, %dma_wait3A_682, %dma_wait3A_683] : memref<6400x128x96xf32, #tpu.memory_space<hbm>> -> memref<2x128x64xf32, #tpu.memory_space<hbm>>
    tpu.wait_dma2 semaphore(%arg17 : memref<!tpu.dma_semaphore, #tpu.memory_space<semaphore_mem>>) src(%dma_wait3A_684 : memref<2x128x64xf32, #tpu.memory_space<hbm>>) dst(%dma_wait3A_680 : memref<2x128x64xf32, #tpu.memory_space<vmem>>)
    %dma_wait3A_685 = arith.constant 2 : i32
    %dma_wait3A_686 = arith.constant 0 : i32
    %dma_wait3A_687 = arith.constant 0 : i32
    %dma_wait3A_688 = arith.constant 0 : i32
    %dma_wait3A_689 = tpu.memref_slice %arg10[%dma_wait3A_685, %dma_wait3A_686, %dma_wait3A_687, %dma_wait3A_688] : memref<4x2x128x32xf32, #tpu.memory_space<vmem>> -> memref<1x2x128x32xf32, #tpu.memory_space<vmem>>
    %dma_wait3A_690 = tpu.memref_squeeze %dma_wait3A_689 : memref<1x2x128x32xf32, #tpu.memory_space<vmem>> -> memref<2x128x32xf32, #tpu.memory_space<vmem>>
    %dma_wait3A_691 = arith.constant 0 : i32
    %dma_wait3A_692 = arith.constant 0 : i32
    %dma_wait3A_693 = arith.constant 64 : i32
    %dma_wait3A_694 = tpu.memref_slice %arg6[%dma_wait3A_691, %dma_wait3A_692, %dma_wait3A_693] : memref<6400x128x96xf32, #tpu.memory_space<hbm>> -> memref<2x128x32xf32, #tpu.memory_space<hbm>>
    %dma_wait3A_695 = arith.constant 0 : i32
    %dma_wait3A_696 = arith.constant 0 : i32
    %dma_wait3A_697 = arith.constant 0 : i32
    %dma_wait3A_698 = tpu.memref_slice %arg10[%dma_wait3A_685, %dma_wait3A_695, %dma_wait3A_696, %dma_wait3A_697] : memref<4x2x128x32xf32, #tpu.memory_space<vmem>> -> memref<1x2x128x32xf32, #tpu.memory_space<vmem>>
    %dma_wait3A_699 = tpu.memref_squeeze %dma_wait3A_698 : memref<1x2x128x32xf32, #tpu.memory_space<vmem>> -> memref<2x128x32xf32, #tpu.memory_space<vmem>>
    %dma_wait3A_700 = arith.constant 0 : i32
    %dma_wait3A_701 = arith.constant 0 : i32
    %dma_wait3A_702 = arith.constant 64 : i32
    %dma_wait3A_703 = tpu.memref_slice %arg6[%dma_wait3A_700, %dma_wait3A_701, %dma_wait3A_702] : memref<6400x128x96xf32, #tpu.memory_space<hbm>> -> memref<2x128x32xf32, #tpu.memory_space<hbm>>
    tpu.wait_dma2 semaphore(%arg17 : memref<!tpu.dma_semaphore, #tpu.memory_space<semaphore_mem>>) src(%dma_wait3A_703 : memref<2x128x32xf32, #tpu.memory_space<hbm>>) dst(%dma_wait3A_699 : memref<2x128x32xf32, #tpu.memory_space<vmem>>)
    %add3A_704 = arith.constant 196 : i32
    %add3A_705 = arith.addi %mul3A_2, %add3A_704 : i32
    %dma_start3A_706 = arith.constant 2 : i32
    %dma_start3A_707 = arith.constant 0 : i32
    %dma_start3A_708 = arith.constant 0 : i32
    %dma_start3A_709 = arith.constant 0 : i32
    %dma_start3A_710 = tpu.memref_slice %arg9[%dma_start3A_706, %dma_start3A_707, %dma_start3A_708, %dma_start3A_709] : memref<4x2x128x64xf32, #tpu.memory_space<vmem>> -> memref<1x2x128x64xf32, #tpu.memory_space<vmem>>
    %dma_start3A_711 = tpu.memref_squeeze %dma_start3A_710 : memref<1x2x128x64xf32, #tpu.memory_space<vmem>> -> memref<2x128x64xf32, #tpu.memory_space<vmem>>
    %dma_start3A_712 = arith.constant 0 : i32
    %dma_start3A_713 = arith.constant 0 : i32
    %dma_start3A_714 = tpu.memref_slice %arg6[%add3A_705, %dma_start3A_712, %dma_start3A_713] : memref<6400x128x96xf32, #tpu.memory_space<hbm>> -> memref<2x128x64xf32, #tpu.memory_space<hbm>>
    %dma_start3A_715 = arith.constant 0 : i32
    %dma_start3A_716 = arith.constant 0 : i32
    %dma_start3A_717 = tpu.memref_slice %arg6[%add3A_705, %dma_start3A_715, %dma_start3A_716] : memref<6400x128x96xf32, #tpu.memory_space<hbm>> -> memref<2x128x64xf32, #tpu.memory_space<hbm>>
    %dma_start3A_718 = arith.constant 0 : i32
    %dma_start3A_719 = arith.constant 0 : i32
    %dma_start3A_720 = arith.constant 0 : i32
    %dma_start3A_721 = tpu.memref_slice %arg9[%dma_start3A_706, %dma_start3A_718, %dma_start3A_719, %dma_start3A_720] : memref<4x2x128x64xf32, #tpu.memory_space<vmem>> -> memref<1x2x128x64xf32, #tpu.memory_space<vmem>>
    %dma_start3A_722 = tpu.memref_squeeze %dma_start3A_721 : memref<1x2x128x64xf32, #tpu.memory_space<vmem>> -> memref<2x128x64xf32, #tpu.memory_space<vmem>>
    tpu.enqueue_dma source(%dma_start3A_722 : memref<2x128x64xf32, #tpu.memory_space<vmem>>) target(%dma_start3A_717 : memref<2x128x64xf32, #tpu.memory_space<hbm>>) target_semaphore(%arg21 : memref<!tpu.dma_semaphore, #tpu.memory_space<semaphore_mem>>)
    %dma_start3A_723 = arith.constant 2 : i32
    %dma_start3A_724 = arith.constant 0 : i32
    %dma_start3A_725 = arith.constant 0 : i32
    %dma_start3A_726 = arith.constant 0 : i32
    %dma_start3A_727 = tpu.memref_slice %arg10[%dma_start3A_723, %dma_start3A_724, %dma_start3A_725, %dma_start3A_726] : memref<4x2x128x32xf32, #tpu.memory_space<vmem>> -> memref<1x2x128x32xf32, #tpu.memory_space<vmem>>
    %dma_start3A_728 = tpu.memref_squeeze %dma_start3A_727 : memref<1x2x128x32xf32, #tpu.memory_space<vmem>> -> memref<2x128x32xf32, #tpu.memory_space<vmem>>
    %dma_start3A_729 = arith.constant 0 : i32
    %dma_start3A_730 = arith.constant 64 : i32
    %dma_start3A_731 = tpu.memref_slice %arg6[%add3A_705, %dma_start3A_729, %dma_start3A_730] : memref<6400x128x96xf32, #tpu.memory_space<hbm>> -> memref<2x128x32xf32, #tpu.memory_space<hbm>>
    %dma_start3A_732 = arith.constant 0 : i32
    %dma_start3A_733 = arith.constant 64 : i32
    %dma_start3A_734 = tpu.memref_slice %arg6[%add3A_705, %dma_start3A_732, %dma_start3A_733] : memref<6400x128x96xf32, #tpu.memory_space<hbm>> -> memref<2x128x32xf32, #tpu.memory_space<hbm>>
    %dma_start3A_735 = arith.constant 0 : i32
    %dma_start3A_736 = arith.constant 0 : i32
    %dma_start3A_737 = arith.constant 0 : i32
    %dma_start3A_738 = tpu.memref_slice %arg10[%dma_start3A_723, %dma_start3A_735, %dma_start3A_736, %dma_start3A_737] : memref<4x2x128x32xf32, #tpu.memory_space<vmem>> -> memref<1x2x128x32xf32, #tpu.memory_space<vmem>>
    %dma_start3A_739 = tpu.memref_squeeze %dma_start3A_738 : memref<1x2x128x32xf32, #tpu.memory_space<vmem>> -> memref<2x128x32xf32, #tpu.memory_space<vmem>>
    tpu.enqueue_dma source(%dma_start3A_739 : memref<2x128x32xf32, #tpu.memory_space<vmem>>) target(%dma_start3A_734 : memref<2x128x32xf32, #tpu.memory_space<hbm>>) target_semaphore(%arg21 : memref<!tpu.dma_semaphore, #tpu.memory_space<semaphore_mem>>)
    %dma_wait3A_740 = arith.constant 3 : i32
    %dma_wait3A_741 = arith.constant 0 : i32
    %dma_wait3A_742 = arith.constant 0 : i32
    %dma_wait3A_743 = arith.constant 0 : i32
    %dma_wait3A_744 = tpu.memref_slice %arg9[%dma_wait3A_740, %dma_wait3A_741, %dma_wait3A_742, %dma_wait3A_743] : memref<4x2x128x64xf32, #tpu.memory_space<vmem>> -> memref<1x2x128x64xf32, #tpu.memory_space<vmem>>
    %dma_wait3A_745 = tpu.memref_squeeze %dma_wait3A_744 : memref<1x2x128x64xf32, #tpu.memory_space<vmem>> -> memref<2x128x64xf32, #tpu.memory_space<vmem>>
    %dma_wait3A_746 = arith.constant 0 : i32
    %dma_wait3A_747 = arith.constant 0 : i32
    %dma_wait3A_748 = arith.constant 0 : i32
    %dma_wait3A_749 = tpu.memref_slice %arg6[%dma_wait3A_746, %dma_wait3A_747, %dma_wait3A_748] : memref<6400x128x96xf32, #tpu.memory_space<hbm>> -> memref<2x128x64xf32, #tpu.memory_space<hbm>>
    %dma_wait3A_750 = arith.constant 0 : i32
    %dma_wait3A_751 = arith.constant 0 : i32
    %dma_wait3A_752 = arith.constant 0 : i32
    %dma_wait3A_753 = tpu.memref_slice %arg9[%dma_wait3A_740, %dma_wait3A_750, %dma_wait3A_751, %dma_wait3A_752] : memref<4x2x128x64xf32, #tpu.memory_space<vmem>> -> memref<1x2x128x64xf32, #tpu.memory_space<vmem>>
    %dma_wait3A_754 = tpu.memref_squeeze %dma_wait3A_753 : memref<1x2x128x64xf32, #tpu.memory_space<vmem>> -> memref<2x128x64xf32, #tpu.memory_space<vmem>>
    %dma_wait3A_755 = arith.constant 0 : i32
    %dma_wait3A_756 = arith.constant 0 : i32
    %dma_wait3A_757 = arith.constant 0 : i32
    %dma_wait3A_758 = tpu.memref_slice %arg6[%dma_wait3A_755, %dma_wait3A_756, %dma_wait3A_757] : memref<6400x128x96xf32, #tpu.memory_space<hbm>> -> memref<2x128x64xf32, #tpu.memory_space<hbm>>
    tpu.wait_dma2 semaphore(%arg18 : memref<!tpu.dma_semaphore, #tpu.memory_space<semaphore_mem>>) src(%dma_wait3A_758 : memref<2x128x64xf32, #tpu.memory_space<hbm>>) dst(%dma_wait3A_754 : memref<2x128x64xf32, #tpu.memory_space<vmem>>)
    %dma_wait3A_759 = arith.constant 3 : i32
    %dma_wait3A_760 = arith.constant 0 : i32
    %dma_wait3A_761 = arith.constant 0 : i32
    %dma_wait3A_762 = arith.constant 0 : i32
    %dma_wait3A_763 = tpu.memref_slice %arg10[%dma_wait3A_759, %dma_wait3A_760, %dma_wait3A_761, %dma_wait3A_762] : memref<4x2x128x32xf32, #tpu.memory_space<vmem>> -> memref<1x2x128x32xf32, #tpu.memory_space<vmem>>
    %dma_wait3A_764 = tpu.memref_squeeze %dma_wait3A_763 : memref<1x2x128x32xf32, #tpu.memory_space<vmem>> -> memref<2x128x32xf32, #tpu.memory_space<vmem>>
    %dma_wait3A_765 = arith.constant 0 : i32
    %dma_wait3A_766 = arith.constant 0 : i32
    %dma_wait3A_767 = arith.constant 64 : i32
    %dma_wait3A_768 = tpu.memref_slice %arg6[%dma_wait3A_765, %dma_wait3A_766, %dma_wait3A_767] : memref<6400x128x96xf32, #tpu.memory_space<hbm>> -> memref<2x128x32xf32, #tpu.memory_space<hbm>>
    %dma_wait3A_769 = arith.constant 0 : i32
    %dma_wait3A_770 = arith.constant 0 : i32
    %dma_wait3A_771 = arith.constant 0 : i32
    %dma_wait3A_772 = tpu.memref_slice %arg10[%dma_wait3A_759, %dma_wait3A_769, %dma_wait3A_770, %dma_wait3A_771] : memref<4x2x128x32xf32, #tpu.memory_space<vmem>> -> memref<1x2x128x32xf32, #tpu.memory_space<vmem>>
    %dma_wait3A_773 = tpu.memref_squeeze %dma_wait3A_772 : memref<1x2x128x32xf32, #tpu.memory_space<vmem>> -> memref<2x128x32xf32, #tpu.memory_space<vmem>>
    %dma_wait3A_774 = arith.constant 0 : i32
    %dma_wait3A_775 = arith.constant 0 : i32
    %dma_wait3A_776 = arith.constant 64 : i32
    %dma_wait3A_777 = tpu.memref_slice %arg6[%dma_wait3A_774, %dma_wait3A_775, %dma_wait3A_776] : memref<6400x128x96xf32, #tpu.memory_space<hbm>> -> memref<2x128x32xf32, #tpu.memory_space<hbm>>
    tpu.wait_dma2 semaphore(%arg18 : memref<!tpu.dma_semaphore, #tpu.memory_space<semaphore_mem>>) src(%dma_wait3A_777 : memref<2x128x32xf32, #tpu.memory_space<hbm>>) dst(%dma_wait3A_773 : memref<2x128x32xf32, #tpu.memory_space<vmem>>)
    %add3A_778 = arith.constant 198 : i32
    %add3A_779 = arith.addi %mul3A_2, %add3A_778 : i32
    %dma_start3A_780 = arith.constant 3 : i32
    %dma_start3A_781 = arith.constant 0 : i32
    %dma_start3A_782 = arith.constant 0 : i32
    %dma_start3A_783 = arith.constant 0 : i32
    %dma_start3A_784 = tpu.memref_slice %arg9[%dma_start3A_780, %dma_start3A_781, %dma_start3A_782, %dma_start3A_783] : memref<4x2x128x64xf32, #tpu.memory_space<vmem>> -> memref<1x2x128x64xf32, #tpu.memory_space<vmem>>
    %dma_start3A_785 = tpu.memref_squeeze %dma_start3A_784 : memref<1x2x128x64xf32, #tpu.memory_space<vmem>> -> memref<2x128x64xf32, #tpu.memory_space<vmem>>
    %dma_start3A_786 = arith.constant 0 : i32
    %dma_start3A_787 = arith.constant 0 : i32
    %dma_start3A_788 = tpu.memref_slice %arg6[%add3A_779, %dma_start3A_786, %dma_start3A_787] : memref<6400x128x96xf32, #tpu.memory_space<hbm>> -> memref<2x128x64xf32, #tpu.memory_space<hbm>>
    %dma_start3A_789 = arith.constant 0 : i32
    %dma_start3A_790 = arith.constant 0 : i32
    %dma_start3A_791 = tpu.memref_slice %arg6[%add3A_779, %dma_start3A_789, %dma_start3A_790] : memref<6400x128x96xf32, #tpu.memory_space<hbm>> -> memref<2x128x64xf32, #tpu.memory_space<hbm>>
    %dma_start3A_792 = arith.constant 0 : i32
    %dma_start3A_793 = arith.constant 0 : i32
    %dma_start3A_794 = arith.constant 0 : i32
    %dma_start3A_795 = tpu.memref_slice %arg9[%dma_start3A_780, %dma_start3A_792, %dma_start3A_793, %dma_start3A_794] : memref<4x2x128x64xf32, #tpu.memory_space<vmem>> -> memref<1x2x128x64xf32, #tpu.memory_space<vmem>>
    %dma_start3A_796 = tpu.memref_squeeze %dma_start3A_795 : memref<1x2x128x64xf32, #tpu.memory_space<vmem>> -> memref<2x128x64xf32, #tpu.memory_space<vmem>>
    tpu.enqueue_dma source(%dma_start3A_796 : memref<2x128x64xf32, #tpu.memory_space<vmem>>) target(%dma_start3A_791 : memref<2x128x64xf32, #tpu.memory_space<hbm>>) target_semaphore(%arg22 : memref<!tpu.dma_semaphore, #tpu.memory_space<semaphore_mem>>)
    %dma_start3A_797 = arith.constant 3 : i32
    %dma_start3A_798 = arith.constant 0 : i32
    %dma_start3A_799 = arith.constant 0 : i32
    %dma_start3A_800 = arith.constant 0 : i32
    %dma_start3A_801 = tpu.memref_slice %arg10[%dma_start3A_797, %dma_start3A_798, %dma_start3A_799, %dma_start3A_800] : memref<4x2x128x32xf32, #tpu.memory_space<vmem>> -> memref<1x2x128x32xf32, #tpu.memory_space<vmem>>
    %dma_start3A_802 = tpu.memref_squeeze %dma_start3A_801 : memref<1x2x128x32xf32, #tpu.memory_space<vmem>> -> memref<2x128x32xf32, #tpu.memory_space<vmem>>
    %dma_start3A_803 = arith.constant 0 : i32
    %dma_start3A_804 = arith.constant 64 : i32
    %dma_start3A_805 = tpu.memref_slice %arg6[%add3A_779, %dma_start3A_803, %dma_start3A_804] : memref<6400x128x96xf32, #tpu.memory_space<hbm>> -> memref<2x128x32xf32, #tpu.memory_space<hbm>>
    %dma_start3A_806 = arith.constant 0 : i32
    %dma_start3A_807 = arith.constant 64 : i32
    %dma_start3A_808 = tpu.memref_slice %arg6[%add3A_779, %dma_start3A_806, %dma_start3A_807] : memref<6400x128x96xf32, #tpu.memory_space<hbm>> -> memref<2x128x32xf32, #tpu.memory_space<hbm>>
    %dma_start3A_809 = arith.constant 0 : i32
    %dma_start3A_810 = arith.constant 0 : i32
    %dma_start3A_811 = arith.constant 0 : i32
    %dma_start3A_812 = tpu.memref_slice %arg10[%dma_start3A_797, %dma_start3A_809, %dma_start3A_810, %dma_start3A_811] : memref<4x2x128x32xf32, #tpu.memory_space<vmem>> -> memref<1x2x128x32xf32, #tpu.memory_space<vmem>>
    %dma_start3A_813 = tpu.memref_squeeze %dma_start3A_812 : memref<1x2x128x32xf32, #tpu.memory_space<vmem>> -> memref<2x128x32xf32, #tpu.memory_space<vmem>>
    tpu.enqueue_dma source(%dma_start3A_813 : memref<2x128x32xf32, #tpu.memory_space<vmem>>) target(%dma_start3A_808 : memref<2x128x32xf32, #tpu.memory_space<hbm>>) target_semaphore(%arg22 : memref<!tpu.dma_semaphore, #tpu.memory_space<semaphore_mem>>)
    %dma_wait3A_814 = arith.constant 0 : i32
    %dma_wait3A_815 = arith.constant 0 : i32
    %dma_wait3A_816 = arith.constant 0 : i32
    %dma_wait3A_817 = arith.constant 0 : i32
    %dma_wait3A_818 = tpu.memref_slice %arg9[%dma_wait3A_814, %dma_wait3A_815, %dma_wait3A_816, %dma_wait3A_817] : memref<4x2x128x64xf32, #tpu.memory_space<vmem>> -> memref<1x2x128x64xf32, #tpu.memory_space<vmem>>
    %dma_wait3A_819 = tpu.memref_squeeze %dma_wait3A_818 : memref<1x2x128x64xf32, #tpu.memory_space<vmem>> -> memref<2x128x64xf32, #tpu.memory_space<vmem>>
    %dma_wait3A_820 = arith.constant 0 : i32
    %dma_wait3A_821 = arith.constant 0 : i32
    %dma_wait3A_822 = arith.constant 0 : i32
    %dma_wait3A_823 = tpu.memref_slice %arg6[%dma_wait3A_820, %dma_wait3A_821, %dma_wait3A_822] : memref<6400x128x96xf32, #tpu.memory_space<hbm>> -> memref<2x128x64xf32, #tpu.memory_space<hbm>>
    %dma_wait3A_824 = arith.constant 0 : i32
    %dma_wait3A_825 = arith.constant 0 : i32
    %dma_wait3A_826 = arith.constant 0 : i32
    %dma_wait3A_827 = tpu.memref_slice %arg6[%dma_wait3A_824, %dma_wait3A_825, %dma_wait3A_826] : memref<6400x128x96xf32, #tpu.memory_space<hbm>> -> memref<2x128x64xf32, #tpu.memory_space<hbm>>
    %dma_wait3A_828 = arith.constant 0 : i32
    %dma_wait3A_829 = arith.constant 0 : i32
    %dma_wait3A_830 = arith.constant 0 : i32
    %dma_wait3A_831 = tpu.memref_slice %arg9[%dma_wait3A_814, %dma_wait3A_828, %dma_wait3A_829, %dma_wait3A_830] : memref<4x2x128x64xf32, #tpu.memory_space<vmem>> -> memref<1x2x128x64xf32, #tpu.memory_space<vmem>>
    %dma_wait3A_832 = tpu.memref_squeeze %dma_wait3A_831 : memref<1x2x128x64xf32, #tpu.memory_space<vmem>> -> memref<2x128x64xf32, #tpu.memory_space<vmem>>
    tpu.wait_dma2 semaphore(%arg19 : memref<!tpu.dma_semaphore, #tpu.memory_space<semaphore_mem>>) src(%dma_wait3A_832 : memref<2x128x64xf32, #tpu.memory_space<vmem>>) dst(%dma_wait3A_827 : memref<2x128x64xf32, #tpu.memory_space<hbm>>)
    %dma_wait3A_833 = arith.constant 0 : i32
    %dma_wait3A_834 = arith.constant 0 : i32
    %dma_wait3A_835 = arith.constant 0 : i32
    %dma_wait3A_836 = arith.constant 0 : i32
    %dma_wait3A_837 = tpu.memref_slice %arg10[%dma_wait3A_833, %dma_wait3A_834, %dma_wait3A_835, %dma_wait3A_836] : memref<4x2x128x32xf32, #tpu.memory_space<vmem>> -> memref<1x2x128x32xf32, #tpu.memory_space<vmem>>
    %dma_wait3A_838 = tpu.memref_squeeze %dma_wait3A_837 : memref<1x2x128x32xf32, #tpu.memory_space<vmem>> -> memref<2x128x32xf32, #tpu.memory_space<vmem>>
    %dma_wait3A_839 = arith.constant 0 : i32
    %dma_wait3A_840 = arith.constant 0 : i32
    %dma_wait3A_841 = arith.constant 64 : i32
    %dma_wait3A_842 = tpu.memref_slice %arg6[%dma_wait3A_839, %dma_wait3A_840, %dma_wait3A_841] : memref<6400x128x96xf32, #tpu.memory_space<hbm>> -> memref<2x128x32xf32, #tpu.memory_space<hbm>>
    %dma_wait3A_843 = arith.constant 0 : i32
    %dma_wait3A_844 = arith.constant 0 : i32
    %dma_wait3A_845 = arith.constant 64 : i32
    %dma_wait3A_846 = tpu.memref_slice %arg6[%dma_wait3A_843, %dma_wait3A_844, %dma_wait3A_845] : memref<6400x128x96xf32, #tpu.memory_space<hbm>> -> memref<2x128x32xf32, #tpu.memory_space<hbm>>
    %dma_wait3A_847 = arith.constant 0 : i32
    %dma_wait3A_848 = arith.constant 0 : i32
    %dma_wait3A_849 = arith.constant 0 : i32
    %dma_wait3A_850 = tpu.memref_slice %arg10[%dma_wait3A_833, %dma_wait3A_847, %dma_wait3A_848, %dma_wait3A_849] : memref<4x2x128x32xf32, #tpu.memory_space<vmem>> -> memref<1x2x128x32xf32, #tpu.memory_space<vmem>>
    %dma_wait3A_851 = tpu.memref_squeeze %dma_wait3A_850 : memref<1x2x128x32xf32, #tpu.memory_space<vmem>> -> memref<2x128x32xf32, #tpu.memory_space<vmem>>
    tpu.wait_dma2 semaphore(%arg19 : memref<!tpu.dma_semaphore, #tpu.memory_space<semaphore_mem>>) src(%dma_wait3A_851 : memref<2x128x32xf32, #tpu.memory_space<vmem>>) dst(%dma_wait3A_846 : memref<2x128x32xf32, #tpu.memory_space<hbm>>)
    %dma_wait3A_852 = arith.constant 1 : i32
    %dma_wait3A_853 = arith.constant 0 : i32
    %dma_wait3A_854 = arith.constant 0 : i32
    %dma_wait3A_855 = arith.constant 0 : i32
    %dma_wait3A_856 = tpu.memref_slice %arg9[%dma_wait3A_852, %dma_wait3A_853, %dma_wait3A_854, %dma_wait3A_855] : memref<4x2x128x64xf32, #tpu.memory_space<vmem>> -> memref<1x2x128x64xf32, #tpu.memory_space<vmem>>
    %dma_wait3A_857 = tpu.memref_squeeze %dma_wait3A_856 : memref<1x2x128x64xf32, #tpu.memory_space<vmem>> -> memref<2x128x64xf32, #tpu.memory_space<vmem>>
    %dma_wait3A_858 = arith.constant 0 : i32
    %dma_wait3A_859 = arith.constant 0 : i32
    %dma_wait3A_860 = arith.constant 0 : i32
    %dma_wait3A_861 = tpu.memref_slice %arg6[%dma_wait3A_858, %dma_wait3A_859, %dma_wait3A_860] : memref<6400x128x96xf32, #tpu.memory_space<hbm>> -> memref<2x128x64xf32, #tpu.memory_space<hbm>>
    %dma_wait3A_862 = arith.constant 0 : i32
    %dma_wait3A_863 = arith.constant 0 : i32
    %dma_wait3A_864 = arith.constant 0 : i32
    %dma_wait3A_865 = tpu.memref_slice %arg6[%dma_wait3A_862, %dma_wait3A_863, %dma_wait3A_864] : memref<6400x128x96xf32, #tpu.memory_space<hbm>> -> memref<2x128x64xf32, #tpu.memory_space<hbm>>
    %dma_wait3A_866 = arith.constant 0 : i32
    %dma_wait3A_867 = arith.constant 0 : i32
    %dma_wait3A_868 = arith.constant 0 : i32
    %dma_wait3A_869 = tpu.memref_slice %arg9[%dma_wait3A_852, %dma_wait3A_866, %dma_wait3A_867, %dma_wait3A_868] : memref<4x2x128x64xf32, #tpu.memory_space<vmem>> -> memref<1x2x128x64xf32, #tpu.memory_space<vmem>>
    %dma_wait3A_870 = tpu.memref_squeeze %dma_wait3A_869 : memref<1x2x128x64xf32, #tpu.memory_space<vmem>> -> memref<2x128x64xf32, #tpu.memory_space<vmem>>
    tpu.wait_dma2 semaphore(%arg20 : memref<!tpu.dma_semaphore, #tpu.memory_space<semaphore_mem>>) src(%dma_wait3A_870 : memref<2x128x64xf32, #tpu.memory_space<vmem>>) dst(%dma_wait3A_865 : memref<2x128x64xf32, #tpu.memory_space<hbm>>)
    %dma_wait3A_871 = arith.constant 1 : i32
    %dma_wait3A_872 = arith.constant 0 : i32
    %dma_wait3A_873 = arith.constant 0 : i32
    %dma_wait3A_874 = arith.constant 0 : i32
    %dma_wait3A_875 = tpu.memref_slice %arg10[%dma_wait3A_871, %dma_wait3A_872, %dma_wait3A_873, %dma_wait3A_874] : memref<4x2x128x32xf32, #tpu.memory_space<vmem>> -> memref<1x2x128x32xf32, #tpu.memory_space<vmem>>
    %dma_wait3A_876 = tpu.memref_squeeze %dma_wait3A_875 : memref<1x2x128x32xf32, #tpu.memory_space<vmem>> -> memref<2x128x32xf32, #tpu.memory_space<vmem>>
    %dma_wait3A_877 = arith.constant 0 : i32
    %dma_wait3A_878 = arith.constant 0 : i32
    %dma_wait3A_879 = arith.constant 64 : i32
    %dma_wait3A_880 = tpu.memref_slice %arg6[%dma_wait3A_877, %dma_wait3A_878, %dma_wait3A_879] : memref<6400x128x96xf32, #tpu.memory_space<hbm>> -> memref<2x128x32xf32, #tpu.memory_space<hbm>>
    %dma_wait3A_881 = arith.constant 0 : i32
    %dma_wait3A_882 = arith.constant 0 : i32
    %dma_wait3A_883 = arith.constant 64 : i32
    %dma_wait3A_884 = tpu.memref_slice %arg6[%dma_wait3A_881, %dma_wait3A_882, %dma_wait3A_883] : memref<6400x128x96xf32, #tpu.memory_space<hbm>> -> memref<2x128x32xf32, #tpu.memory_space<hbm>>
    %dma_wait3A_885 = arith.constant 0 : i32
    %dma_wait3A_886 = arith.constant 0 : i32
    %dma_wait3A_887 = arith.constant 0 : i32
    %dma_wait3A_888 = tpu.memref_slice %arg10[%dma_wait3A_871, %dma_wait3A_885, %dma_wait3A_886, %dma_wait3A_887] : memref<4x2x128x32xf32, #tpu.memory_space<vmem>> -> memref<1x2x128x32xf32, #tpu.memory_space<vmem>>
    %dma_wait3A_889 = tpu.memref_squeeze %dma_wait3A_888 : memref<1x2x128x32xf32, #tpu.memory_space<vmem>> -> memref<2x128x32xf32, #tpu.memory_space<vmem>>
    tpu.wait_dma2 semaphore(%arg20 : memref<!tpu.dma_semaphore, #tpu.memory_space<semaphore_mem>>) src(%dma_wait3A_889 : memref<2x128x32xf32, #tpu.memory_space<vmem>>) dst(%dma_wait3A_884 : memref<2x128x32xf32, #tpu.memory_space<hbm>>)
    %dma_wait3A_890 = arith.constant 2 : i32
    %dma_wait3A_891 = arith.constant 0 : i32
    %dma_wait3A_892 = arith.constant 0 : i32
    %dma_wait3A_893 = arith.constant 0 : i32
    %dma_wait3A_894 = tpu.memref_slice %arg9[%dma_wait3A_890, %dma_wait3A_891, %dma_wait3A_892, %dma_wait3A_893] : memref<4x2x128x64xf32, #tpu.memory_space<vmem>> -> memref<1x2x128x64xf32, #tpu.memory_space<vmem>>
    %dma_wait3A_895 = tpu.memref_squeeze %dma_wait3A_894 : memref<1x2x128x64xf32, #tpu.memory_space<vmem>> -> memref<2x128x64xf32, #tpu.memory_space<vmem>>
    %dma_wait3A_896 = arith.constant 0 : i32
    %dma_wait3A_897 = arith.constant 0 : i32
    %dma_wait3A_898 = arith.constant 0 : i32
    %dma_wait3A_899 = tpu.memref_slice %arg6[%dma_wait3A_896, %dma_wait3A_897, %dma_wait3A_898] : memref<6400x128x96xf32, #tpu.memory_space<hbm>> -> memref<2x128x64xf32, #tpu.memory_space<hbm>>
    %dma_wait3A_900 = arith.constant 0 : i32
    %dma_wait3A_901 = arith.constant 0 : i32
    %dma_wait3A_902 = arith.constant 0 : i32
    %dma_wait3A_903 = tpu.memref_slice %arg6[%dma_wait3A_900, %dma_wait3A_901, %dma_wait3A_902] : memref<6400x128x96xf32, #tpu.memory_space<hbm>> -> memref<2x128x64xf32, #tpu.memory_space<hbm>>
    %dma_wait3A_904 = arith.constant 0 : i32
    %dma_wait3A_905 = arith.constant 0 : i32
    %dma_wait3A_906 = arith.constant 0 : i32
    %dma_wait3A_907 = tpu.memref_slice %arg9[%dma_wait3A_890, %dma_wait3A_904, %dma_wait3A_905, %dma_wait3A_906] : memref<4x2x128x64xf32, #tpu.memory_space<vmem>> -> memref<1x2x128x64xf32, #tpu.memory_space<vmem>>
    %dma_wait3A_908 = tpu.memref_squeeze %dma_wait3A_907 : memref<1x2x128x64xf32, #tpu.memory_space<vmem>> -> memref<2x128x64xf32, #tpu.memory_space<vmem>>
    tpu.wait_dma2 semaphore(%arg21 : memref<!tpu.dma_semaphore, #tpu.memory_space<semaphore_mem>>) src(%dma_wait3A_908 : memref<2x128x64xf32, #tpu.memory_space<vmem>>) dst(%dma_wait3A_903 : memref<2x128x64xf32, #tpu.memory_space<hbm>>)
    %dma_wait3A_909 = arith.constant 2 : i32
    %dma_wait3A_910 = arith.constant 0 : i32
    %dma_wait3A_911 = arith.constant 0 : i32
    %dma_wait3A_912 = arith.constant 0 : i32
    %dma_wait3A_913 = tpu.memref_slice %arg10[%dma_wait3A_909, %dma_wait3A_910, %dma_wait3A_911, %dma_wait3A_912] : memref<4x2x128x32xf32, #tpu.memory_space<vmem>> -> memref<1x2x128x32xf32, #tpu.memory_space<vmem>>
    %dma_wait3A_914 = tpu.memref_squeeze %dma_wait3A_913 : memref<1x2x128x32xf32, #tpu.memory_space<vmem>> -> memref<2x128x32xf32, #tpu.memory_space<vmem>>
    %dma_wait3A_915 = arith.constant 0 : i32
    %dma_wait3A_916 = arith.constant 0 : i32
    %dma_wait3A_917 = arith.constant 64 : i32
    %dma_wait3A_918 = tpu.memref_slice %arg6[%dma_wait3A_915, %dma_wait3A_916, %dma_wait3A_917] : memref<6400x128x96xf32, #tpu.memory_space<hbm>> -> memref<2x128x32xf32, #tpu.memory_space<hbm>>
    %dma_wait3A_919 = arith.constant 0 : i32
    %dma_wait3A_920 = arith.constant 0 : i32
    %dma_wait3A_921 = arith.constant 64 : i32
    %dma_wait3A_922 = tpu.memref_slice %arg6[%dma_wait3A_919, %dma_wait3A_920, %dma_wait3A_921] : memref<6400x128x96xf32, #tpu.memory_space<hbm>> -> memref<2x128x32xf32, #tpu.memory_space<hbm>>
    %dma_wait3A_923 = arith.constant 0 : i32
    %dma_wait3A_924 = arith.constant 0 : i32
    %dma_wait3A_925 = arith.constant 0 : i32
    %dma_wait3A_926 = tpu.memref_slice %arg10[%dma_wait3A_909, %dma_wait3A_923, %dma_wait3A_924, %dma_wait3A_925] : memref<4x2x128x32xf32, #tpu.memory_space<vmem>> -> memref<1x2x128x32xf32, #tpu.memory_space<vmem>>
    %dma_wait3A_927 = tpu.memref_squeeze %dma_wait3A_926 : memref<1x2x128x32xf32, #tpu.memory_space<vmem>> -> memref<2x128x32xf32, #tpu.memory_space<vmem>>
    tpu.wait_dma2 semaphore(%arg21 : memref<!tpu.dma_semaphore, #tpu.memory_space<semaphore_mem>>) src(%dma_wait3A_927 : memref<2x128x32xf32, #tpu.memory_space<vmem>>) dst(%dma_wait3A_922 : memref<2x128x32xf32, #tpu.memory_space<hbm>>)
    %dma_wait3A_928 = arith.constant 3 : i32
    %dma_wait3A_929 = arith.constant 0 : i32
    %dma_wait3A_930 = arith.constant 0 : i32
    %dma_wait3A_931 = arith.constant 0 : i32
    %dma_wait3A_932 = tpu.memref_slice %arg9[%dma_wait3A_928, %dma_wait3A_929, %dma_wait3A_930, %dma_wait3A_931] : memref<4x2x128x64xf32, #tpu.memory_space<vmem>> -> memref<1x2x128x64xf32, #tpu.memory_space<vmem>>
    %dma_wait3A_933 = tpu.memref_squeeze %dma_wait3A_932 : memref<1x2x128x64xf32, #tpu.memory_space<vmem>> -> memref<2x128x64xf32, #tpu.memory_space<vmem>>
    %dma_wait3A_934 = arith.constant 0 : i32
    %dma_wait3A_935 = arith.constant 0 : i32
    %dma_wait3A_936 = arith.constant 0 : i32
    %dma_wait3A_937 = tpu.memref_slice %arg6[%dma_wait3A_934, %dma_wait3A_935, %dma_wait3A_936] : memref<6400x128x96xf32, #tpu.memory_space<hbm>> -> memref<2x128x64xf32, #tpu.memory_space<hbm>>
    %dma_wait3A_938 = arith.constant 0 : i32
    %dma_wait3A_939 = arith.constant 0 : i32
    %dma_wait3A_940 = arith.constant 0 : i32
    %dma_wait3A_941 = tpu.memref_slice %arg6[%dma_wait3A_938, %dma_wait3A_939, %dma_wait3A_940] : memref<6400x128x96xf32, #tpu.memory_space<hbm>> -> memref<2x128x64xf32, #tpu.memory_space<hbm>>
    %dma_wait3A_942 = arith.constant 0 : i32
    %dma_wait3A_943 = arith.constant 0 : i32
    %dma_wait3A_944 = arith.constant 0 : i32
    %dma_wait3A_945 = tpu.memref_slice %arg9[%dma_wait3A_928, %dma_wait3A_942, %dma_wait3A_943, %dma_wait3A_944] : memref<4x2x128x64xf32, #tpu.memory_space<vmem>> -> memref<1x2x128x64xf32, #tpu.memory_space<vmem>>
    %dma_wait3A_946 = tpu.memref_squeeze %dma_wait3A_945 : memref<1x2x128x64xf32, #tpu.memory_space<vmem>> -> memref<2x128x64xf32, #tpu.memory_space<vmem>>
    tpu.wait_dma2 semaphore(%arg22 : memref<!tpu.dma_semaphore, #tpu.memory_space<semaphore_mem>>) src(%dma_wait3A_946 : memref<2x128x64xf32, #tpu.memory_space<vmem>>) dst(%dma_wait3A_941 : memref<2x128x64xf32, #tpu.memory_space<hbm>>)
    %dma_wait3A_947 = arith.constant 3 : i32
    %dma_wait3A_948 = arith.constant 0 : i32
    %dma_wait3A_949 = arith.constant 0 : i32
    %dma_wait3A_950 = arith.constant 0 : i32
    %dma_wait3A_951 = tpu.memref_slice %arg10[%dma_wait3A_947, %dma_wait3A_948, %dma_wait3A_949, %dma_wait3A_950] : memref<4x2x128x32xf32, #tpu.memory_space<vmem>> -> memref<1x2x128x32xf32, #tpu.memory_space<vmem>>
    %dma_wait3A_952 = tpu.memref_squeeze %dma_wait3A_951 : memref<1x2x128x32xf32, #tpu.memory_space<vmem>> -> memref<2x128x32xf32, #tpu.memory_space<vmem>>
    %dma_wait3A_953 = arith.constant 0 : i32
    %dma_wait3A_954 = arith.constant 0 : i32
    %dma_wait3A_955 = arith.constant 64 : i32
    %dma_wait3A_956 = tpu.memref_slice %arg6[%dma_wait3A_953, %dma_wait3A_954, %dma_wait3A_955] : memref<6400x128x96xf32, #tpu.memory_space<hbm>> -> memref<2x128x32xf32, #tpu.memory_space<hbm>>
    %dma_wait3A_957 = arith.constant 0 : i32
    %dma_wait3A_958 = arith.constant 0 : i32
    %dma_wait3A_959 = arith.constant 64 : i32
    %dma_wait3A_960 = tpu.memref_slice %arg6[%dma_wait3A_957, %dma_wait3A_958, %dma_wait3A_959] : memref<6400x128x96xf32, #tpu.memory_space<hbm>> -> memref<2x128x32xf32, #tpu.memory_space<hbm>>
    %dma_wait3A_961 = arith.constant 0 : i32
    %dma_wait3A_962 = arith.constant 0 : i32
    %dma_wait3A_963 = arith.constant 0 : i32
    %dma_wait3A_964 = tpu.memref_slice %arg10[%dma_wait3A_947, %dma_wait3A_961, %dma_wait3A_962, %dma_wait3A_963] : memref<4x2x128x32xf32, #tpu.memory_space<vmem>> -> memref<1x2x128x32xf32, #tpu.memory_space<vmem>>
    %dma_wait3A_965 = tpu.memref_squeeze %dma_wait3A_964 : memref<1x2x128x32xf32, #tpu.memory_space<vmem>> -> memref<2x128x32xf32, #tpu.memory_space<vmem>>
    tpu.wait_dma2 semaphore(%arg22 : memref<!tpu.dma_semaphore, #tpu.memory_space<semaphore_mem>>) src(%dma_wait3A_965 : memref<2x128x32xf32, #tpu.memory_space<vmem>>) dst(%dma_wait3A_960 : memref<2x128x32xf32, #tpu.memory_space<hbm>>)
    %dma_wait3A_966 = arith.constant 0 : i32
    %dma_wait3A_967 = arith.constant 0 : i32
    %dma_wait3A_968 = arith.constant 0 : i32
    %dma_wait3A_969 = tpu.memref_slice %arg7[%dma_wait3A_966, %dma_wait3A_967, %dma_wait3A_968] : memref<4x2x128xi32, #tpu.memory_space<vmem>> -> memref<1x2x128xi32, #tpu.memory_space<vmem>>
    %dma_wait3A_970 = tpu.memref_squeeze %dma_wait3A_969 : memref<1x2x128xi32, #tpu.memory_space<vmem>> -> memref<2x128xi32, #tpu.memory_space<vmem>>
    %dma_wait3A_971 = arith.constant 0 : i32
    %dma_wait3A_972 = arith.constant 0 : i32
    %dma_wait3A_973 = tpu.memref_slice %arg2[%dma_wait3A_971, %dma_wait3A_972] : memref<6400x128xi32, #tpu.memory_space<hbm>> -> memref<2x128xi32, #tpu.memory_space<hbm>>
    %dma_wait3A_974 = arith.constant 0 : i32
    %dma_wait3A_975 = arith.constant 0 : i32
    %dma_wait3A_976 = tpu.memref_slice %arg7[%dma_wait3A_966, %dma_wait3A_974, %dma_wait3A_975] : memref<4x2x128xi32, #tpu.memory_space<vmem>> -> memref<1x2x128xi32, #tpu.memory_space<vmem>>
    %dma_wait3A_977 = tpu.memref_squeeze %dma_wait3A_976 : memref<1x2x128xi32, #tpu.memory_space<vmem>> -> memref<2x128xi32, #tpu.memory_space<vmem>>
    %dma_wait3A_978 = arith.constant 0 : i32
    %dma_wait3A_979 = arith.constant 0 : i32
    %dma_wait3A_980 = tpu.memref_slice %arg2[%dma_wait3A_978, %dma_wait3A_979] : memref<6400x128xi32, #tpu.memory_space<hbm>> -> memref<2x128xi32, #tpu.memory_space<hbm>>
    tpu.wait_dma2 semaphore(%arg11 : memref<!tpu.dma_semaphore, #tpu.memory_space<semaphore_mem>>) src(%dma_wait3A_980 : memref<2x128xi32, #tpu.memory_space<hbm>>) dst(%dma_wait3A_977 : memref<2x128xi32, #tpu.memory_space<vmem>>)
    %dma_wait3A_981 = arith.constant 0 : i32
    %dma_wait3A_982 = arith.constant 0 : i32
    %dma_wait3A_983 = arith.constant 0 : i32
    %dma_wait3A_984 = tpu.memref_slice %arg8[%dma_wait3A_981, %dma_wait3A_982, %dma_wait3A_983] : memref<4x2x128xi32, #tpu.memory_space<vmem>> -> memref<1x2x128xi32, #tpu.memory_space<vmem>>
    %dma_wait3A_985 = tpu.memref_squeeze %dma_wait3A_984 : memref<1x2x128xi32, #tpu.memory_space<vmem>> -> memref<2x128xi32, #tpu.memory_space<vmem>>
    %dma_wait3A_986 = arith.constant 0 : i32
    %dma_wait3A_987 = arith.constant 0 : i32
    %dma_wait3A_988 = tpu.memref_slice %arg3[%dma_wait3A_986, %dma_wait3A_987] : memref<6400x128xi32, #tpu.memory_space<hbm>> -> memref<2x128xi32, #tpu.memory_space<hbm>>
    %dma_wait3A_989 = arith.constant 0 : i32
    %dma_wait3A_990 = arith.constant 0 : i32
    %dma_wait3A_991 = tpu.memref_slice %arg8[%dma_wait3A_981, %dma_wait3A_989, %dma_wait3A_990] : memref<4x2x128xi32, #tpu.memory_space<vmem>> -> memref<1x2x128xi32, #tpu.memory_space<vmem>>
    %dma_wait3A_992 = tpu.memref_squeeze %dma_wait3A_991 : memref<1x2x128xi32, #tpu.memory_space<vmem>> -> memref<2x128xi32, #tpu.memory_space<vmem>>
    %dma_wait3A_993 = arith.constant 0 : i32
    %dma_wait3A_994 = arith.constant 0 : i32
    %dma_wait3A_995 = tpu.memref_slice %arg3[%dma_wait3A_993, %dma_wait3A_994] : memref<6400x128xi32, #tpu.memory_space<hbm>> -> memref<2x128xi32, #tpu.memory_space<hbm>>
    tpu.wait_dma2 semaphore(%arg11 : memref<!tpu.dma_semaphore, #tpu.memory_space<semaphore_mem>>) src(%dma_wait3A_995 : memref<2x128xi32, #tpu.memory_space<hbm>>) dst(%dma_wait3A_992 : memref<2x128xi32, #tpu.memory_space<vmem>>)
    %dma_wait3A_996 = arith.constant 1 : i32
    %dma_wait3A_997 = arith.constant 0 : i32
    %dma_wait3A_998 = arith.constant 0 : i32
    %dma_wait3A_999 = tpu.memref_slice %arg7[%dma_wait3A_996, %dma_wait3A_997, %dma_wait3A_998] : memref<4x2x128xi32, #tpu.memory_space<vmem>> -> memref<1x2x128xi32, #tpu.memory_space<vmem>>
    %dma_wait3A_1000 = tpu.memref_squeeze %dma_wait3A_999 : memref<1x2x128xi32, #tpu.memory_space<vmem>> -> memref<2x128xi32, #tpu.memory_space<vmem>>
    %dma_wait3A_1001 = arith.constant 0 : i32
    %dma_wait3A_1002 = arith.constant 0 : i32
    %dma_wait3A_1003 = tpu.memref_slice %arg2[%dma_wait3A_1001, %dma_wait3A_1002] : memref<6400x128xi32, #tpu.memory_space<hbm>> -> memref<2x128xi32, #tpu.memory_space<hbm>>
    %dma_wait3A_1004 = arith.constant 0 : i32
    %dma_wait3A_1005 = arith.constant 0 : i32
    %dma_wait3A_1006 = tpu.memref_slice %arg7[%dma_wait3A_996, %dma_wait3A_1004, %dma_wait3A_1005] : memref<4x2x128xi32, #tpu.memory_space<vmem>> -> memref<1x2x128xi32, #tpu.memory_space<vmem>>
    %dma_wait3A_1007 = tpu.memref_squeeze %dma_wait3A_1006 : memref<1x2x128xi32, #tpu.memory_space<vmem>> -> memref<2x128xi32, #tpu.memory_space<vmem>>
    %dma_wait3A_1008 = arith.constant 0 : i32
    %dma_wait3A_1009 = arith.constant 0 : i32
    %dma_wait3A_1010 = tpu.memref_slice %arg2[%dma_wait3A_1008, %dma_wait3A_1009] : memref<6400x128xi32, #tpu.memory_space<hbm>> -> memref<2x128xi32, #tpu.memory_space<hbm>>
    tpu.wait_dma2 semaphore(%arg12 : memref<!tpu.dma_semaphore, #tpu.memory_space<semaphore_mem>>) src(%dma_wait3A_1010 : memref<2x128xi32, #tpu.memory_space<hbm>>) dst(%dma_wait3A_1007 : memref<2x128xi32, #tpu.memory_space<vmem>>)
    %dma_wait3A_1011 = arith.constant 1 : i32
    %dma_wait3A_1012 = arith.constant 0 : i32
    %dma_wait3A_1013 = arith.constant 0 : i32
    %dma_wait3A_1014 = tpu.memref_slice %arg8[%dma_wait3A_1011, %dma_wait3A_1012, %dma_wait3A_1013] : memref<4x2x128xi32, #tpu.memory_space<vmem>> -> memref<1x2x128xi32, #tpu.memory_space<vmem>>
    %dma_wait3A_1015 = tpu.memref_squeeze %dma_wait3A_1014 : memref<1x2x128xi32, #tpu.memory_space<vmem>> -> memref<2x128xi32, #tpu.memory_space<vmem>>
    %dma_wait3A_1016 = arith.constant 0 : i32
    %dma_wait3A_1017 = arith.constant 0 : i32
    %dma_wait3A_1018 = tpu.memref_slice %arg3[%dma_wait3A_1016, %dma_wait3A_1017] : memref<6400x128xi32, #tpu.memory_space<hbm>> -> memref<2x128xi32, #tpu.memory_space<hbm>>
    %dma_wait3A_1019 = arith.constant 0 : i32
    %dma_wait3A_1020 = arith.constant 0 : i32
    %dma_wait3A_1021 = tpu.memref_slice %arg8[%dma_wait3A_1011, %dma_wait3A_1019, %dma_wait3A_1020] : memref<4x2x128xi32, #tpu.memory_space<vmem>> -> memref<1x2x128xi32, #tpu.memory_space<vmem>>
    %dma_wait3A_1022 = tpu.memref_squeeze %dma_wait3A_1021 : memref<1x2x128xi32, #tpu.memory_space<vmem>> -> memref<2x128xi32, #tpu.memory_space<vmem>>
    %dma_wait3A_1023 = arith.constant 0 : i32
    %dma_wait3A_1024 = arith.constant 0 : i32
    %dma_wait3A_1025 = tpu.memref_slice %arg3[%dma_wait3A_1023, %dma_wait3A_1024] : memref<6400x128xi32, #tpu.memory_space<hbm>> -> memref<2x128xi32, #tpu.memory_space<hbm>>
    tpu.wait_dma2 semaphore(%arg12 : memref<!tpu.dma_semaphore, #tpu.memory_space<semaphore_mem>>) src(%dma_wait3A_1025 : memref<2x128xi32, #tpu.memory_space<hbm>>) dst(%dma_wait3A_1022 : memref<2x128xi32, #tpu.memory_space<vmem>>)
    return
  }
}

</mosaic_0001>

<sc_bundles>
// kernel: _embed.3.cloned.1.call-start
scs
__scs_entry_jumppad:
0x0: {  	(pc) =	sbr.rel $0x88, $3  }
0x1: {  	(tag) =	ssettag $0x0;
	lr =	simm.s32 $0x1  }
0x2: {  	[smem:$0x3F9D] =	sst lr;
	_ =	strace $0xD0000000  }
0x3: {  	_ = 	snop  }
0x4: {  	_ = 	snop  }
0x5: {  	_ = 	snop  }
0x6: {  	_ = 	snop  }
0x7: {  	_ = 	snop  }
__scs_overlays_trampoline_lowered:
0x8: {  	[smem:$0x3FAC] =	sst s0  }
0x9: {  	[smem:$0x3FAD] =	sst s1  }
0xa: {  	[smem:$0x3FAE] =	sst s2  }
0xb: {  	[smem:$0x3FAF] =	sst s3  }
0xc: {  	[smem:$0x3FB0] =	sst s4  }
0xd: {  	[smem:$0x3FB1] =	sst s5  }
0xe: {  	[smem:$0x3FB2] =	sst s6  }
0xf: {  	[smem:$0x3FB3] =	sst s7  }
0x10: {  	[smem:$0x3FB4] =	sst s8  }
0x11: {  	[smem:$0x3FB5] =	sst s9;
	s0 =	simm.s32 @!p0 $0x0  }
0x12: {  	s1 =	sld [smem:$0x3F9B];
	s0 =	simm.s32 @p0 $0x1  }
0x13: {  	[smem:$0x3FB6] =	sst s0;
	s0 =	simm.s32 @!p1 $0x0  }
0x14: {  	s2 =	sld [smem:$0x3F9A];
	s0 =	simm.s32 @p1 $0x1  }
0x15: {  	[smem:$0x3FB7] =	sst s0;
	s0 =	simm.s32 @!p2 $0x0  }
0x16: {  	s3 =	sld [smem:$0x3FDB];
	s0 =	simm.s32 @p2 $0x1  }
0x17: {  	s4 =	simm.s32 $0x1BF5;
	[smem:$0x3FB9] =	sst s0  }
0x18: {  	s0 =	sld [smem:$0x3F9C];
	_ =	swait.ge [sflag:s4], $0x0  }
0x19: {  	s7 =	sld [smem:$0x3F9D]  }
0x1a: {  	s8 =	sadd.s32 $0xFFFFE003, lr  }
0x1b: {  	s9 =	sadd.s32 $0xFFFFFEF7, lr;
	s5 =	simm.s32 $0xFFFFFFFF;
	p2 =	slt.u32 s8, $0xFFFFF086  }
0x1c: {  	p1 =	slt.u32 s9, $0xF7A;
	s5 =	simm.s32 @!p2 $0x0  }
0x1d: {  	s5 =	simm.s32 @p1 $0x1;
	p0 =	seq.s32 s7, s2  }
0x1e: {  	s7 =	smul.u32 @!p0 $0xF7A, s2;
	p2 =	seq.s32 @!p0 s5, $0x0  }
0x1f: {  	s9 =	smul.u32 $0xF7A, s1;
	s8 =	simm.s32 @!p0 $0x1BF5;
	p2 =	por !p2, p0  }
0x20: {  	[sflag:s8] =	ssyncset.s32 @!p0 $0xFFFFF086;
	s6 =	sadd.s32 @!p0 s3, s7;
	s7 =	simm.s32 @!p0 $0x108  }
0x21: {  	s3 =	sadd.s32 s3, s9;
	s6 =	sadd.s32 @!p0 $0x88, s6;
	s7 =	simm.s32 @p2 $0x1082  }
0x22: {  	[simem:s7], [sflag:s8] =	dma.local @!p0 [hbm:s6], $0xF7A  }
0x23: {  	s9 =	sor.u32 $0xD0000000, s2;
	s6 =	simm.s32 $0x108;
	_ =	swait.ge @!p0 [sflag:s8], $0x0  }
0x24: {  	s3 =	sadd.s32 $0x88, s3;
	s6 =	simm.s32 @!p1 $0x1082;
	[sflag:s4] =	ssyncset.s32 $0xFFFFF086  }
0x25: {  	[simem:s6], [sflag:s4] =	dma.local [hbm:s3], $0xF7A  }
0x26: {  	[smem:$0x3F9D] =	sst s1;
	(tag) =	ssettag s2;
	_ =	strace s9  }
0x27: {  	s1 =	sld [smem:$0x3FAD]  }
0x28: {  	s2 =	sld [smem:$0x3FAE]  }
0x29: {  	s4 =	sld [smem:$0x3FB0]  }
0x2a: {  	p0 =	seq.s32 s5, $0x0;
	s5 =	sld [smem:$0x3FB1]  }
0x2b: {  	s6 =	sld [smem:$0x3FB2]  }
0x2c: {  	s7 =	sld [smem:$0x3FB3]  }
0x2d: {  	s3 =	simm.s32 $0x108;
	s8 =	sld [smem:$0x3FB4]  }
0x2e: {  	s3 =	simm.s32 @!p0 $0x1082;
	s9 =	sld [smem:$0x3FB5]  }
0x2f: {  	lr =	sadd.s32 s0, s3;
	s0 =	sld [smem:$0x3FAC]  }
0x30: {  	s3 =	sld [smem:$0x3FAF]  }
0x31: {  	[smem:$0x3FB8] =	sst s10  }
0x32: {  	s10 =	sld [smem:$0x3FB6];
	_ =	sdelay $0x3  }
0x33: {  	p0 =	seq.s32 s10, $0x1;
	s10 =	sld [smem:$0x3FB8];
	_ =	sdelay $0x3  }
0x34: {  	[smem:$0x3FB8] =	sst s10  }
0x35: {  	s10 =	sld [smem:$0x3FB7];
	_ =	sdelay $0x3  }
0x36: {  	p1 =	seq.s32 s10, $0x1;
	s10 =	sld [smem:$0x3FB8];
	_ =	sdelay $0x3  }
0x37: {  	[smem:$0x3FB8] =	sst s10  }
0x38: {  	s10 =	sld [smem:$0x3FB9]  }
0x39: {  	_ = 	snop;
	(pc) =	sbr.ind lr, $3  }
0x3a: {  	_ = 	snop  }
0x3b: {  	_ = 	snop  }
0x3c: {  	p2 =	seq.s32 s10, $0x1;
	s10 =	sld [smem:$0x3FB8]  }
0x3d: {  	_ =	shalt  }
0x3e: {  	_ =	shalt  }
0x3f: {  	_ =	shalt  }
0x40: {  	_ =	shalt  }
0x41: {  	_ =	shalt  }
0x42: {  	_ =	shalt  }
0x43: {  	_ =	shalt  }
0x44: {  	_ =	shalt  }
0x45: {  	_ =	shalt  }
0x46: {  	_ =	shalt  }
0x47: {  	_ =	shalt  }
0x48: {  	_ =	shalt  }
0x49: {  	_ =	shalt  }
0x4a: {  	_ =	shalt  }
0x4b: {  	_ =	shalt  }
0x4c: {  	_ =	shalt  }
0x4d: {  	_ =	shalt  }
0x4e: {  	_ =	shalt  }
0x4f: {  	_ =	shalt  }
0x50: {  	_ =	shalt  }
0x51: {  	_ =	shalt  }
0x52: {  	_ =	shalt  }
0x53: {  	_ =	shalt  }
0x54: {  	_ =	shalt  }
0x55: {  	_ =	shalt  }
0x56: {  	_ =	shalt  }
0x57: {  	_ =	shalt  }
0x58: {  	_ =	shalt  }
0x59: {  	_ =	shalt  }
0x5a: {  	_ =	shalt  }
0x5b: {  	_ =	shalt  }
0x5c: {  	_ =	shalt  }
0x5d: {  	_ =	shalt  }
0x5e: {  	_ =	shalt  }
0x5f: {  	_ =	shalt  }
0x60: {  	_ =	shalt  }
0x61: {  	_ =	shalt  }
0x62: {  	_ =	shalt  }
0x63: {  	_ =	shalt  }
0x64: {  	_ =	shalt  }
0x65: {  	_ =	shalt  }
0x66: {  	_ =	shalt  }
0x67: {  	_ =	shalt  }
0x68: {  	_ =	shalt  }
0x69: {  	_ =	shalt  }
0x6a: {  	_ =	shalt  }
0x6b: {  	_ =	shalt  }
0x6c: {  	_ =	shalt  }
0x6d: {  	_ =	shalt  }
0x6e: {  	_ =	shalt  }
0x6f: {  	_ =	shalt  }
0x70: {  	_ =	shalt  }
0x71: {  	_ =	shalt  }
0x72: {  	_ =	shalt  }
0x73: {  	_ =	shalt  }
0x74: {  	_ =	shalt  }
0x75: {  	_ =	shalt  }
0x76: {  	_ =	shalt  }
0x77: {  	_ =	shalt  }
0x78: {  	_ =	shalt  }
0x79: {  	_ =	shalt  }
0x7a: {  	_ =	shalt  }
0x7b: {  	_ =	shalt  }
0x7c: {  	_ =	shalt  }
0x7d: {  	_ =	shalt  }
0x7e: {  	_ =	shalt  }
0x7f: {  	_ =	shalt  }
0x80: {  	_ =	shalt  }
0x81: {  	_ =	shalt  }
0x82: {  	_ =	shalt  }
0x83: {  	_ =	shalt  }
0x84: {  	_ =	shalt  }
0x85: {  	_ =	shalt  }
0x86: {  	_ =	shalt  }
0x87: {  	_ =	shalt  }
.Lfunc_end0:
.L_simem_size_0:
called_computation.1_lowered:
.L_overlay_start_0:
0x88: {  	s2 =	sld [smem:$0x3FD9]  }
0x89: {  	s3 =	sld [smem:$0x3FFE];
	_ =	sdelay $0x1  }
0x8a: {  	s1 =	srdreg.scid  }
0x8b: {  	s0 =	sand.u32 $0x1, s1  }
0x8c: {  	s17 =	sshll.u32 s0, $0xA;
	s2 =	sadd.s32 s3, s2  }
0x8d: {  	s2 =	sadd.s32 s2, s17  }
0x8e: {  	[smem:$0x3FC4] =	sst s2  }
0x8f: {  	_ = 	snop  }
0x90: {  	s2 =	sld [smem:$0x3FC9]  }
0x91: {  	s18 =	sld [smem:$0x3FC8]  }
0x92: {  	s4 =	sld [smem:$0x3FD0];
	(tm) =	ssettm $0x1  }
0x93: {  	s5 =	sld [smem:$0x3FFB];
	_ =	sdelay $0x3  }
0x94: {  	_ =	strace s5  }
0x95: {  	s5 =	sld [smem:$0x3FFC];
	_ =	sdelay $0x3  }
0x96: {  	_ =	strace s5  }
0x97: {  	s5 =	sld [smem:$0x3FFD];
	_ =	sdelay $0x3  }
0x98: {  	_ =	strace s5  }
0x99: {  	_ =	strace $0x8FFFFFFF  }
0x9a: {  	s19 =	sld [smem:$0x3FDB];
	_ =	sdelay $0x1  }
0x9b: {  	s6 =	simm.s32 $_scs_section_size  }
0x9c: {  	s7 =	simm.s32 $_size__tile_overlayer_lowered;
	s8 =	simm.s32 $_tile_overlayer_lowered  }
0x9d: {  	s22 =	simm.s32 $0x1BFF;
	s21 =	sshll.u32 s8, $0x1;
	s5 =	sadd.s32 s6, s19  }
0x9e: {  	s9 =	simm.s32 $0x0;
	s20 =	sshll.u32 s7, $0x1;
	s7 =	sadd.s32 s21, s5  }
0x9f: {  	[timem:s9], [sflag:s22] =	dma.local [hbm:s7], s20  }
0xa0: {  	_ =	swait.ge [sflag:s22], s20  }
0xa1: {  	s6 =	ssub.s32 $0x0, s20;
	[sflag:s22] =	ssyncset.done $0x0  }
0xa2: {  	[sflag:s22] =	ssyncadd.s32 s6;
	_ =	sdelay $0x1  }
0xa3: {  	s23 =	simm.s32 $0x1B8B  }
0xa4: {  	_ =	swait.ge [sflag:s23], $0x1  }
0xa5: {  	[sflag:s23] =	ssyncset.done $0x0  }
0xa6: {  	s25 =	simm.s32 $0x1B8E;
	s24 =	sld [smem:$0x3FFE];
	[sflag:s23] =	ssyncadd.s32 $0xFFFFFFFF  }
0xa7: {  	s26 =	simm.s32 $execute0_lowered;
	[smem:$0x3FD2] =	sst s25  }
0xa8: {  	s7 =	sshll.u32 s26, $0x1;
	_ =	strace $0x80000046;
	[dreg:$0x1] =	wrdreg $0xFFFFFFFF  }
0xa9: {  	s28 =	simm.s32 $_size_execute0_lowered;
	s5 =	sadd.s32 s5, s7;
	[dreg:$0x0] =	wrdreg $0x0  }
0xaa: {  	s7 =	sshll.u32 s28, $0x1;
	[dreg:$0x2] =	wrdreg s5  }
0xab: {  	[dreg:$0x3] =	wrdreg s7  }
0xac: {  	[dreg:$0x4] =	wrdreg $0xC0  }
0xad: {  	_ =	task [dreg:s9], $0x5FFFF  }
0xae: {  	[dreg:$0x1] =	wrdreg $0xFFFFFFFF  }
0xaf: {  	[dreg:$0x0] =	wrdreg $0x60  }
0xb0: {  	[dreg:$0x2] =	wrdreg s2  }
0xb1: {  	[dreg:$0x3] =	wrdreg s18  }
0xb2: {  	[dreg:$0x4] =	wrdreg s24  }
0xb3: {  	[dreg:$0x5] =	wrdreg s4  }
0xb4: {  	[dreg:$0x6] =	wrdreg $0x9  }
0xb5: {  	_ =	task.clear_ibuf [dreg:s9], $0x7FFFF;
	_ =	strace $0x90000046  }
0xb6: {  	s29 =	simm.s32 $0x9;
	_ =	strace $0x80000048  }
0xb7: {  	_ =	swait.ge [sflag:s29], $0x1  }
0xb8: {  	[sflag:s29] =	ssyncadd.s32 $0xFFFFFFFF  }
0xb9: {  	_ =	strace $0x90000048  }
0xba: {  	_ =	sfence  }
0xbb: {  	s30 =	sld [smem:$0x0];
	_ =	sdelay $0x2  }
0xbc: {  	s31 =	sshll.u32 s1, $0xD;
	s1 =	sshrl.u32 s1, $0x2  }
0xbd: {  	s3 =	sand.u32 $0x4000, s31;
	s1 =	sadd.s32 s1, s30  }
0xbe: {  	s0 =	sor.u32 s3, s0;
	s1 =	sshll.u32 s1, $0x11  }
0xbf: {  	s0 =	sor.u32 s1, s0  }
0xc0: {  	s0 =	sadd.s32 $0x8F2B, s0  }
0xc1: {  	[sflag:s0] =	ssyncadd.remote.s32 $0x1  }
0xc2: {  	_ =	sfence.sel $0xFFFF  }
0xc3: {  	[dreg:$0x0] =	wrdreg $0xFFFFFFFF;
	(pc) =	sbr.abs _section_cstart, $3  }
0xc4: {  	[dreg:$0x1] =	wrdreg $0xFFFFFFFF  }
0xc5: {  	_ =	task.clear_ibuf [dreg:s9], $0x2FFFF;
	_ =	strace $0x9FFFFFFF  }
0xc6: {  	(tm) =	ssettm $0x7FFFFFFF  }
0xc7: {  	_ =	shalt  }
tec
execute0_lowered:
.L_overlay_start_1:
0x0: {  	(tag) =	ssettag $0x1  }
0x1: {  	s12 =	rddreg [dreg:$0x0]  }
0x2: {  	s13 =	rddreg [dreg:$0x1]  }
0x3: {  	s0 =	rddreg [dreg:$0x2]  }
0x4: {  	s1 =	rddreg [dreg:$0x3]  }
0x5: {  	s2 =	srdreg.scid;
	s14 =	stileid.u32;
	s4 =	simm.s32 $0x0  }
0x6: {  	s28 =	simm.s32 $0x600;
	s2 =	sand.u32 $0x1, s2;
	s26 =	smul.u32 $0xC800, s14  }
0x7: {  	s3 =	sshll.u32 s14, $0x1;
	[smem:$0x7FF] =	sst s4;
	s4 =	smul.u32 $0x6400, s2  }
0x8: {  	s3 =	sor.u32 s2, s3;
	s8 =	ssub.s32 $0x2, s2;
	s2 =	smul.u32 $0x4B000, s2  }
0x9: {  	s31 =	simm.s32 $0x15800;
	s5 =	sadd.s32 $0xF43000, s0;
	s7 =	smul.u32 $0xC8, s3  }
0xa: {  	s6 =	sadd.s32 $0xA00, s0;
	s24 =	sadd.s32 $0x8, s1;
	s9 =	smul.u32 $0xC80, s3  }
0xb: {  	_ =	strace $0x80000047;
	s15 =	sshrl.u32 s8, $0x1;
	s20 =	smul.u32 $0x258000, s3  }
0xc: {  	s3 =	smul.u32 $0x6400, s3;
	s0 =	ssub.s32 s8, s15;
	s16 =	sadd.s32 s12, s9  }
0xd: {  	s7 =	sor.u32 $0x2, s7;
	s10 =	sadd.s32 s13, s9;
	[dreg:$0x8] =	wrdreg s16  }
0xe: {  	s19 =	sor.u32 $0x40, s9;
	s25 =	sadd.s32 $0x800, s3;
	[dreg:$0x9] =	wrdreg s10  }
0xf: {  	s9 =	sor.u32 $0x60, s9;
	s29 =	sadd.s32 $0x900, s3;
	[dreg:$0x5] =	wrdreg s25  }
0x10: {  	s23 =	sshrl.u32 s20, $0x3;
	s0 =	smax.u32 s0, $0x1;
	[dreg:$0x6] =	wrdreg s29  }
0x11: {  	s3 =	sshrl.u32 s3, $0x3;
	s11 =	sadd.s32 s12, s19;
	[dreg:$0x18] =	wrdreg s0  }
0x12: {  	s17 =	sshll.u32 s7, $0x4;
	s21 =	sadd.s32 s12, s9;
	[dreg:$0xc] =	wrdreg s11  }
0x13: {  	s22 =	sadd.s32 s13, s9;
	s7 =	smul.u32 $0x600, s7;
	[dreg:$0xe] =	wrdreg s21  }
0x14: {  	s15 =	sadd.s32 s1, s23;
	s16 =	smul.u32 $0x96000, s14;
	[dreg:$0xf] =	wrdreg s22  }
0x15: {  	s10 =	sadd.s32 s4, s26;
	s18 =	sadd.s32 s12, s17;
	[dreg:$0x10] =	wrdreg s15  }
0x16: {  	s0 =	simm.s32 $0x0;
	s8 =	sadd.s32 s13, s17;
	[dreg:$0xa] =	wrdreg s18  }
0x17: {  	s17 =	sadd.s32 $0x80, s3;
	s25 =	sadd.s32 $0x49808, s15;
	[dreg:$0xb] =	wrdreg s8  }
0x18: {  	s3 =	sadd.s32 $0xA0, s3;
	s26 =	sadd.s32 $0x4A400, s15;
	[dreg:$0x1a] =	wrdreg s25  }
0x19: {  	s22 =	sadd.s32 $0x700, s10;
	s29 =	sadd.s32 $0x4A408, s15;
	[dreg:$0x1b] =	wrdreg s26  }
0x1a: {  	s11 =	simm.s32 $0x400;
	s8 =	sadd.s32 s13, s19;
	[dreg:$0x1c] =	wrdreg s29  }
0x1b: {  	s9 =	sadd.s32 s7, s24;
	s7 =	sadd.s32 s1, s7;
	[dreg:$0xd] =	wrdreg s8  }
0x1c: {  	s1 =	sadd.s32 s16, s1;
	s18 =	sadd.s32 s12, s17;
	[dreg:$0x12] =	wrdreg s9  }
0x1d: {  	s19 =	sadd.s32 s13, s17;
	s20 =	sadd.s32 s12, s3;
	[dreg:$0x13] =	wrdreg s7  }
0x1e: {  	s21 =	sadd.s32 s13, s3;
	s30 =	sshrl.u32 s22, $0x3;
	[dreg:$0x14] =	wrdreg s18  }
0x1f: {  	s16 =	simm.s32 $0x2800;
	s25 =	simm.s32 $0x200;
	[dreg:$0x15] =	wrdreg s19  }
0x20: {  	s26 =	simm.s32 $0x180;
	s12 =	simm.s32 $0x700;
	[dreg:$0x16] =	wrdreg s20  }
0x21: {  	s8 =	sadd.s32 s23, s24;
	s1 =	sadd.s32 s2, s1;
	[dreg:$0x17] =	wrdreg s21  }
0x22: {  	s23 =	sadd.s32 $0x600, s10;
	s24 =	sadd.s32 $0x49800, s15;
	s20 =	simm.s32 $0x800  }
0x23: {  	s18 =	simm.s32 $0x480;
	s19 =	simm.s32 $0x11800;
	[dreg:$0x11] =	wrdreg s8  }
0x24: {  	s2 =	simm.s32 $0x280;
	[dreg:$0x7] =	wrdreg s1;
	s22 =	sshrl.u32 s23, $0x3  }
0x25: {  	[dreg:$0x19] =	wrdreg s24;
	s8 =	simm.s32 $0x80;
	s24 =	simm.s32 $0x10800  }
.LBB2_1:
0x26: {  	[dreg:$0x1d] =	wrdreg s0  }
0x27: {  	s13 =	rddreg [dreg:$0x8];
	s4 =	simm.s32 $0x0  }
0x28: {  	[tilespmem:s4], [sflag:$0x1] =	stream.linear.gather [hbm4b:s13+s4], $0x100, $0x38;
	[tilespmem:$0x18800] =	vst v63  }
0x29: {  	s3 =	rddreg [dreg:$0x9]  }
0x2a: {  	[tilespmem:s11], [sflag:$0x1] =	stream.linear.gather [hbm4b:s3+s4], $0x100, $0x38;
	[tilespmem:$0x18800] =	vst v63  }
0x2b: {  	s7 =	rddreg [dreg:$0xa];
	s17 =	simm.s32 $0x100  }
0x2c: {  	[tilespmem:s17], [sflag:$0x2] =	stream.linear.gather [hbm4b:s7+s4], $0x100, $0x38;
	[tilespmem:$0x18800] =	vst v63  }
0x2d: {  	s9 =	rddreg [dreg:$0xb];
	s14 =	simm.s32 $0x1;
	s7 =	simm.s32 $0x500  }
0x2e: {  	[tilespmem:s7], [sflag:$0x2] =	stream.linear.gather [hbm4b:s9+s4], $0x100, $0x38;
	[tilespmem:$0x18800] =	vst v63  }
0x2f: {  	_ =	swait.ge [sflag:s14], $0x100  }
0x30: {  	[sflag:s14] =	ssyncset.done $0x0  }
0x31: {  	[sflag:s14] =	ssyncadd.s32 $0xFFFFFF00  }
0x32: {  	_ =	swait.ge [sflag:s14], $0x100  }
0x33: {  	[sflag:s14] =	ssyncset.done $0x0  }
0x34: {  	[sflag:s14] =	ssyncadd.s32 $0xFFFFFF00  }
0x35: {  	[tilespmem:s20], [sflag:$0x5] =	stream.indirect.gather [hbm4b:s5+s8], $0x40, s4, s8, $0xb8;
	[tilespmem:$0x18800] =	vst v63  }
0x36: {  	_ = 	snop  }
0x37: {  	[tilespmem:s24], [sflag:$0x5] =	stream.indirect.gather [hbm4b:s6+s8], $0x20, s11, s8, $0xb8;
	[tilespmem:$0x18800] =	vst v63  }
0x38: {  	_ = 	snop  }
0x39: {  	[tilespmem:s16], [sflag:$0x5] =	stream.indirect.gather [hbm4b:s5+s8], $0x40, s8, s8, $0xb8;
	[tilespmem:$0x18800] =	vst v63  }
0x3a: {  	_ = 	snop  }
0x3b: {  	[tilespmem:s19], [sflag:$0x5] =	stream.indirect.gather [hbm4b:s6+s8], $0x20, s18, s8, $0xb8;
	[tilespmem:$0x18800] =	vst v63  }
0x3c: {  	s10 =	rddreg [dreg:$0xc]  }
0x3d: {  	[tilespmem:s25], [sflag:$0x3] =	stream.linear.gather [hbm4b:s10+s4], $0x100, $0x38;
	[tilespmem:$0x18800] =	vst v63  }
0x3e: {  	s29 =	simm.s32 $0x2;
	s15 =	rddreg [dreg:$0xd]  }
0x3f: {  	[tilespmem:s28], [sflag:$0x3] =	stream.linear.gather [hbm4b:s15+s4], $0x100, $0x38;
	[tilespmem:$0x18800] =	vst v63  }
0x40: {  	_ =	swait.ge [sflag:s29], $0x100  }
0x41: {  	[sflag:s29] =	ssyncset.done $0x0  }
0x42: {  	[sflag:s29] =	ssyncadd.s32 $0xFFFFFF00  }
0x43: {  	_ =	swait.ge [sflag:s29], $0x100  }
0x44: {  	[sflag:s29] =	ssyncset.done $0x0  }
0x45: {  	s21 =	simm.s32 $0x4800;
	[sflag:s29] =	ssyncadd.s32 $0xFFFFFF00  }
0x46: {  	[tilespmem:s21], [sflag:$0x6] =	stream.indirect.gather [hbm4b:s5+s8], $0x40, s17, s8, $0xb8;
	[tilespmem:$0x18800] =	vst v63  }
0x47: {  	s21 =	simm.s32 $0x12800  }
0x48: {  	[tilespmem:s21], [sflag:$0x6] =	stream.indirect.gather [hbm4b:s6+s8], $0x20, s7, s8, $0xb8;
	[tilespmem:$0x18800] =	vst v63  }
0x49: {  	s23 =	simm.s32 $0x6800  }
0x4a: {  	[tilespmem:s23], [sflag:$0x6] =	stream.indirect.gather [hbm4b:s5+s8], $0x40, s26, s8, $0xb8;
	[tilespmem:$0x18800] =	vst v63  }
0x4b: {  	s1 =	simm.s32 $0x13800;
	s26 =	simm.s32 $0x580  }
0x4c: {  	[tilespmem:s1], [sflag:$0x6] =	stream.indirect.gather [hbm4b:s6+s8], $0x20, s26, s8, $0xb8;
	[tilespmem:$0x18800] =	vst v63  }
0x4d: {  	s0 =	rddreg [dreg:$0xe];
	s1 =	simm.s32 $0x300  }
0x4e: {  	[tilespmem:s1], [sflag:$0x4] =	stream.linear.gather [hbm4b:s0+s4], $0x100, $0x38;
	[tilespmem:$0x18800] =	vst v63  }
0x4f: {  	s3 =	rddreg [dreg:$0xf]  }
0x50: {  	[tilespmem:s12], [sflag:$0x4] =	stream.linear.gather [hbm4b:s3+s4], $0x100, $0x38;
	[tilespmem:$0x18800] =	vst v63  }
0x51: {  	s3 =	simm.s32 $0x3  }
0x52: {  	_ =	swait.ge [sflag:s3], $0x100  }
0x53: {  	[sflag:s3] =	ssyncset.done $0x0  }
0x54: {  	[sflag:s3] =	ssyncadd.s32 $0xFFFFFF00  }
0x55: {  	_ =	swait.ge [sflag:s3], $0x100  }
0x56: {  	[sflag:s3] =	ssyncset.done $0x0  }
0x57: {  	s9 =	simm.s32 $0x8800;
	[sflag:s3] =	ssyncadd.s32 $0xFFFFFF00  }
0x58: {  	[tilespmem:s9], [sflag:$0x7] =	stream.indirect.gather [hbm4b:s5+s8], $0x40, s25, s8, $0xb8;
	[tilespmem:$0x18800] =	vst v63  }
0x59: {  	s10 =	simm.s32 $0x14800  }
0x5a: {  	[tilespmem:s10], [sflag:$0x7] =	stream.indirect.gather [hbm4b:s6+s8], $0x20, s28, s8, $0xb8;
	[tilespmem:$0x18800] =	vst v63  }
0x5b: {  	s13 =	simm.s32 $0xA800  }
0x5c: {  	[tilespmem:s13], [sflag:$0x7] =	stream.indirect.gather [hbm4b:s5+s8], $0x40, s2, s8, $0xb8;
	[tilespmem:$0x18800] =	vst v63  }
0x5d: {  	s23 =	simm.s32 $0x680;
	s0 =	simm.s32 $0x5  }
0x5e: {  	[tilespmem:s31], [sflag:$0x7] =	stream.indirect.gather [hbm4b:s6+s8], $0x20, s23, s8, $0xb8;
	[tilespmem:$0x18800] =	vst v63  }
0x5f: {  	_ =	swait.ge [sflag:s0], $0x4000  }
0x60: {  	[sflag:s0] =	ssyncset.done $0x0  }
0x61: {  	[sflag:s0] =	ssyncadd.s32 $0xFFFFC000  }
0x62: {  	_ =	swait.ge [sflag:s0], $0x2000  }
0x63: {  	s9 =	simm.s32 $0x40;
	[sflag:s0] =	ssyncset.done $0x0  }
0x64: {  	s23 =	simm.s32 $0x60;
	s31 =	rddreg [dreg:$0x10];
	[sflag:s0] =	ssyncadd.s32 $0xFFFFE000  }
0x65: {  	[hbm4b:s31+s9] =	stream.strided.scatter [tilespmem:s20], [sflag:$0x9], $0x4000, s23, s9, $0x38;
	[tilespmem:$0x18800] =	vst v63  }
0x66: {  	s10 =	simm.s32 $0x20;
	s1 =	rddreg [dreg:$0x11]  }
0x67: {  	[hbm4b:s1+s10] =	stream.strided.scatter [tilespmem:s24], [sflag:$0x9], $0x2000, s23, s10, $0x38;
	[tilespmem:$0x18800] =	vst v63  }
0x68: {  	s31 =	rddreg [dreg:$0x14]  }
0x69: {  	[tilespmem:s4], [sflag:$0x1] =	stream.linear.gather [hbm4b:s31+s4], $0x100, $0x38;
	[tilespmem:$0x18800] =	vst v63  }
0x6a: {  	s1 =	rddreg [dreg:$0x15]  }
0x6b: {  	[tilespmem:s11], [sflag:$0x1] =	stream.linear.gather [hbm4b:s1+s4], $0x100, $0x38;
	[tilespmem:$0x18800] =	vst v63  }
0x6c: {  	s1 =	simm.s32 $0x4  }
0x6d: {  	_ =	swait.ge [sflag:s1], $0x100  }
0x6e: {  	[sflag:s1] =	ssyncset.done $0x0  }
0x6f: {  	[sflag:s1] =	ssyncadd.s32 $0xFFFFFF00  }
0x70: {  	_ =	swait.ge [sflag:s1], $0x100  }
0x71: {  	[sflag:s1] =	ssyncset.done $0x0  }
0x72: {  	s26 =	simm.s32 $0x300;
	s31 =	simm.s32 $0xC800;
	[sflag:s1] =	ssyncadd.s32 $0xFFFFFF00  }
0x73: {  	[tilespmem:s31], [sflag:$0x8] =	stream.indirect.gather [hbm4b:s5+s8], $0x40, s26, s8, $0xb8;
	[tilespmem:$0x18800] =	vst v63  }
0x74: {  	s12 =	simm.s32 $0x700;
	s31 =	simm.s32 $0x16800  }
0x75: {  	[tilespmem:s31], [sflag:$0x8] =	stream.indirect.gather [hbm4b:s6+s8], $0x20, s12, s8, $0xb8;
	[tilespmem:$0x18800] =	vst v63  }
0x76: {  	s26 =	simm.s32 $0x380;
	s31 =	simm.s32 $0xE800  }
0x77: {  	[tilespmem:s31], [sflag:$0x8] =	stream.indirect.gather [hbm4b:s5+s8], $0x40, s26, s8, $0xb8;
	[tilespmem:$0x18800] =	vst v63  }
0x78: {  	s13 =	simm.s32 $0x780;
	s26 =	simm.s32 $0x17800;
	s31 =	simm.s32 $0x6  }
0x79: {  	[tilespmem:s26], [sflag:$0x8] =	stream.indirect.gather [hbm4b:s6+s8], $0x20, s13, s8, $0xb8;
	[tilespmem:$0x18800] =	vst v63  }
0x7a: {  	_ =	swait.ge [sflag:s31], $0x4000  }
0x7b: {  	[sflag:s31] =	ssyncset.done $0x0  }
0x7c: {  	[sflag:s31] =	ssyncadd.s32 $0xFFFFC000  }
0x7d: {  	_ =	swait.ge [sflag:s31], $0x2000  }
0x7e: {  	[sflag:s31] =	ssyncset.done $0x0  }
0x7f: {  	s15 =	simm.s32 $0x4800;
	s12 =	rddreg [dreg:$0x13];
	[sflag:s31] =	ssyncadd.s32 $0xFFFFE000  }
0x80: {  	[hbm4b:s12+s9] =	stream.strided.scatter [tilespmem:s15], [sflag:$0xA], $0x4000, s23, s9, $0x38;
	[tilespmem:$0x18800] =	vst v63  }
0x81: {  	s15 =	rddreg [dreg:$0x12]  }
0x82: {  	[hbm4b:s15+s10] =	stream.strided.scatter [tilespmem:s21], [sflag:$0xA], $0x2000, s23, s10, $0x38;
	[tilespmem:$0x18800] =	vst v63  }
0x83: {  	s26 =	rddreg [dreg:$0x16]  }
0x84: {  	[tilespmem:s17], [sflag:$0x2] =	stream.linear.gather [hbm4b:s26+s4], $0x100, $0x38;
	[tilespmem:$0x18800] =	vst v63  }
0x85: {  	s12 =	rddreg [dreg:$0x17];
	s15 =	simm.s32 $0x9  }
0x86: {  	[tilespmem:s7], [sflag:$0x2] =	stream.linear.gather [hbm4b:s12+s4], $0x100, $0x38;
	[tilespmem:$0x18800] =	vst v63  }
0x87: {  	_ =	swait.ge [sflag:s15], $0x4000  }
0x88: {  	[sflag:s15] =	ssyncset.done $0x0  }
0x89: {  	[sflag:s15] =	ssyncadd.s32 $0xFFFFC000  }
0x8a: {  	_ =	swait.ge [sflag:s15], $0x2000  }
0x8b: {  	[sflag:s15] =	ssyncset.done $0x0  }
0x8c: {  	[sflag:s15] =	ssyncadd.s32 $0xFFFFE000  }
0x8d: {  	_ =	swait.ge [sflag:s14], $0x100  }
0x8e: {  	[sflag:s14] =	ssyncset.done $0x0  }
0x8f: {  	[sflag:s14] =	ssyncadd.s32 $0xFFFFFF00  }
0x90: {  	_ =	swait.ge [sflag:s14], $0x100  }
0x91: {  	[sflag:s14] =	ssyncset.done $0x0  }
0x92: {  	[sflag:s14] =	ssyncadd.s32 $0xFFFFFF00  }
0x93: {  	[tilespmem:s20], [sflag:$0x5] =	stream.indirect.gather [hbm4b:s5+s8], $0x40, s4, s8, $0xb8;
	[tilespmem:$0x18800] =	vst v63  }
0x94: {  	_ = 	snop  }
0x95: {  	[tilespmem:s24], [sflag:$0x5] =	stream.indirect.gather [hbm4b:s6+s8], $0x20, s11, s8, $0xb8;
	[tilespmem:$0x18800] =	vst v63  }
0x96: {  	_ = 	snop  }
0x97: {  	[tilespmem:s16], [sflag:$0x5] =	stream.indirect.gather [hbm4b:s5+s8], $0x40, s8, s8, $0xb8;
	[tilespmem:$0x18800] =	vst v63  }
0x98: {  	_ = 	snop  }
0x99: {  	[tilespmem:s19], [sflag:$0x5] =	stream.indirect.gather [hbm4b:s6+s8], $0x20, s18, s8, $0xb8;
	[tilespmem:$0x18800] =	vst v63  }
0x9a: {  	s18 =	simm.s32 $0x7  }
0x9b: {  	_ =	swait.ge [sflag:s18], $0x4000  }
0x9c: {  	[sflag:s18] =	ssyncset.done $0x0  }
0x9d: {  	[sflag:s18] =	ssyncadd.s32 $0xFFFFC000  }
0x9e: {  	_ =	swait.ge [sflag:s18], $0x2000  }
0x9f: {  	s19 =	rddreg [dreg:$0x7]  }
0xa0: {  	[sflag:s18] =	ssyncset.done $0x0;
	s14 =	sadd.s32 $0x0, s19  }
0xa1: {  	[sflag:s18] =	ssyncadd.s32 $0xFFFFE000;
	s19 =	simm.s32 $0x8800;
	s26 =	sadd.s32 $0x1800, s14  }
0xa2: {  	[hbm4b:s26+s9] =	stream.strided.scatter [tilespmem:s19], [sflag:$0xB], $0x4000, s23, s9, $0x38;
	[tilespmem:$0x18800] =	vst v63  }
0xa3: {  	s15 =	simm.s32 $0x14800;
	s12 =	sadd.s32 $0x1808, s14;
	s26 =	rddreg [dreg:$0x0]  }
0xa4: {  	[hbm4b:s12+s10] =	stream.strided.scatter [tilespmem:s15], [sflag:$0xB], $0x2000, s23, s10, $0x38;
	[tilespmem:$0x18800] =	vst v63  }
0xa5: {  	s13 =	sadd.s32 s26, s22  }
0xa6: {  	[tilespmem:s25], [sflag:$0x3] =	stream.linear.gather [hbm4b:s13+s4], $0x100, $0x38;
	[tilespmem:$0x18800] =	vst v63  }
0xa7: {  	s13 =	rddreg [dreg:$0x1]  }
0xa8: {  	s16 =	simm.s32 $0xA;
	s12 =	sadd.s32 s13, s22  }
0xa9: {  	[tilespmem:s28], [sflag:$0x3] =	stream.linear.gather [hbm4b:s12+s4], $0x100, $0x38;
	[tilespmem:$0x18800] =	vst v63  }
0xaa: {  	_ =	swait.ge [sflag:s16], $0x4000  }
0xab: {  	[sflag:s16] =	ssyncset.done $0x0  }
0xac: {  	[sflag:s16] =	ssyncadd.s32 $0xFFFFC000  }
0xad: {  	_ =	swait.ge [sflag:s16], $0x2000  }
0xae: {  	[sflag:s16] =	ssyncset.done $0x0  }
0xaf: {  	[sflag:s16] =	ssyncadd.s32 $0xFFFFE000  }
0xb0: {  	_ =	swait.ge [sflag:s29], $0x100  }
0xb1: {  	[sflag:s29] =	ssyncset.done $0x0  }
0xb2: {  	[sflag:s29] =	ssyncadd.s32 $0xFFFFFF00  }
0xb3: {  	_ =	swait.ge [sflag:s29], $0x100  }
0xb4: {  	[sflag:s29] =	ssyncset.done $0x0  }
0xb5: {  	s31 =	simm.s32 $0x4800;
	[sflag:s29] =	ssyncadd.s32 $0xFFFFFF00  }
0xb6: {  	[tilespmem:s31], [sflag:$0x6] =	stream.indirect.gather [hbm4b:s5+s8], $0x40, s17, s8, $0xb8;
	[tilespmem:$0x18800] =	vst v63  }
0xb7: {  	_ = 	snop  }
0xb8: {  	[tilespmem:s21], [sflag:$0x6] =	stream.indirect.gather [hbm4b:s6+s8], $0x20, s7, s8, $0xb8;
	[tilespmem:$0x18800] =	vst v63  }
0xb9: {  	s18 =	simm.s32 $0x180;
	s21 =	simm.s32 $0x6800  }
0xba: {  	[tilespmem:s21], [sflag:$0x6] =	stream.indirect.gather [hbm4b:s5+s8], $0x40, s18, s8, $0xb8;
	[tilespmem:$0x18800] =	vst v63  }
0xbb: {  	s16 =	simm.s32 $0x8;
	s29 =	simm.s32 $0x580;
	s31 =	simm.s32 $0x13800  }
0xbc: {  	[tilespmem:s31], [sflag:$0x6] =	stream.indirect.gather [hbm4b:s6+s8], $0x20, s29, s8, $0xb8;
	[tilespmem:$0x18800] =	vst v63  }
0xbd: {  	_ =	swait.ge [sflag:s16], $0x4000  }
0xbe: {  	[sflag:s16] =	ssyncset.done $0x0  }
0xbf: {  	[sflag:s16] =	ssyncadd.s32 $0xFFFFC000  }
0xc0: {  	_ =	swait.ge [sflag:s16], $0x2000  }
0xc1: {  	[sflag:s16] =	ssyncset.done $0x0  }
0xc2: {  	s17 =	sadd.s32 $0x2400, s14;
	s21 =	simm.s32 $0xC800;
	[sflag:s16] =	ssyncadd.s32 $0xFFFFE000  }
0xc3: {  	[hbm4b:s17+s9] =	stream.strided.scatter [tilespmem:s21], [sflag:$0xC], $0x4000, s23, s9, $0x38;
	[tilespmem:$0x18800] =	vst v63  }
0xc4: {  	s18 =	sadd.s32 $0x2408, s14;
	s29 =	simm.s32 $0x16800  }
0xc5: {  	[hbm4b:s18+s10] =	stream.strided.scatter [tilespmem:s29], [sflag:$0xC], $0x2000, s23, s10, $0x38;
	[tilespmem:$0x18800] =	vst v63  }
0xc6: {  	s12 =	simm.s32 $0x300;
	s31 =	sadd.s32 s26, s30  }
0xc7: {  	[tilespmem:s12], [sflag:$0x4] =	stream.linear.gather [hbm4b:s31+s4], $0x100, $0x38;
	[tilespmem:$0x18800] =	vst v63  }
0xc8: {  	s7 =	sadd.s32 s13, s30;
	s17 =	simm.s32 $0x700;
	s18 =	simm.s32 $0xB  }
0xc9: {  	[tilespmem:s17], [sflag:$0x4] =	stream.linear.gather [hbm4b:s7+s4], $0x100, $0x38;
	[tilespmem:$0x18800] =	vst v63  }
0xca: {  	_ =	swait.ge [sflag:s18], $0x4000  }
0xcb: {  	[sflag:s18] =	ssyncset.done $0x0  }
0xcc: {  	[sflag:s18] =	ssyncadd.s32 $0xFFFFC000  }
0xcd: {  	_ =	swait.ge [sflag:s18], $0x2000  }
0xce: {  	[sflag:s18] =	ssyncset.done $0x0  }
0xcf: {  	[sflag:s18] =	ssyncadd.s32 $0xFFFFE000  }
0xd0: {  	_ =	swait.ge [sflag:s3], $0x100  }
0xd1: {  	[sflag:s3] =	ssyncset.done $0x0  }
0xd2: {  	[sflag:s3] =	ssyncadd.s32 $0xFFFFFF00  }
0xd3: {  	_ =	swait.ge [sflag:s3], $0x100  }
0xd4: {  	[sflag:s3] =	ssyncset.done $0x0  }
0xd5: {  	[sflag:s3] =	ssyncadd.s32 $0xFFFFFF00  }
0xd6: {  	[tilespmem:s19], [sflag:$0x7] =	stream.indirect.gather [hbm4b:s5+s8], $0x40, s25, s8, $0xb8;
	[tilespmem:$0x18800] =	vst v63  }
0xd7: {  	_ = 	snop  }
0xd8: {  	[tilespmem:s15], [sflag:$0x7] =	stream.indirect.gather [hbm4b:s6+s8], $0x20, s28, s8, $0xb8;
	[tilespmem:$0x18800] =	vst v63  }
0xd9: {  	s19 =	simm.s32 $0xA800  }
0xda: {  	[tilespmem:s19], [sflag:$0x7] =	stream.indirect.gather [hbm4b:s5+s8], $0x40, s2, s8, $0xb8;
	[tilespmem:$0x18800] =	vst v63  }
0xdb: {  	s31 =	simm.s32 $0x680;
	s25 =	simm.s32 $0x15800  }
0xdc: {  	[tilespmem:s25], [sflag:$0x7] =	stream.indirect.gather [hbm4b:s6+s8], $0x20, s31, s8, $0xb8;
	[tilespmem:$0x18800] =	vst v63  }
0xdd: {  	_ =	swait.ge [sflag:s0], $0x4000  }
0xde: {  	[sflag:s0] =	ssyncset.done $0x0  }
0xdf: {  	[sflag:s0] =	ssyncadd.s32 $0xFFFFC000  }
0xe0: {  	s3 =	smin.u32 s4, $0x5B;
	_ =	swait.ge [sflag:s0], $0x2000  }
0xe1: {  	s16 =	sshll.u32 s3, $0x8;
	[sflag:s0] =	ssyncset.done $0x0;
	s7 =	rddreg [dreg:$0x5]  }
0xe2: {  	s15 =	sadd.s32 $0x3000, s14;
	[sflag:s0] =	ssyncadd.s32 $0xFFFFE000;
	s16 =	sadd.s32 s16, s7  }
0xe3: {  	[hbm4b:s15+s9] =	stream.strided.scatter [tilespmem:s20], [sflag:$0x9], $0x4000, s23, s9, $0x38;
	[tilespmem:$0x18800] =	vst v63  }
0xe4: {  	s20 =	sadd.s32 $0x3008, s14;
	s16 =	sshrl.u32 s16, $0x3  }
0xe5: {  	[hbm4b:s20+s10] =	stream.strided.scatter [tilespmem:s24], [sflag:$0x9], $0x2000, s23, s10, $0x38;
	[tilespmem:$0x18800] =	vst v63  }
0xe6: {  	s25 =	sadd.s32 s26, s16  }
0xe7: {  	[tilespmem:s4], [sflag:$0x1] =	stream.linear.gather [hbm4b:s25+s4], $0x100, $0x38;
	[tilespmem:$0x18800] =	vst v63  }
0xe8: {  	s31 =	simm.s32 $0xC;
	s16 =	sadd.s32 s13, s16  }
0xe9: {  	[tilespmem:s11], [sflag:$0x1] =	stream.linear.gather [hbm4b:s16+s4], $0x100, $0x38;
	[tilespmem:$0x18800] =	vst v63  }
0xea: {  	_ =	swait.ge [sflag:s31], $0x4000  }
0xeb: {  	[sflag:s31] =	ssyncset.done $0x0  }
0xec: {  	[sflag:s31] =	ssyncadd.s32 $0xFFFFC000  }
0xed: {  	_ =	swait.ge [sflag:s31], $0x2000  }
0xee: {  	[sflag:s31] =	ssyncset.done $0x0  }
0xef: {  	[sflag:s31] =	ssyncadd.s32 $0xFFFFE000  }
0xf0: {  	_ =	swait.ge [sflag:s1], $0x100  }
0xf1: {  	[sflag:s1] =	ssyncset.done $0x0  }
0xf2: {  	[sflag:s1] =	ssyncadd.s32 $0xFFFFFF00  }
0xf3: {  	_ =	swait.ge [sflag:s1], $0x100  }
0xf4: {  	[sflag:s1] =	ssyncset.done $0x0  }
0xf5: {  	s18 =	simm.s32 $0x3000;
	[sflag:s1] =	ssyncadd.s32 $0xFFFFFF00  }
0xf6: {  	[tilespmem:s21], [sflag:$0x8] =	stream.indirect.gather [hbm4b:s5+s8], $0x40, s12, s8, $0xb8;
	[tilespmem:$0x18800] =	vst v63  }
0xf7: {  	s28 =	simm.s32 $0x0;
	s19 =	smov.u32 s13;
	s16 =	smin.u32 s4, $0x5A  }
0xf8: {  	[tilespmem:s29], [sflag:$0x8] =	stream.indirect.gather [hbm4b:s6+s8], $0x20, s17, s8, $0xb8;
	[tilespmem:$0x18800] =	vst v63  }
.LBB2_2:
0xf9: {  	s28 =	sadd.s32 $0x4, s28;
	s0 =	simm.s32 $0x380;
	s1 =	simm.s32 $0xE800  }
0xfa: {  	[tilespmem:s1], [sflag:$0x8] =	stream.indirect.gather [hbm4b:s5+s8], $0x40, s0, s8, $0xb8;
	[tilespmem:$0x18800] =	vst v63  }
0xfb: {  	s2 =	simm.s32 $0x780;
	s3 =	simm.s32 $0x17800;
	s4 =	simm.s32 $0x6  }
0xfc: {  	[tilespmem:s3], [sflag:$0x8] =	stream.indirect.gather [hbm4b:s6+s8], $0x20, s2, s8, $0xb8;
	[tilespmem:$0x18800] =	vst v63  }
0xfd: {  	s20 =	sadd.s32 $0x3C00, s14;
	s16 =	sshll.u32 s16, $0x8;
	_ =	swait.ge [sflag:s4], $0x4000  }
0xfe: {  	s29 =	simm.s32 $0x4800;
	s17 =	simm.s32 $0x60;
	[sflag:s4] =	ssyncset.done $0x0  }
0xff: {  	s7 =	sadd.s32 $0x3C08, s14;
	s21 =	simm.s32 $0x12800;
	[sflag:s4] =	ssyncadd.s32 $0xFFFFC000  }
0x100: {  	s9 =	simm.s32 $0x20;
	s31 =	simm.s32 $0x0;
	_ =	swait.ge [sflag:s4], $0x2000  }
0x101: {  	s15 =	smin.u32 s28, $0x5A;
	[sflag:s4] =	ssyncset.done $0x0;
	s13 =	rddreg [dreg:$0x6]  }
0x102: {  	s0 =	simm.s32 $0x40;
	[sflag:s4] =	ssyncadd.s32 $0xFFFFE000;
	s13 =	sadd.s32 s16, s13  }
0x103: {  	[hbm4b:s20+s0] =	stream.strided.scatter [tilespmem:s29], [sflag:$0xA], $0x4000, s17, s0, $0x38;
	[tilespmem:$0x18800] =	vst v63  }
0x104: {  	s16 =	smov.u32 s15;
	s13 =	sshrl.u32 s13, $0x3;
	s24 =	rddreg [dreg:$0x0]  }
0x105: {  	[hbm4b:s7+s9] =	stream.strided.scatter [tilespmem:s21], [sflag:$0xA], $0x2000, s17, s9, $0x38;
	[tilespmem:$0x18800] =	vst v63  }
0x106: {  	s15 =	simm.s32 $0x100;
	s25 =	rddreg [dreg:$0x1];
	s10 =	sadd.s32 s24, s13  }
0x107: {  	[tilespmem:s15], [sflag:$0x2] =	stream.linear.gather [hbm4b:s10+s31], $0x100, $0x38;
	[tilespmem:$0x18800] =	vst v63  }
0x108: {  	s12 =	simm.s32 $0x9;
	s20 =	simm.s32 $0x500;
	s13 =	sadd.s32 s25, s13  }
0x109: {  	[tilespmem:s20], [sflag:$0x2] =	stream.linear.gather [hbm4b:s13+s31], $0x100, $0x38;
	[tilespmem:$0x18800] =	vst v63  }
0x10a: {  	_ =	swait.ge [sflag:s12], $0x4000  }
0x10b: {  	[sflag:s12] =	ssyncset.done $0x0  }
0x10c: {  	[sflag:s12] =	ssyncadd.s32 $0xFFFFC000  }
0x10d: {  	_ =	swait.ge [sflag:s12], $0x2000  }
0x10e: {  	[sflag:s12] =	ssyncset.done $0x0  }
0x10f: {  	s7 =	simm.s32 $0x1;
	[sflag:s12] =	ssyncadd.s32 $0xFFFFE000  }
0x110: {  	_ =	swait.ge [sflag:s7], $0x100  }
0x111: {  	[sflag:s7] =	ssyncset.done $0x0  }
0x112: {  	[sflag:s7] =	ssyncadd.s32 $0xFFFFFF00  }
0x113: {  	_ =	swait.ge [sflag:s7], $0x100  }
0x114: {  	[sflag:s7] =	ssyncset.done $0x0  }
0x115: {  	s13 =	simm.s32 $0x800;
	[sflag:s7] =	ssyncadd.s32 $0xFFFFFF00  }
0x116: {  	[tilespmem:s13], [sflag:$0x5] =	stream.indirect.gather [hbm4b:s5+s8], $0x40, s31, s8, $0xb8;
	[tilespmem:$0x18800] =	vst v63  }
0x117: {  	s14 =	simm.s32 $0x400;
	s2 =	simm.s32 $0x10800  }
0x118: {  	[tilespmem:s2], [sflag:$0x5] =	stream.indirect.gather [hbm4b:s6+s8], $0x20, s14, s8, $0xb8;
	[tilespmem:$0x18800] =	vst v63  }
0x119: {  	s23 =	simm.s32 $0x2800  }
0x11a: {  	[tilespmem:s23], [sflag:$0x5] =	stream.indirect.gather [hbm4b:s5+s8], $0x40, s8, s8, $0xb8;
	[tilespmem:$0x18800] =	vst v63  }
0x11b: {  	s24 =	simm.s32 $0x480;
	s25 =	simm.s32 $0x11800;
	s2 =	simm.s32 $0x7  }
0x11c: {  	[tilespmem:s25], [sflag:$0x5] =	stream.indirect.gather [hbm4b:s6+s8], $0x20, s24, s8, $0xb8;
	[tilespmem:$0x18800] =	vst v63  }
0x11d: {  	_ =	swait.ge [sflag:s2], $0x4000  }
0x11e: {  	[sflag:s2] =	ssyncset.done $0x0  }
0x11f: {  	[sflag:s2] =	ssyncadd.s32 $0xFFFFC000  }
0x120: {  	_ =	swait.ge [sflag:s2], $0x2000  }
0x121: {  	s11 =	smov.u32 s18;
	s3 =	rddreg [dreg:$0x7]  }
0x122: {  	[sflag:s2] =	ssyncset.done $0x0;
	s14 =	sadd.s32 s11, s3  }
0x123: {  	s1 =	simm.s32 $0x8800;
	[sflag:s2] =	ssyncadd.s32 $0xFFFFE000;
	s13 =	sadd.s32 $0x1800, s14  }
0x124: {  	[hbm4b:s13+s0] =	stream.strided.scatter [tilespmem:s1], [sflag:$0xB], $0x4000, s17, s0, $0x38;
	[tilespmem:$0x18800] =	vst v63  }
0x125: {  	s26 =	sadd.s32 $0x80, s26;
	s2 =	simm.s32 $0x14800;
	s4 =	sadd.s32 $0x1808, s14  }
0x126: {  	[hbm4b:s4+s9] =	stream.strided.scatter [tilespmem:s2], [sflag:$0xB], $0x2000, s17, s9, $0x38;
	[tilespmem:$0x18800] =	vst v63  }
0x127: {  	s19 =	sadd.s32 $0x80, s19;
	s7 =	sadd.s32 s26, s22;
	s11 =	simm.s32 $0x200  }
0x128: {  	[tilespmem:s11], [sflag:$0x3] =	stream.linear.gather [hbm4b:s7+s31], $0x100, $0x38;
	[tilespmem:$0x18800] =	vst v63  }
0x129: {  	s10 =	sadd.s32 s19, s22;
	s12 =	simm.s32 $0xA;
	s23 =	simm.s32 $0x600  }
0x12a: {  	[tilespmem:s23], [sflag:$0x3] =	stream.linear.gather [hbm4b:s10+s31], $0x100, $0x38;
	[tilespmem:$0x18800] =	vst v63  }
0x12b: {  	_ =	swait.ge [sflag:s12], $0x4000  }
0x12c: {  	[sflag:s12] =	ssyncset.done $0x0  }
0x12d: {  	[sflag:s12] =	ssyncadd.s32 $0xFFFFC000  }
0x12e: {  	_ =	swait.ge [sflag:s12], $0x2000  }
0x12f: {  	[sflag:s12] =	ssyncset.done $0x0  }
0x130: {  	s13 =	simm.s32 $0x2;
	[sflag:s12] =	ssyncadd.s32 $0xFFFFE000  }
0x131: {  	_ =	swait.ge [sflag:s13], $0x100  }
0x132: {  	[sflag:s13] =	ssyncset.done $0x0  }
0x133: {  	[sflag:s13] =	ssyncadd.s32 $0xFFFFFF00  }
0x134: {  	_ =	swait.ge [sflag:s13], $0x100  }
0x135: {  	[sflag:s13] =	ssyncset.done $0x0  }
0x136: {  	[sflag:s13] =	ssyncadd.s32 $0xFFFFFF00  }
0x137: {  	[tilespmem:s29], [sflag:$0x6] =	stream.indirect.gather [hbm4b:s5+s8], $0x40, s15, s8, $0xb8;
	[tilespmem:$0x18800] =	vst v63  }
0x138: {  	_ = 	snop  }
0x139: {  	[tilespmem:s21], [sflag:$0x6] =	stream.indirect.gather [hbm4b:s6+s8], $0x20, s20, s8, $0xb8;
	[tilespmem:$0x18800] =	vst v63  }
0x13a: {  	s3 =	simm.s32 $0x180;
	s10 =	simm.s32 $0x6800  }
0x13b: {  	[tilespmem:s10], [sflag:$0x6] =	stream.indirect.gather [hbm4b:s5+s8], $0x40, s3, s8, $0xb8;
	[tilespmem:$0x18800] =	vst v63  }
0x13c: {  	s12 =	simm.s32 $0x13800;
	s20 =	simm.s32 $0x580;
	s21 =	simm.s32 $0x8  }
0x13d: {  	[tilespmem:s12], [sflag:$0x6] =	stream.indirect.gather [hbm4b:s6+s8], $0x20, s20, s8, $0xb8;
	[tilespmem:$0x18800] =	vst v63  }
0x13e: {  	_ =	swait.ge [sflag:s21], $0x4000  }
0x13f: {  	[sflag:s21] =	ssyncset.done $0x0  }
0x140: {  	[sflag:s21] =	ssyncadd.s32 $0xFFFFC000  }
0x141: {  	_ =	swait.ge [sflag:s21], $0x2000  }
0x142: {  	[sflag:s21] =	ssyncset.done $0x0  }
0x143: {  	s3 =	sadd.s32 $0x2400, s14;
	s10 =	simm.s32 $0xC800;
	[sflag:s21] =	ssyncadd.s32 $0xFFFFE000  }
0x144: {  	[hbm4b:s3+s0] =	stream.strided.scatter [tilespmem:s10], [sflag:$0xC], $0x4000, s17, s0, $0x38;
	[tilespmem:$0x18800] =	vst v63  }
0x145: {  	s4 =	sadd.s32 $0x2408, s14;
	s12 =	simm.s32 $0x16800  }
0x146: {  	[hbm4b:s4+s9] =	stream.strided.scatter [tilespmem:s12], [sflag:$0xC], $0x2000, s17, s9, $0x38;
	[tilespmem:$0x18800] =	vst v63  }
0x147: {  	s15 =	sadd.s32 s26, s30;
	s4 =	simm.s32 $0x300  }
0x148: {  	[tilespmem:s4], [sflag:$0x4] =	stream.linear.gather [hbm4b:s15+s31], $0x100, $0x38;
	[tilespmem:$0x18800] =	vst v63  }
0x149: {  	s20 =	sadd.s32 s19, s30;
	s21 =	simm.s32 $0xB;
	s3 =	simm.s32 $0x700  }
0x14a: {  	[tilespmem:s3], [sflag:$0x4] =	stream.linear.gather [hbm4b:s20+s31], $0x100, $0x38;
	[tilespmem:$0x18800] =	vst v63  }
0x14b: {  	_ =	swait.ge [sflag:s21], $0x4000  }
0x14c: {  	[sflag:s21] =	ssyncset.done $0x0  }
0x14d: {  	[sflag:s21] =	ssyncadd.s32 $0xFFFFC000  }
0x14e: {  	_ =	swait.ge [sflag:s21], $0x2000  }
0x14f: {  	[sflag:s21] =	ssyncset.done $0x0  }
0x150: {  	s15 =	simm.s32 $0x3;
	[sflag:s21] =	ssyncadd.s32 $0xFFFFE000  }
0x151: {  	_ =	swait.ge [sflag:s15], $0x100  }
0x152: {  	[sflag:s15] =	ssyncset.done $0x0  }
0x153: {  	[sflag:s15] =	ssyncadd.s32 $0xFFFFFF00  }
0x154: {  	_ =	swait.ge [sflag:s15], $0x100  }
0x155: {  	[sflag:s15] =	ssyncset.done $0x0  }
0x156: {  	[sflag:s15] =	ssyncadd.s32 $0xFFFFFF00  }
0x157: {  	[tilespmem:s1], [sflag:$0x7] =	stream.indirect.gather [hbm4b:s5+s8], $0x40, s11, s8, $0xb8;
	[tilespmem:$0x18800] =	vst v63  }
0x158: {  	_ = 	snop  }
0x159: {  	[tilespmem:s2], [sflag:$0x7] =	stream.indirect.gather [hbm4b:s6+s8], $0x20, s23, s8, $0xb8;
	[tilespmem:$0x18800] =	vst v63  }
0x15a: {  	s20 =	simm.s32 $0xA800;
	s2 =	simm.s32 $0x280  }
0x15b: {  	[tilespmem:s20], [sflag:$0x7] =	stream.indirect.gather [hbm4b:s5+s8], $0x40, s2, s8, $0xb8;
	[tilespmem:$0x18800] =	vst v63  }
0x15c: {  	s15 =	simm.s32 $0x5;
	s11 =	simm.s32 $0x15800;
	s23 =	simm.s32 $0x680  }
0x15d: {  	[tilespmem:s11], [sflag:$0x7] =	stream.indirect.gather [hbm4b:s6+s8], $0x20, s23, s8, $0xb8;
	[tilespmem:$0x18800] =	vst v63  }
0x15e: {  	_ =	swait.ge [sflag:s15], $0x4000  }
0x15f: {  	[sflag:s15] =	ssyncset.done $0x0  }
0x160: {  	[sflag:s15] =	ssyncadd.s32 $0xFFFFC000  }
0x161: {  	s13 =	sadd.s32 $0x3000, s14;
	_ =	swait.ge [sflag:s15], $0x2000  }
0x162: {  	s11 =	smin.u32 s28, $0x5B;
	s23 =	simm.s32 $0x800;
	[sflag:s15] =	ssyncset.done $0x0  }
0x163: {  	s20 =	rddreg [dreg:$0x5];
	[sflag:s15] =	ssyncadd.s32 $0xFFFFE000;
	s15 =	sshll.u32 s11, $0x8  }
0x164: {  	[hbm4b:s13+s0] =	stream.strided.scatter [tilespmem:s23], [sflag:$0x9], $0x4000, s17, s0, $0x38;
	[tilespmem:$0x18800] =	vst v63  }
0x165: {  	s15 =	sadd.s32 s15, s20;
	s20 =	sadd.s32 $0x3008, s14;
	s23 =	simm.s32 $0x10800  }
0x166: {  	[hbm4b:s20+s9] =	stream.strided.scatter [tilespmem:s23], [sflag:$0x9], $0x2000, s17, s9, $0x38;
	[tilespmem:$0x18800] =	vst v63  }
0x167: {  	s13 =	sshrl.u32 s15, $0x3;
	s9 =	rddreg [dreg:$0x0]  }
0x168: {  	s17 =	rddreg [dreg:$0x1];
	s11 =	sadd.s32 s9, s13  }
0x169: {  	[tilespmem:s31], [sflag:$0x1] =	stream.linear.gather [hbm4b:s11+s31], $0x100, $0x38;
	[tilespmem:$0x18800] =	vst v63  }
0x16a: {  	s20 =	simm.s32 $0x400;
	s23 =	simm.s32 $0xC;
	s13 =	sadd.s32 s17, s13  }
0x16b: {  	[tilespmem:s20], [sflag:$0x1] =	stream.linear.gather [hbm4b:s13+s31], $0x100, $0x38;
	[tilespmem:$0x18800] =	vst v63  }
0x16c: {  	_ =	swait.ge [sflag:s23], $0x4000  }
0x16d: {  	[sflag:s23] =	ssyncset.done $0x0  }
0x16e: {  	[sflag:s23] =	ssyncadd.s32 $0xFFFFC000  }
0x16f: {  	_ =	swait.ge [sflag:s23], $0x2000  }
0x170: {  	[sflag:s23] =	ssyncset.done $0x0  }
0x171: {  	s31 =	simm.s32 $0x4;
	[sflag:s23] =	ssyncadd.s32 $0xFFFFE000  }
0x172: {  	_ =	swait.ge [sflag:s31], $0x100  }
0x173: {  	[sflag:s31] =	ssyncset.done $0x0  }
0x174: {  	p0 =	sne.s32 s18, $0x45000;
	s18 =	sadd.s32 $0x3000, s18;
	[sflag:s31] =	ssyncadd.s32 $0xFFFFFF00  }
0x175: {  	s24 =	simm.s32 $0x100;
	s25 =	simm.s32 $0x4800;
	_ =	swait.ge [sflag:s31], $0x100  }
.Ltmp0:
0x176: {  	s7 =	simm.s32 $0x500;
	[sflag:s31] =	ssyncset.done $0x0;
	(pc) =	sbr.rel @p0 .LBB2_2-.Ltmp0, $4  }
0x177: {  	s29 =	simm.s32 $0x12800;
	s21 =	simm.s32 $0x8800;
	[sflag:s31] =	ssyncadd.s32 $0xFFFFFF00  }
0x178: {  	[tilespmem:s10], [sflag:$0x8] =	stream.indirect.gather [hbm4b:s5+s8], $0x40, s4, s8, $0xb8;
	[tilespmem:$0x18800] =	vst v63  }
0x179: {  	s1 =	simm.s32 $0x14800;
	s9 =	simm.s32 $0xC800;
	s10 =	simm.s32 $0x16800  }
0x17a: {  	[tilespmem:s12], [sflag:$0x8] =	stream.indirect.gather [hbm4b:s6+s8], $0x20, s3, s8, $0xb8;
	[tilespmem:$0x18800] =	vst v63  }
0x17b: {  	s0 =	simm.s32 $0x380;
	s3 =	simm.s32 $0xE800  }
0x17c: {  	[tilespmem:s3], [sflag:$0x8] =	stream.indirect.gather [hbm4b:s5+s8], $0x40, s0, s8, $0xb8;
	[tilespmem:$0x18800] =	vst v63  }
0x17d: {  	s17 =	simm.s32 $0x780;
	s18 =	simm.s32 $0x17800;
	s19 =	simm.s32 $0x6  }
0x17e: {  	[tilespmem:s18], [sflag:$0x8] =	stream.indirect.gather [hbm4b:s6+s8], $0x20, s17, s8, $0xb8;
	[tilespmem:$0x18800] =	vst v63  }
0x17f: {  	_ =	swait.ge [sflag:s19], $0x4000  }
0x180: {  	[sflag:s19] =	ssyncset.done $0x0  }
0x181: {  	s15 =	sadd.s32 $0x3C00, s14;
	[sflag:s19] =	ssyncadd.s32 $0xFFFFC000  }
0x182: {  	s20 =	simm.s32 $0x40;
	s12 =	simm.s32 $0x60;
	_ =	swait.ge [sflag:s19], $0x2000  }
0x183: {  	s23 =	sshll.u32 s16, $0x8;
	[sflag:s19] =	ssyncset.done $0x0;
	s13 =	rddreg [dreg:$0x6]  }
0x184: {  	s26 =	simm.s32 $0x20;
	[sflag:s19] =	ssyncadd.s32 $0xFFFFE000;
	s13 =	sadd.s32 s23, s13  }
0x185: {  	[hbm4b:s15+s20] =	stream.strided.scatter [tilespmem:s25], [sflag:$0xA], $0x4000, s12, s20, $0x38;
	[tilespmem:$0x18800] =	vst v63  }
0x186: {  	s25 =	sadd.s32 $0x3C08, s14;
	s13 =	sshrl.u32 s13, $0x3;
	s4 =	rddreg [dreg:$0x0]  }
0x187: {  	[hbm4b:s25+s26] =	stream.strided.scatter [tilespmem:s29], [sflag:$0xA], $0x2000, s12, s26, $0x38;
	[tilespmem:$0x18800] =	vst v63  }
0x188: {  	s11 =	rddreg [dreg:$0x1];
	s14 =	sadd.s32 s4, s13;
	s4 =	simm.s32 $0x0  }
0x189: {  	[tilespmem:s24], [sflag:$0x2] =	stream.linear.gather [hbm4b:s14+s4], $0x100, $0x38;
	[tilespmem:$0x18800] =	vst v63  }
0x18a: {  	s13 =	sadd.s32 s11, s13;
	s14 =	simm.s32 $0x7  }
0x18b: {  	[tilespmem:s7], [sflag:$0x2] =	stream.linear.gather [hbm4b:s13+s4], $0x100, $0x38;
	[tilespmem:$0x18800] =	vst v63  }
0x18c: {  	_ =	swait.ge [sflag:s14], $0x4000  }
0x18d: {  	[sflag:s14] =	ssyncset.done $0x0  }
0x18e: {  	[sflag:s14] =	ssyncadd.s32 $0xFFFFC000  }
0x18f: {  	_ =	swait.ge [sflag:s14], $0x2000  }
0x190: {  	[sflag:s14] =	ssyncset.done $0x0  }
0x191: {  	s11 =	rddreg [dreg:$0x19];
	[sflag:s14] =	ssyncadd.s32 $0xFFFFE000  }
0x192: {  	[hbm4b:s11+s20] =	stream.strided.scatter [tilespmem:s21], [sflag:$0xB], $0x4000, s12, s20, $0x38;
	[tilespmem:$0x18800] =	vst v63  }
0x193: {  	s16 =	simm.s32 $0x8;
	s15 =	rddreg [dreg:$0x1a]  }
0x194: {  	[hbm4b:s15+s26] =	stream.strided.scatter [tilespmem:s1], [sflag:$0xB], $0x2000, s12, s26, $0x38;
	[tilespmem:$0x18800] =	vst v63  }
0x195: {  	_ =	swait.ge [sflag:s16], $0x4000  }
0x196: {  	[sflag:s16] =	ssyncset.done $0x0  }
0x197: {  	[sflag:s16] =	ssyncadd.s32 $0xFFFFC000  }
0x198: {  	_ =	swait.ge [sflag:s16], $0x2000  }
0x199: {  	[sflag:s16] =	ssyncset.done $0x0  }
0x19a: {  	s17 =	rddreg [dreg:$0x1b];
	[sflag:s16] =	ssyncadd.s32 $0xFFFFE000  }
0x19b: {  	[hbm4b:s17+s20] =	stream.strided.scatter [tilespmem:s9], [sflag:$0xC], $0x4000, s12, s20, $0x38;
	[tilespmem:$0x18800] =	vst v63  }
0x19c: {  	s19 =	simm.s32 $0x9;
	s18 =	rddreg [dreg:$0x1c]  }
0x19d: {  	[hbm4b:s18+s26] =	stream.strided.scatter [tilespmem:s10], [sflag:$0xC], $0x2000, s12, s26, $0x38;
	[tilespmem:$0x18800] =	vst v63  }
0x19e: {  	_ =	swait.ge [sflag:s19], $0x4000  }
0x19f: {  	[sflag:s19] =	ssyncset.done $0x0  }
0x1a0: {  	[sflag:s19] =	ssyncadd.s32 $0xFFFFC000  }
0x1a1: {  	_ =	swait.ge [sflag:s19], $0x2000  }
0x1a2: {  	[sflag:s19] =	ssyncset.done $0x0  }
0x1a3: {  	s20 =	simm.s32 $0xA;
	[sflag:s19] =	ssyncadd.s32 $0xFFFFE000  }
0x1a4: {  	_ =	swait.ge [sflag:s20], $0x4000  }
0x1a5: {  	[sflag:s20] =	ssyncset.done $0x0  }
0x1a6: {  	[sflag:s20] =	ssyncadd.s32 $0xFFFFC000  }
0x1a7: {  	_ =	swait.ge [sflag:s20], $0x2000  }
0x1a8: {  	[sflag:s20] =	ssyncset.done $0x0  }
0x1a9: {  	s21 =	simm.s32 $0xB;
	[sflag:s20] =	ssyncadd.s32 $0xFFFFE000  }
0x1aa: {  	_ =	swait.ge [sflag:s21], $0x4000  }
0x1ab: {  	[sflag:s21] =	ssyncset.done $0x0  }
0x1ac: {  	[sflag:s21] =	ssyncadd.s32 $0xFFFFC000  }
0x1ad: {  	_ =	swait.ge [sflag:s21], $0x2000  }
0x1ae: {  	[sflag:s21] =	ssyncset.done $0x0  }
0x1af: {  	s23 =	simm.s32 $0xC;
	[sflag:s21] =	ssyncadd.s32 $0xFFFFE000  }
0x1b0: {  	_ =	swait.ge [sflag:s23], $0x4000  }
0x1b1: {  	[sflag:s23] =	ssyncset.done $0x0  }
0x1b2: {  	[sflag:s23] =	ssyncadd.s32 $0xFFFFC000  }
0x1b3: {  	_ =	swait.ge [sflag:s23], $0x2000  }
0x1b4: {  	[sflag:s23] =	ssyncset.done $0x0  }
0x1b5: {  	s24 =	simm.s32 $0x1;
	[sflag:s23] =	ssyncadd.s32 $0xFFFFE000  }
0x1b6: {  	_ =	swait.ge [sflag:s24], $0x100  }
0x1b7: {  	[sflag:s24] =	ssyncset.done $0x0  }
0x1b8: {  	[sflag:s24] =	ssyncadd.s32 $0xFFFFFF00  }
0x1b9: {  	_ =	swait.ge [sflag:s24], $0x100  }
0x1ba: {  	[sflag:s24] =	ssyncset.done $0x0  }
0x1bb: {  	s25 =	simm.s32 $0x2;
	[sflag:s24] =	ssyncadd.s32 $0xFFFFFF00  }
0x1bc: {  	_ =	swait.ge [sflag:s25], $0x100  }
0x1bd: {  	[sflag:s25] =	ssyncset.done $0x0  }
0x1be: {  	[sflag:s25] =	ssyncadd.s32 $0xFFFFFF00  }
0x1bf: {  	_ =	swait.ge [sflag:s25], $0x100  }
0x1c0: {  	s26 =	rddreg [dreg:$0x1d]  }
0x1c1: {  	s29 =	rddreg [dreg:$0x18];
	s0 =	sadd.s32 $0x1, s26  }
0x1c2: {  	p0 =	sne.s32 s0, s29  }
.Ltmp1:
0x1c3: {  	s28 =	simm.s32 $0x600;
	(pc) =	sbr.rel @p0 .LBB2_1-.Ltmp1, $4  }
0x1c4: {  	s31 =	simm.s32 $0x15800;
	s11 =	simm.s32 $0x400;
	s16 =	simm.s32 $0x2800  }
0x1c5: {  	s18 =	simm.s32 $0x480;
	s12 =	simm.s32 $0x700;
	s19 =	simm.s32 $0x11800  }
0x1c6: {  	s20 =	simm.s32 $0x800;
	s24 =	simm.s32 $0x10800;
	[sflag:s25] =	ssyncset.done $0x0  }
0x1c7: {  	[sflag:s25] =	ssyncadd.s32 $0xFFFFFF00;
	s25 =	simm.s32 $0x200;
	s26 =	simm.s32 $0x180  }
0x1c8: {  	_ =	sfence.sel $0x180000  }
0x1c9: {  	[bflag:$0x0] =	sbarrier.arrive $0xFFFF  }
0x1ca: {  	_ =	strace $0x90000047  }
0x1cb: {  	s0 =	stileid.u32;
	[bflag:$0x2] =	sbarrier.arrive $0xFFFF  }
0x1cc: {  	p0 =	sne.s32 s0, $0x0;
	s0 =	rddreg [dreg:$0x4]  }
0x1cd: {  	s0 =	sadd.s32 @!p0 $0x100000, s0  }
0x1ce: {  	[sflag:s0] =	ssyncadd.tile.s32 @!p0 $0x1;
	_ =	shalt  }
.Lfunc_end2:
_tile_overlayer_lowered:
.L_overlay_start_2:
0x1cf: {  	(tag) =	ssettag $0x2  }
0x1d0: {  	s0 =	rddreg [dreg:$0x0];
	s2 =	stileid.u32  }
0x1d1: {  	s1 =	rddreg [dreg:$0x1];
	p0 =	sne.s32 s2, $0x0  }
0x1d2: {  	s3 =	rddreg [dreg:$0x2];
	[bflag:$0x3] =	sbarrier.arrive $0xFFFF;
	s2 =	simm.s32 @!p0 $0x1C0D  }
0x1d3: {  	[timem:s3], [sflag:s2] =	dma.local @!p0 [hbm:s0], s1  }
0x1d4: {  	s0 =	simm.s32 @!p0 $0xD  }
0x1d5: {  	_ =	swait.ge @!p0 [sflag:s0], s1  }
0x1d6: {  	s1 =	ssub.s32 @!p0 $0x0, s1;
	[sflag:s0] =	ssyncset.done @!p0 $0x0  }
0x1d7: {  	[sflag:s0] =	ssyncadd.s32 @!p0 s1  }
0x1d8: {  	[bflag:$0x3] =	sbarrier.arrive $0xFFFF  }
0x1d9: {  	_ =	shalt  }

// kernel: sparse-core-data-format-call.cloned.1.call-start
scs
called_computation_lowered:
.L_overlay_start_0:
0x0: {  	s2 =	sld [smem:$0x3FD9]  }
0x1: {  	s3 =	sld [smem:$0x3FFE];
	_ =	sdelay $0x1  }
0x2: {  	s1 =	srdreg.scid  }
0x3: {  	s0 =	sand.u32 $0x1, s1  }
0x4: {  	s18 =	sshll.u32 s0, $0xA;
	s2 =	sadd.s32 s3, s2  }
0x5: {  	s2 =	sadd.s32 s2, s18  }
0x6: {  	[smem:$0x3FC4] =	sst s2  }
0x7: {  	_ = 	snop  }
0x8: {  	s2 =	sld [smem:$0x3FD0];
	(tm) =	ssettm $0x1  }
0x9: {  	s19 =	sld [smem:$0x3FFB];
	_ =	sdelay $0x3  }
0xa: {  	_ =	strace s19  }
0xb: {  	s3 =	sld [smem:$0x3FFC];
	_ =	sdelay $0x3  }
0xc: {  	_ =	strace s3  }
0xd: {  	s3 =	sld [smem:$0x3FFD];
	_ =	sdelay $0x3  }
0xe: {  	_ =	strace s3  }
0xf: {  	_ =	strace $0x8FFFFFFF  }
0x10: {  	s20 =	sld [smem:$0x3FDB];
	_ =	sdelay $0x1  }
0x11: {  	s4 =	simm.s32 $_scs_section_size  }
0x12: {  	s5 =	simm.s32 $_size__tile_overlayer_lowered;
	s6 =	simm.s32 $_tile_overlayer_lowered  }
0x13: {  	s23 =	simm.s32 $0x1BFF;
	s22 =	sshll.u32 s6, $0x1;
	s3 =	sadd.s32 s4, s20  }
0x14: {  	s7 =	simm.s32 $0x0;
	s21 =	sshll.u32 s5, $0x1;
	s5 =	sadd.s32 s22, s3  }
0x15: {  	[timem:s7], [sflag:s23] =	dma.local [hbm:s5], s21  }
0x16: {  	_ =	swait.ge [sflag:s23], s21  }
0x17: {  	s4 =	ssub.s32 $0x0, s21;
	[sflag:s23] =	ssyncset.done $0x0  }
0x18: {  	[sflag:s23] =	ssyncadd.s32 s4;
	_ =	sdelay $0x1  }
0x19: {  	s24 =	simm.s32 $0x1B8B  }
0x1a: {  	_ =	swait.ge [sflag:s24], $0x1  }
0x1b: {  	[sflag:s24] =	ssyncset.done $0x0  }
0x1c: {  	s26 =	simm.s32 $0x1B8E;
	s25 =	sld [smem:$0x3FFE];
	[sflag:s24] =	ssyncadd.s32 $0xFFFFFFFF  }
0x1d: {  	s27 =	simm.s32 $execute0_lowered;
	[smem:$0x3FD2] =	sst s26  }
0x1e: {  	s5 =	sshll.u32 s27, $0x1;
	_ =	strace $0x80000049;
	[dreg:$0x1] =	wrdreg $0xFFFFFFFF  }
0x1f: {  	s28 =	simm.s32 $_size_execute0_lowered;
	s3 =	sadd.s32 s3, s5;
	[dreg:$0x0] =	wrdreg $0x0  }
0x20: {  	s5 =	sshll.u32 s28, $0x1;
	[dreg:$0x2] =	wrdreg s3  }
0x21: {  	[dreg:$0x3] =	wrdreg s5  }
0x22: {  	[dreg:$0x4] =	wrdreg $0xC0  }
0x23: {  	_ =	task [dreg:s7], $0x5FFFF  }
0x24: {  	[dreg:$0x1] =	wrdreg $0xFFFFFFFF  }
0x25: {  	[dreg:$0x0] =	wrdreg $0x60  }
0x26: {  	[dreg:$0x2] =	wrdreg s25  }
0x27: {  	[dreg:$0x3] =	wrdreg s2  }
0x28: {  	[dreg:$0x4] =	wrdreg $0x9  }
0x29: {  	_ =	task.clear_ibuf [dreg:s7], $0x5FFFF;
	_ =	strace $0x90000049  }
0x2a: {  	s29 =	simm.s32 $0x9;
	_ =	strace $0x8000004B  }
0x2b: {  	_ =	swait.ge [sflag:s29], $0x1  }
0x2c: {  	[sflag:s29] =	ssyncadd.s32 $0xFFFFFFFF  }
0x2d: {  	_ =	strace $0x9000004B  }
0x2e: {  	_ =	sfence  }
0x2f: {  	s30 =	sld [smem:$0x0];
	_ =	sdelay $0x2  }
0x30: {  	s31 =	sshll.u32 s1, $0xD;
	s1 =	sshrl.u32 s1, $0x2  }
0x31: {  	s3 =	sand.u32 $0x4000, s31;
	s1 =	sadd.s32 s1, s30  }
0x32: {  	s0 =	sor.u32 s3, s0;
	s1 =	sshll.u32 s1, $0x11  }
0x33: {  	s0 =	sor.u32 s1, s0  }
0x34: {  	s0 =	sadd.s32 $0x8F2B, s0  }
0x35: {  	[sflag:s0] =	ssyncadd.remote.s32 $0x1  }
0x36: {  	_ =	sfence.sel $0xFFFF  }
0x37: {  	[dreg:$0x0] =	wrdreg $0xFFFFFFFF;
	(pc) =	sbr.abs _section_cstart, $3  }
0x38: {  	[dreg:$0x1] =	wrdreg $0xFFFFFFFF  }
0x39: {  	_ =	task.clear_ibuf [dreg:s7], $0x2FFFF;
	_ =	strace $0x9FFFFFFF  }
0x3a: {  	(tm) =	ssettm $0x7FFFFFFF  }
0x3b: {  	_ =	shalt  }
tec
execute0_lowered:
.L_overlay_start_1:
0x0: {  	(tag) =	ssettag $0x1  }
0x1: {  	s1 =	rddreg [dreg:$0x0]  }
0x2: {  	s2 =	rddreg [dreg:$0x1]  }
0x3: {  	s0 =	rddreg [dreg:$0x2]  }
0x4: {  	s4 =	srdreg.scid;
	_ =	strace $0x8000004A;
	s6 =	simm.s32 $0x2  }
.Ltmp0:
0x5: {  	p0 =	por $0x0, $0x0;
	s10 =	simm.s32 $0x0;
	(pc) =	sbr.rel .LBB1_1-.Ltmp0, $4  }
0x6: {  	s8 =	simm.s32 $0x0;
	s3 =	sadd.s32 $0xA00, s1;
	s4 =	sshll.u32 s4, $0x4  }
0x7: {  	s1 =	stileid.u32;
	s5 =	sand.u32 $0x10, s4;
	s4 =	simm.s32 $0x1  }
0x8: {  	s7 =	simm.s32 $0x0;
	s5 =	sor.u32 s1, s5;
	[sflag:s4] =	ssyncpa.u1 $0x0  }
0x9: {  	[sflag:s6] =	ssyncpa.u1 $0x0;
	s6 =	simm.s32 $0x0;
	s9 =	smov.u32 s5  }
.LBB1_5:
0xa: {  	p1 =	slt.u32 s7, $0x2  }
0xb: {  	p2 =	sgt.s32 @!p1 s10, $0x18FF  }
0xc: {  	s11 =	smov.u32 s10;
	s12 =	sshra.s32 @!p1 s10, $0x1F;
	p2 =	por !p2, p1  }
0xd: {  	s10 =	sand.u32 @!p1 s12, s10;
	s11 =	simm.s32 @p2 $0x18FF  }
0xe: {  	s10 =	ssub.s32 @!p1 s11, s10  }
0xf: {  	s11 =	ssub.s32 @!p1 $0x1900, s10  }
0x10: {  	s10 =	sadd.s32 @!p1 $0xFFFFE701, s10;
	s11 =	smul.u32 @!p1 $0xC000, s11  }
0x11: {  	p2 =	sgt.s32 @!p1 s10, $0x0  }
0x12: {  	s12 =	sadd.s32 $0x20, s9;
	p2 =	por !p2, p1;
	s10 =	sshrl.u32 @!p1 s11, $0x2  }
0x13: {  	s7 =	sadd.s32 $0x1, s7;
	s10 =	simm.s32 @!p2 $0x0;
	p2 =	sgt.s32 s12, $0x18FF  }
0x14: {  	s12 =	smov.u32 @p2 s5;
	p2 =	sne.s32 s7, $0xCA  }
.Ltmp1:
0x15: {  	_ = 	snop;
	(pc) =	sbr.rel @!p2 .LBB1_6-.Ltmp1, $4  }
0x16: {  	s11 =	simm.s32 @!p1 $0x2  }
0x17: {  	p0 =	por !p0, !p0;
	_ =	swait.ge @!p1 [sflag:s11], s10  }
0x18: {  	s13 =	ssub.s32 @!p1 $0x0, s10;
	s10 =	smov.u32 s8;
	[sflag:s11] =	ssyncset.done @!p1 $0x0  }
0x19: {  	s8 =	smov.u32 s9;
	s9 =	smov.u32 s12;
	[sflag:s11] =	ssyncadd.s32 @!p1 s13  }
.LBB1_1:
0x1a: {  	p1 =	sgt.u32 s7, $0xC7  }
0x1b: {  	s11 =	sxor.u32 @!p1 $0xFFFFFFFF, s7  }
0x1c: {  	s12 =	sshll.u32 @!p1 s9, $0xB;
	s11 =	sshll.u32 @!p1 s11, $0xE  }
0x1d: {  	s13 =	simm.s32 @!p1 $0x0;
	s12 =	sadd.s32 @!p1 s3, s12;
	s11 =	sand.u32 @!p1 $0x4000, s11  }
0x1e: {  	[tilespmem:s11], [sflag:$0x1] =	stream.linear.gather @!p1 [hbm4b:s12+s13], $0x4000, $0x38;
	[tilespmem:$0x10100] =	vst v63  }
0x1f: {  	p1 =	seq.s32 s7, $0x0  }
0x20: {  	p2 =	seq.s32 @!p1 s7, $0xC9  }
0x21: {  	p1 =	por p1, p2  }
.Ltmp2:
0x22: {  	_ = 	snop;
	(pc) =	sbr.rel @p1 .LBB1_5-.Ltmp2, $1  }
0x23: {  	_ =	sdelay $0x3  }
0x24: {  	s11 =	simm.s32 $0x1  }
0x25: {  	_ =	swait.ge [sflag:s4], $0x4000;
	s11 =	simm.s32 @!p0 $0x0  }
0x26: {  	[sflag:s4] =	ssyncset.done $0x0;
	s12 =	sshll.u32 s11, $0xE  }
0x27: {  	[sflag:s4] =	ssyncadd.s32 $0xFFFFC000;
	s13 =	sor.u32 $0x40, s12  }
0x28: {  	s11 =	smul.u32 $0x10200, s11;
	v0 =	vld [tilespmem:s13+$0x30]  }
0x29: {  	v3 =	vld [tilespmem:s13+$0xFFFFFFD0]  }
0x2a: {  	s11 =	sshrl.u32 s11, $0x2;
	v4 =	vld [tilespmem:s13+$0xFFFFFFE0]  }
0x2b: {  	v5 =	vld [tilespmem:s13+$0xFFFFFFF0];
	s12 =	sor.u32 $0x8000, s11  }
0x2c: {  	s31 =	sand.u32 $0x1, s7;
	v1 =	vld [tilespmem:s13+$0x0];
	s14 =	sadd.s32 $0x0, s12  }
0x2d: {  	v2 =	vld [tilespmem:s13+$0x10];
	s11 =	smul.u32 $0x10200, s31;
	[tilespmem:s14+$0x3870 ss:$0x81] =	vst.msk $0xffff, v0  }
0x2e: {  	[tilespmem:s14+$0x810 ss:$0x81] =	vst.msk $0xffff, v3;
	v3 =	vld [tilespmem:s13+$0x20]  }
0x2f: {  	s11 =	sshrl.u32 s11, $0x2;
	v0 =	vld [tilespmem:s13+$0xFFFFFFC0];
	[tilespmem:s14+$0x1020 ss:$0x81] =	vst.msk $0xffff, v4;
	s13 =	sadd.s32 $0x80, s13  }
0x30: {  	s15 =	simm.s32 $0x4;
	s16 =	simm.s32 $0x8;
	s11 =	sor.u32 $0x8000, s11;
	[tilespmem:s14+$0x1830 ss:$0x81] =	vst.msk $0xffff, v5;
	v4 =	vld [tilespmem:s13+$0x30]  }
.LBB1_3:
0x31: {  	p1 =	sne.s32 s16, $0x1FC;
	v5 =	vld [tilespmem:s13+$0xFFFFFFD0];
	[tilespmem:s14+$0x2040 ss:$0x81] =	vst.msk $0xffff, v1  }
0x32: {  	v6 =	vld [tilespmem:s13+$0xFFFFFFE0];
	[tilespmem:s14+$0x2850 ss:$0x81] =	vst.msk $0xffff, v2  }
0x33: {  	s17 =	sshra.s32 s15, $0x2;
	s15 =	smov.u32 s16;
	v7 =	vld [tilespmem:s13+$0xFFFFFFF0];
	[tilespmem:s14+$0x3060 ss:$0x81] =	vst.msk $0xffff, v3  }
.Ltmp3:
0x34: {  	v1 =	vld [tilespmem:s13+$0x0];
	[tilespmem:s14+$0x0 ss:$0x81] =	vst.msk $0xffff, v0;
	s14 =	sadd.s32 s17, s12;
	(pc) =	sbr.rel @p1 .LBB1_3-.Ltmp3, $4  }
0x35: {  	v2 =	vld [tilespmem:s13+$0x10];
	[tilespmem:s14+$0x3870 ss:$0x81] =	vst.msk $0xffff, v4  }
0x36: {  	[tilespmem:s14+$0x810 ss:$0x81] =	vst.msk $0xffff, v5;
	v3 =	vld [tilespmem:s13+$0x20]  }
0x37: {  	v0 =	vld [tilespmem:s13+$0xFFFFFFC0];
	[tilespmem:s14+$0x1020 ss:$0x81] =	vst.msk $0xffff, v6;
	s13 =	sadd.s32 $0x80, s13  }
0x38: {  	s16 =	sadd.s32 $0x4, s16;
	v4 =	vld [tilespmem:s13+$0x30];
	[tilespmem:s14+$0x1830 ss:$0x81] =	vst.msk $0xffff, v7  }
0x39: {  	v5 =	vld [tilespmem:s13+$0xFFFFFFD0];
	[tilespmem:s14+$0x2040 ss:$0x81] =	vst.msk $0xffff, v1  }
0x3a: {  	v58 =	vld [tilespmem:s13+$0xFFFFFFE0];
	[tilespmem:s14+$0x2850 ss:$0x81] =	vst.msk $0xffff, v2  }
0x3b: {  	s15 =	sshra.s32 s15, $0x2;
	v59 =	vld [tilespmem:s13+$0xFFFFFFF0];
	p1 =	sgt.s32 s8, $0x18FF;
	[tilespmem:s14+$0x3060 ss:$0x81] =	vst.msk $0xffff, v3  }
0x3c: {  	v60 =	vld [tilespmem:s13+$0x0];
	s28 =	sshra.s32 s8, $0x1F;
	s12 =	sadd.s32 s15, s12;
	[tilespmem:s14+$0x0 ss:$0x81] =	vst.msk $0xffff, v0;
	s14 =	smov.u32 s8  }
0x3d: {  	v61 =	vld [tilespmem:s13+$0x10];
	s15 =	sand.u32 s28, s8;
	[tilespmem:s12+$0x3870 ss:$0x81] =	vst.msk $0xffff, v4;
	s14 =	simm.s32 @!p1 $0x18FF  }
0x3e: {  	v62 =	vld [tilespmem:s13+$0x20];
	[tilespmem:s12+$0x810 ss:$0x81] =	vst.msk $0xffff, v5;
	s29 =	ssub.s32 s14, s15  }
0x3f: {  	v63 =	vld [tilespmem:s13+$0xFFFFFFC0];
	[tilespmem:s12+$0x1020 ss:$0x81] =	vst.msk $0xffff, v58;
	s14 =	ssub.s32 $0x1900, s29  }
0x40: {  	[tilespmem:s12+$0x1830 ss:$0x81] =	vst.msk $0xffff, v59;
	s14 =	smul.u32 $0xC000, s14  }
.Ltmp4:
0x41: {  	[tilespmem:s12+$0x2040 ss:$0x81] =	vst.msk $0xffff, v60;
	(pc) =	sbr.rel .LBB1_5-.Ltmp4, $4  }
0x42: {  	s30 =	smul.u32 $0x600, s8;
	[tilespmem:s12+$0x2850 ss:$0x81] =	vst.msk $0xffff, v61;
	s13 =	sadd.s32 $0xFFFFE701, s29  }
0x43: {  	[tilespmem:s12+$0x3060 ss:$0x81] =	vst.msk $0xffff, v62;
	p1 =	sgt.s32 s13, $0x0;
	s13 =	sshrl.u32 s14, $0x2  }
0x44: {  	s31 =	sadd.s32 s2, s30;
	[tilespmem:s12+$0x0 ss:$0x81] =	vst.msk $0xffff, v63;
	s13 =	simm.s32 @p1 $0x0  }
0x45: {  	[hbm4b:s31+s6] =	stream.linear.scatter [tilespmem:s11], [sflag:$0x2], s13, $0x20;
	[tilespmem:$0x10100] =	vst v63  }
.LBB1_6:
0x46: {  	_ =	sfence.sel $0x180000  }
0x47: {  	s2 =	simm.s32 $0x1;
	[bflag:$0x0] =	sbarrier.arrive $0xFFFF  }
0x48: {  	s31 =	simm.s32 $0x2;
	[sflag:s2] =	ssyncpa.u1 $0x1  }
0x49: {  	[sflag:s31] =	ssyncpa.u1 $0x1  }
0x4a: {  	p0 =	sne.s32 s1, $0x0;
	_ =	strace $0x9000004A  }
0x4b: {  	s0 =	sadd.s32 @!p0 $0x100000, s0;
	[bflag:$0x2] =	sbarrier.arrive $0xFFFF  }
0x4c: {  	[sflag:s0] =	ssyncadd.tile.s32 @!p0 $0x1;
	_ =	shalt  }
.Lfunc_end1:
_tile_overlayer_lowered:
.L_overlay_start_2:
0x4d: {  	(tag) =	ssettag $0x2  }
0x4e: {  	s0 =	rddreg [dreg:$0x0];
	s2 =	stileid.u32  }
0x4f: {  	s1 =	rddreg [dreg:$0x1];
	p0 =	sne.s32 s2, $0x0  }
0x50: {  	s3 =	rddreg [dreg:$0x2];
	[bflag:$0x3] =	sbarrier.arrive $0xFFFF;
	s2 =	simm.s32 @!p0 $0x1C01  }
0x51: {  	[timem:s3], [sflag:s2] =	dma.local @!p0 [hbm:s0], s1  }
0x52: {  	s0 =	simm.s32 @!p0 $0x1  }
0x53: {  	_ =	swait.ge @!p0 [sflag:s0], s1  }
0x54: {  	s1 =	ssub.s32 @!p0 $0x0, s1;
	[sflag:s0] =	ssyncset.done @!p0 $0x0  }
0x55: {  	[sflag:s0] =	ssyncadd.s32 @!p0 s1  }
0x56: {  	[bflag:$0x3] =	sbarrier.arrive $0xFFFF  }
0x57: {  	_ =	shalt  }

</sc_bundles>
